<compile_context>
chip_gen: v7x
topology: tpu7x:2x2x1
jax: 0.10.2.dev20260603
libtpu: 0.0.44.dev20260713+nightly
codegen_flags: <defaults>
</compile_context>

<pallas_src>
import functools

import jax
import jax.numpy as jnp
from jax import lax
from jax.experimental import pallas as pl
from jax.experimental.pallas import tpu as pltpu
from jax.experimental.pallas import tpu_sc as plsc

L = 16
NC = 2
NS = 16
NW = NC * NS
NG = 4
GPC = NG // NC
TPG = NS // GPC
EMBED = 8
RSQRT_MAGIC = 0x5F3759DF


def _sc_mega_fn(e, n):
    ept_d = e // NS
    ept_m = e // TPG
    half = ept_d // 2
    full = half // L * L
    rem = half - full
    buflen = -(-half // L) * L
    n_pad = -(-n // 2048) * 2048
    npt = n_pad // NS
    mesh = plsc.VectorSubcoreMesh(core_axis_name="c", subcore_axis_name="s")

    @functools.partial(
        pl.kernel,
        mesh=mesh,
        out_type=(
            jax.ShapeDtypeStruct((NW, n), jnp.float32),
            jax.ShapeDtypeStruct((NC, n_pad), jnp.float32),
        ),
        scratch_types=[
            pltpu.VMEM((buflen,), jnp.int32),
            pltpu.VMEM((buflen,), jnp.int32),
            pltpu.VMEM((buflen,), jnp.float32),
            pltpu.VMEM((buflen,), jnp.int32),
            pltpu.VMEM((buflen,), jnp.int32),
            pltpu.VMEM((buflen,), jnp.float32),
            pltpu.VMEM((n_pad,), jnp.float32),
            pltpu.VMEM((2 * npt,), jnp.float32),
            pltpu.VMEM((n,), jnp.float32),
            pltpu.VMEM((n,), jnp.float32),
            pltpu.VMEM_SHARED((NC, NS, n_pad), jnp.float32),
            pltpu.VMEM_SHARED((NC, n_pad), jnp.float32),
            pltpu.SemaphoreType.DMA,
            pltpu.SemaphoreType.DMA,
            pltpu.SemaphoreType.DMA,
        ],
        compiler_params=pltpu.CompilerParams(needs_layout_passes=False),
    )
    def k(src_hbm, dst_hbm, w_hbm, hs_hbm, out_hbm, dinv_hbm,
          src_a, dst_a, w_a, src_b, dst_b, w_b, dd, sl, hs_v, acc,
          shp, shd, sem_a, sem_b, sem_h):
        cid = lax.axis_index("c")
        sid = lax.axis_index("s")
        tid = cid * NS + sid
        gene = cid * GPC + sid // TPG
        base_d = sid * ept_d
        base_m = (sid % TPG) * ept_m

        def fire_deg(d_, w_, sem, r):
            return (
                pltpu.async_copy(
                    dst_hbm.at[pl.ds(base_d + r * half, half)],
                    d_.at[pl.ds(0, half)], sem),
                pltpu.async_copy(
                    w_hbm.at[pl.ds(base_d + r * half, half)],
                    w_.at[pl.ds(0, half)], sem),
            )

        def fire_msg(s_, d_, w_, sem, r):
            return (
                pltpu.async_copy(
                    src_hbm.at[pl.ds(base_m + r * half, half)],
                    s_.at[pl.ds(0, half)], sem),
                pltpu.async_copy(
                    dst_hbm.at[pl.ds(base_m + r * half, half)],
                    d_.at[pl.ds(0, half)], sem),
                pltpu.async_copy(
                    w_hbm.at[pl.ds(base_m + r * half, half)],
                    w_.at[pl.ds(0, half)], sem),
            )

        cps_a = fire_deg(dst_a, w_a, sem_a, 0)
        cps_b = fire_deg(dst_b, w_b, sem_b, 1)
        cp_h = pltpu.async_copy(hs_hbm.at[gene], hs_v, sem_h)

        @plsc.parallel_loop(0, n_pad, L, unroll=8)
        def _(i):
            dd[pl.ds(i, L)] = jnp.zeros((L,), jnp.float32)

        @plsc.parallel_loop(0, n, L, unroll=8)
        def _(i):
            acc[pl.ds(i, L)] = jnp.zeros((L,), jnp.float32)

        def deg_round(d_, w_):
            @plsc.parallel_loop(0, full, L, unroll=4)
            def _(i):
                d = d_[pl.ds(i, L)]
                wv = w_[pl.ds(i, L)]
                plsc.addupdate_scatter(dd, [d], wv)

            if rem:
                m = lax.iota(jnp.int32, L) < rem
                d = jnp.where(m, d_[pl.ds(full, L)], 0)
                wv = jnp.where(m, w_[pl.ds(full, L)], 0.0)
                plsc.addupdate_scatter(dd, [d], wv)

        for cp in cps_a:
            cp.wait()
        deg_round(dst_a, w_a)
        cps_a = fire_msg(src_a, dst_a, w_a, sem_a, 0)
        for cp in cps_b:
            cp.wait()
        deg_round(dst_b, w_b)
        cps_b = fire_msg(src_b, dst_b, w_b, sem_b, 1)

        pltpu.sync_copy(dd, shp.at[cid, sid])
        plsc.subcore_barrier()
        pltpu.sync_copy(shp.at[cid, 0, pl.ds(sid * npt, npt)],
                        sl.at[pl.ds(0, npt)])
        for t in range(1, NS):
            pltpu.sync_copy(shp.at[cid, t, pl.ds(sid * npt, npt)],
                            sl.at[pl.ds(npt, npt)])

            @plsc.parallel_loop(0, npt, L)
            def _(i):
                sl[pl.ds(i, L)] = sl[pl.ds(i, L)] + sl[pl.ds(npt + i, L)]

        @plsc.parallel_loop(0, npt, L, unroll=2)
        def _(i):
            deg = sl[pl.ds(i, L)] + 1.0
            ii = jnp.int32(RSQRT_MAGIC) - lax.shift_right_logical(
                plsc.bitcast(deg, jnp.int32), 1)
            y = plsc.bitcast(ii, jnp.float32)
            for _ in range(3):
                y = y * (1.5 - 0.5 * deg * y * y)
            sl[pl.ds(i, L)] = jnp.where(deg > 0, y, 0.0)

        pltpu.sync_copy(sl.at[pl.ds(0, npt)], shd.at[cid, pl.ds(sid * npt, npt)])
        plsc.subcore_barrier()
        pltpu.sync_copy(shd.at[cid], dd)

        @pl.when(sid == 0)
        def _():
            pltpu.sync_copy(dd, dinv_hbm.at[cid])

        cp_h.wait()

        @plsc.parallel_loop(0, n, L, unroll=4)
        def _(i):
            hs_v[pl.ds(i, L)] = hs_v[pl.ds(i, L)] * dd[pl.ds(i, L)]

        def msg_round(s_, d_, w_):
            @plsc.parallel_loop(0, full, L, unroll=2)
            def _(i):
                s = s_[pl.ds(i, L)]
                d = d_[pl.ds(i, L)]
                wv = w_[pl.ds(i, L)]
                zs = plsc.load_gather(hs_v, [s])
                di_d = plsc.load_gather(dd, [d])
                plsc.addupdate_scatter(acc, [d], wv * zs * di_d)

            if rem:
                m = lax.iota(jnp.int32, L) < rem
                s = jnp.where(m, s_[pl.ds(full, L)], 0)
                d = jnp.where(m, d_[pl.ds(full, L)], 0)
                wv = jnp.where(m, w_[pl.ds(full, L)], 0.0)
                zs = plsc.load_gather(hs_v, [s])
                di_d = plsc.load_gather(dd, [d])
                plsc.addupdate_scatter(acc, [d], wv * zs * di_d)

        rounds = ept_m // half
        for r in range(rounds):
            if r % 2 == 0:
                for cp in cps_a:
                    cp.wait()
                msg_round(src_a, dst_a, w_a)
                if r + 2 < rounds:
                    cps_a = fire_msg(src_a, dst_a, w_a, sem_a, r + 2)
            else:
                for cp in cps_b:
                    cp.wait()
                msg_round(src_b, dst_b, w_b)
                if r + 2 < rounds:
                    cps_b = fire_msg(src_b, dst_b, w_b, sem_b, r + 2)

        pltpu.sync_copy(acc, out_hbm.at[tid])

    return k


def _hs_tc(x, wc_ext):
    n = x.shape[0]

    def body(x_ref, wc_ref, hs_ref):
        hs_ref[...] = lax.dot_general(
            wc_ref[...], x_ref[...], (((1,), (1,)), ((), ())),
            preferred_element_type=jnp.float32)

    return pl.pallas_call(
        body,
        out_shape=jax.ShapeDtypeStruct((NG + 1, n), jnp.float32),
    )(x, wc_ext)


def _epilogue_tc(outp, hs2, dinvp, b0):
    n = outp.shape[2]

    def body(outp_ref, hs2_ref, dinvp_ref, b0_ref, o_ref):
        p = jnp.sum(outp_ref[...], axis=1)
        hs = hs2_ref[0:NG, :]
        x0 = hs2_ref[NG:NG + 1, :]
        di = dinvp_ref[0:1, 0:n]
        o_ref[...] = p + di * di * hs + b0_ref[...] - x0

    return pl.pallas_call(
        body,
        out_shape=jax.ShapeDtypeStruct((NG, n), jnp.float32),
    )(outp, hs2, dinvp, b0)


def kernel(x, edge_index, edge_attr, batch, W, b):
    n = x.shape[0]
    e = edge_attr.shape[0]
    src = edge_index[0].astype(jnp.int32)
    dst = edge_index[1].astype(jnp.int32)
    w = edge_attr.astype(jnp.float32)

    if e % 256:
        pad = 256 - e % 256
        src = jnp.concatenate([src, jnp.zeros((pad,), jnp.int32)])
        dst = jnp.concatenate([dst, jnp.zeros((pad,), jnp.int32)])
        w = jnp.concatenate([w, jnp.zeros((pad,), jnp.float32)])
        e += pad

    e0 = jnp.zeros((1, x.shape[1]), jnp.float32).at[0, 0].set(1.0)
    wc_ext = jnp.concatenate([W[:, :, 0], e0], axis=0)
    b0 = b[:, 0].reshape(NG, 1)

    hs2 = _hs_tc(x, wc_ext)
    outp, dinvp = _sc_mega_fn(e, n)(src, dst, w, hs2)
    v = _epilogue_tc(outp.reshape(NG, TPG, n), hs2, dinvp, b0)
    return v.reshape(NG, n // EMBED, EMBED)

# --- scband reference (transcript-rebuilt; emitter-appended) ---
"""Pipeline reference for scband-gnn-node-specific-395136991892 (READ-ONLY COPY).

The authoritative reference and input builder live on the scoring server;
editing this copy changes nothing except your own understanding.
"""

import jax, jax.numpy as jnp
import numpy as np

N_NODES = 10000
N_EDGES = 160000
D_FEAT = 256
HIDDEN = 256
N_GENES = 4
EMBED = 8


def setup_inputs(seed: int = 0) -> dict:
    key = jax.random.key(seed)
    k1, k2, k3, k4, k5 = jax.random.split(key, 5)
    x = jax.random.normal(k1, (N_NODES, D_FEAT), dtype=jnp.float32)
    edge_index = jax.random.randint(k2, (2, N_EDGES), 0, N_NODES, dtype=jnp.int64)
    edge_attr = jax.random.uniform(k3, (N_EDGES,), dtype=jnp.float32)
    batch = jnp.zeros((N_NODES,), dtype=jnp.int64)
    # per-gene GCNConv params (GNN_2.conv1): weight [F, H], bias [H]
    W = jax.random.normal(k4, (N_GENES, D_FEAT, HIDDEN), dtype=jnp.float32) * (1.0 / np.sqrt(D_FEAT))
    b = jax.random.normal(k5, (N_GENES, HIDDEN), dtype=jnp.float32) * 0.01
    return {"x": x, "edge_index": edge_index, "edge_attr": edge_attr, "batch": batch, "W": W, "b": b}


def _gcn_conv(x, src, dst, w, Wg, bg, n):
    # GCNConv with self-loops and symmetric normalization, edge_weight = w
    h = x @ Wg
    deg = jnp.zeros((n,), dtype=x.dtype).at[dst].add(w)
    dinv = jnp.where(deg > 0, 1.0 / jnp.sqrt(deg), 0.0)
    norm = dinv[src] * w * dinv[dst]
    out = jnp.zeros((n, Wg.shape[1]), dtype=x.dtype).at[dst].add(norm[:, None] * h[src])
    return out + bg


def reference(x, edge_index, edge_attr, batch, W, b):
    n = x.shape[0]
    loops = jnp.arange(n, dtype=edge_index.dtype)
    src = jnp.concatenate([edge_index[0], loops])
    dst = jnp.concatenate([edge_index[1], loops])
    w = jnp.concatenate([edge_attr, jnp.ones((n,), dtype=edge_attr.dtype)])
    outs = []
    for g in range(W.shape[0]):
        conv_out = _gcn_conv(x, src, dst, w, W[g], b[g], n)
        v = conv_out[:, 0] - x[:, 0]  # out[:, 0] - x[:, 0]
        # torch.split(flatten, num_genes * embed_size) then stack -> [n/EMBED, EMBED]
        outs.append(v.reshape(-1, EMBED))
    # encode=False: forward returns the list of per-gene outputs; stack for a single array
    return jnp.stack(outs)

if __name__ == "__main__":
    import jax
    _d = setup_inputs()
    print(jax.jit(kernel)(*tuple(_d.values())))

</pallas_src>

<mosaic_0001>
#map = affine_map<(d0, d1) -> (0)>
#map1 = affine_map<(d0, d1) -> (0, 0)>
module attributes {stable_mosaic.version = 14 : i64} {
  func.func @k(%arg0: i32, %arg1: i32, %arg2: memref<160000xi32, #tpu.memory_space<hbm>>, %arg3: memref<160000xi32, #tpu.memory_space<hbm>>, %arg4: memref<160000xf32, #tpu.memory_space<hbm>>, %arg5: memref<5x10000xf32, #tpu.memory_space<hbm>>, %arg6: memref<32x10000xf32, #tpu.memory_space<hbm>>, %arg7: memref<2x10240xf32, #tpu.memory_space<hbm>>, %arg8: memref<5008xi32, #tpu.memory_space<vmem>>, %arg9: memref<5008xi32, #tpu.memory_space<vmem>>, %arg10: memref<5008xf32, #tpu.memory_space<vmem>>, %arg11: memref<5008xi32, #tpu.memory_space<vmem>>, %arg12: memref<5008xi32, #tpu.memory_space<vmem>>, %arg13: memref<5008xf32, #tpu.memory_space<vmem>>, %arg14: memref<10240xf32, #tpu.memory_space<vmem>>, %arg15: memref<1280xf32, #tpu.memory_space<vmem>>, %arg16: memref<10000xf32, #tpu.memory_space<vmem>>, %arg17: memref<10000xf32, #tpu.memory_space<vmem>>, %arg18: memref<2x16x10240xf32, #tpu.memory_space<vmem_shared>>, %arg19: memref<2x10240xf32, #tpu.memory_space<vmem_shared>>, %arg20: memref<!tpu.dma_semaphore, #tpu.memory_space<semaphore_mem>>, %arg21: memref<!tpu.dma_semaphore, #tpu.memory_space<semaphore_mem>>, %arg22: memref<!tpu.dma_semaphore, #tpu.memory_space<semaphore_mem>>) attributes {dimension_semantics = [#tpu.dimension_semantics<core_parallel>, #tpu.dimension_semantics<subcore_parallel>], iteration_bounds = array<i64: 2, 16>, scalar_prefetch = 0 : i64, scratch_operands = 15 : i64, tpu.core_type = #tpu.core_type<sc_vector_subcore>, window_params = [{transform_indices = #map}, {transform_indices = #map}, {transform_indices = #map}, {transform_indices = #map1}, {transform_indices = #map1}, {transform_indices = #map1}]} {
    %mul3A = arith.constant 16 : i32
    %mul3A_0 = arith.muli %arg0, %mul3A : i32
    %add3A = arith.addi %mul3A_0, %arg1 : i32
    %mul3A_1 = arith.constant 2 : i32
    %mul3A_2 = arith.muli %arg0, %mul3A_1 : i32
    %jit3A = arith.constant 8 : i32
    %div3A = arith.divsi %arg1, %jit3A : i32
    %sign3A = arith.constant 0 : i32
    %sign3A_3 = arith.cmpi sgt, %arg1, %sign3A : i32
    %sign3A_4 = arith.extui %sign3A_3 : i1 to i32
    %sign3A_5 = arith.constant 0 : i32
    %sign3A_6 = arith.cmpi slt, %arg1, %sign3A_5 : i32
    %sign3A_7 = arith.extui %sign3A_6 : i1 to i32
    %sign3A_8 = arith.subi %sign3A_4, %sign3A_7 : i32
    %sign3A_9 = arith.constant 0 : i32
    %sign3A_10 = arith.cmpi sgt, %jit3A, %sign3A_9 : i32
    %sign3A_11 = arith.extui %sign3A_10 : i1 to i32
    %sign3A_12 = arith.constant 0 : i32
    %sign3A_13 = arith.cmpi slt, %jit3A, %sign3A_12 : i32
    %sign3A_14 = arith.extui %sign3A_13 : i1 to i32
    %sign3A_15 = arith.subi %sign3A_11, %sign3A_14 : i32
    %ne3A = arith.cmpi ne, %sign3A_8, %sign3A_15 : i32
    %rem3A = arith.remsi %arg1, %jit3A : i32
    %ne3A_16 = arith.constant 0 : i32
    %ne3A_17 = arith.cmpi ne, %rem3A, %ne3A_16 : i32
    %and3A = arith.andi %ne3A, %ne3A_17 : i1
    %sub3A = arith.constant 1 : i32
    %sub3A_18 = arith.subi %div3A, %sub3A : i32
    %select_n3A = arith.select %and3A, %sub3A_18, %div3A : i32
    %add3A_19 = arith.addi %mul3A_2, %select_n3A : i32
    %mul3A_20 = arith.constant 10000 : i32
    %mul3A_21 = arith.muli %arg1, %mul3A_20 : i32
    %jit3A_22 = arith.constant 8 : i32
    %eq3A = arith.constant 0 : i32
    %eq3A_23 = arith.cmpi eq, %jit3A_22, %eq3A : i32
    %jit3A_24 = arith.constant 1 : i32
    %select_n3A_25 = arith.select %eq3A_23, %jit3A_24, %jit3A_22 : i32
    %rem3A_26 = arith.remsi %arg1, %select_n3A_25 : i32
    %ne3A_27 = arith.constant 0 : i32
    %ne3A_28 = arith.cmpi ne, %rem3A_26, %ne3A_27 : i32
    %lt3A = arith.constant 0 : i32
    %lt3A_29 = arith.cmpi slt, %rem3A_26, %lt3A : i32
    %lt3A_30 = arith.constant 0 : i32
    %lt3A_31 = arith.cmpi slt, %select_n3A_25, %lt3A_30 : i32
    %ne3A_32 = arith.xori %lt3A_29, %lt3A_31 : i1
    %and3A_33 = arith.andi %ne3A_32, %ne3A_28 : i1
    %add3A_34 = arith.addi %rem3A_26, %select_n3A_25 : i32
    %select_n3A_35 = arith.select %and3A_33, %add3A_34, %rem3A_26 : i32
    %mul3A_36 = arith.constant 20000 : i32
    %mul3A_37 = arith.muli %select_n3A_35, %mul3A_36 : i32
    %add3A_38 = arith.constant 0 : i32
    %add3A_39 = arith.addi %mul3A_21, %add3A_38 : i32
    %dma_start3A = arith.constant 0 : i32
    %dma_start3A_40 = tpu.memref_slice %arg9[%dma_start3A] : memref<5008xi32, #tpu.memory_space<vmem>> -> memref<5000xi32, #tpu.memory_space<vmem>>
    %dma_start3A_41 = tpu.memref_slice %arg3[%add3A_39] : memref<160000xi32, #tpu.memory_space<hbm>> -> memref<5000xi32, #tpu.memory_space<hbm>>
    %dma_start3A_42 = arith.constant 0 : i32
    %dma_start3A_43 = tpu.memref_slice %arg9[%dma_start3A_42] : memref<5008xi32, #tpu.memory_space<vmem>> -> memref<5000xi32, #tpu.memory_space<vmem>>
    %dma_start3A_44 = tpu.memref_slice %arg3[%add3A_39] : memref<160000xi32, #tpu.memory_space<hbm>> -> memref<5000xi32, #tpu.memory_space<hbm>>
    tpu.enqueue_dma source(%dma_start3A_44 : memref<5000xi32, #tpu.memory_space<hbm>>) target(%dma_start3A_43 : memref<5000xi32, #tpu.memory_space<vmem>>) target_semaphore(%arg20 : memref<!tpu.dma_semaphore, #tpu.memory_space<semaphore_mem>>)
    %add3A_45 = arith.constant 0 : i32
    %add3A_46 = arith.addi %mul3A_21, %add3A_45 : i32
    %dma_start3A_47 = arith.constant 0 : i32
    %dma_start3A_48 = tpu.memref_slice %arg10[%dma_start3A_47] : memref<5008xf32, #tpu.memory_space<vmem>> -> memref<5000xf32, #tpu.memory_space<vmem>>
    %dma_start3A_49 = tpu.memref_slice %arg4[%add3A_46] : memref<160000xf32, #tpu.memory_space<hbm>> -> memref<5000xf32, #tpu.memory_space<hbm>>
    %dma_start3A_50 = arith.constant 0 : i32
    %dma_start3A_51 = tpu.memref_slice %arg10[%dma_start3A_50] : memref<5008xf32, #tpu.memory_space<vmem>> -> memref<5000xf32, #tpu.memory_space<vmem>>
    %dma_start3A_52 = tpu.memref_slice %arg4[%add3A_46] : memref<160000xf32, #tpu.memory_space<hbm>> -> memref<5000xf32, #tpu.memory_space<hbm>>
    tpu.enqueue_dma source(%dma_start3A_52 : memref<5000xf32, #tpu.memory_space<hbm>>) target(%dma_start3A_51 : memref<5000xf32, #tpu.memory_space<vmem>>) target_semaphore(%arg20 : memref<!tpu.dma_semaphore, #tpu.memory_space<semaphore_mem>>)
    %add3A_53 = arith.constant 5000 : i32
    %add3A_54 = arith.addi %mul3A_21, %add3A_53 : i32
    %dma_start3A_55 = arith.constant 0 : i32
    %dma_start3A_56 = tpu.memref_slice %arg12[%dma_start3A_55] : memref<5008xi32, #tpu.memory_space<vmem>> -> memref<5000xi32, #tpu.memory_space<vmem>>
    %dma_start3A_57 = tpu.memref_slice %arg3[%add3A_54] : memref<160000xi32, #tpu.memory_space<hbm>> -> memref<5000xi32, #tpu.memory_space<hbm>>
    %dma_start3A_58 = arith.constant 0 : i32
    %dma_start3A_59 = tpu.memref_slice %arg12[%dma_start3A_58] : memref<5008xi32, #tpu.memory_space<vmem>> -> memref<5000xi32, #tpu.memory_space<vmem>>
    %dma_start3A_60 = tpu.memref_slice %arg3[%add3A_54] : memref<160000xi32, #tpu.memory_space<hbm>> -> memref<5000xi32, #tpu.memory_space<hbm>>
    tpu.enqueue_dma source(%dma_start3A_60 : memref<5000xi32, #tpu.memory_space<hbm>>) target(%dma_start3A_59 : memref<5000xi32, #tpu.memory_space<vmem>>) target_semaphore(%arg21 : memref<!tpu.dma_semaphore, #tpu.memory_space<semaphore_mem>>)
    %add3A_61 = arith.constant 5000 : i32
    %add3A_62 = arith.addi %mul3A_21, %add3A_61 : i32
    %dma_start3A_63 = arith.constant 0 : i32
    %dma_start3A_64 = tpu.memref_slice %arg13[%dma_start3A_63] : memref<5008xf32, #tpu.memory_space<vmem>> -> memref<5000xf32, #tpu.memory_space<vmem>>
    %dma_start3A_65 = tpu.memref_slice %arg4[%add3A_62] : memref<160000xf32, #tpu.memory_space<hbm>> -> memref<5000xf32, #tpu.memory_space<hbm>>
    %dma_start3A_66 = arith.constant 0 : i32
    %dma_start3A_67 = tpu.memref_slice %arg13[%dma_start3A_66] : memref<5008xf32, #tpu.memory_space<vmem>> -> memref<5000xf32, #tpu.memory_space<vmem>>
    %dma_start3A_68 = tpu.memref_slice %arg4[%add3A_62] : memref<160000xf32, #tpu.memory_space<hbm>> -> memref<5000xf32, #tpu.memory_space<hbm>>
    tpu.enqueue_dma source(%dma_start3A_68 : memref<5000xf32, #tpu.memory_space<hbm>>) target(%dma_start3A_67 : memref<5000xf32, #tpu.memory_space<vmem>>) target_semaphore(%arg21 : memref<!tpu.dma_semaphore, #tpu.memory_space<semaphore_mem>>)
    %dma_start3A_69 = arith.constant 0 : i32
    %dma_start3A_70 = tpu.memref_slice %arg5[%add3A_19, %dma_start3A_69] : memref<5x10000xf32, #tpu.memory_space<hbm>> -> memref<1x10000xf32, #tpu.memory_space<hbm>>
    %dma_start3A_71 = tpu.memref_squeeze %dma_start3A_70 : memref<1x10000xf32, #tpu.memory_space<hbm>> -> memref<10000xf32, #tpu.memory_space<hbm>>
    %dma_start3A_72 = arith.constant 0 : i32
    %dma_start3A_73 = tpu.memref_slice %arg5[%add3A_19, %dma_start3A_72] : memref<5x10000xf32, #tpu.memory_space<hbm>> -> memref<1x10000xf32, #tpu.memory_space<hbm>>
    %dma_start3A_74 = tpu.memref_squeeze %dma_start3A_73 : memref<1x10000xf32, #tpu.memory_space<hbm>> -> memref<10000xf32, #tpu.memory_space<hbm>>
    tpu.enqueue_dma source(%dma_start3A_74 : memref<10000xf32, #tpu.memory_space<hbm>>) target(%arg16 : memref<10000xf32, #tpu.memory_space<vmem>>) target_semaphore(%arg22 : memref<!tpu.dma_semaphore, #tpu.memory_space<semaphore_mem>>)
    %parallel_loop3A = arith.constant 0 : i32
    %parallel_loop3A_75 = arith.constant 10240 : i32
    %parallel_loop3A_76 = arith.constant 16 : i32
    scf.for %parallel_loop3A_515 = %parallel_loop3A to %parallel_loop3A_75 step %parallel_loop3A_76  : i32 {
      %parallel_loop3A_516 = arith.constant 0.000000e+00 : f32
      %parallel_loop3A_517 = vector.broadcast %parallel_loop3A_516 : f32 to vector<16xf32>
      %parallel_loop3A_518 = arith.index_cast %parallel_loop3A_515 : i32 to index
      %parallel_loop3A_519 = tpu.vector_load %arg14[%parallel_loop3A_518] {strides = array<i32>} : memref<10240xf32, #tpu.memory_space<vmem>>, vector<16xf32>,
      tpu.vector_store %arg14[%parallel_loop3A_518], %parallel_loop3A_517 {strides = array<i32>} : memref<10240xf32, #tpu.memory_space<vmem>>, vector<16xf32>,
    } {sc.loop_unroll_factor = 8 : i64, sc.parallel_access}
    %parallel_loop3A_77 = arith.constant 0 : i32
    %parallel_loop3A_78 = arith.constant 10000 : i32
    %parallel_loop3A_79 = arith.constant 16 : i32
    scf.for %parallel_loop3A_515 = %parallel_loop3A_77 to %parallel_loop3A_78 step %parallel_loop3A_79  : i32 {
      %parallel_loop3A_516 = arith.constant 0.000000e+00 : f32
      %parallel_loop3A_517 = vector.broadcast %parallel_loop3A_516 : f32 to vector<16xf32>
      %parallel_loop3A_518 = arith.index_cast %parallel_loop3A_515 : i32 to index
      %parallel_loop3A_519 = tpu.vector_load %arg17[%parallel_loop3A_518] {strides = array<i32>} : memref<10000xf32, #tpu.memory_space<vmem>>, vector<16xf32>,
      tpu.vector_store %arg17[%parallel_loop3A_518], %parallel_loop3A_517 {strides = array<i32>} : memref<10000xf32, #tpu.memory_space<vmem>>, vector<16xf32>,
    } {sc.loop_unroll_factor = 8 : i64, sc.parallel_access}
    %dma_wait3A = arith.constant 0 : i32
    %dma_wait3A_80 = tpu.memref_slice %arg9[%dma_wait3A] : memref<5008xi32, #tpu.memory_space<vmem>> -> memref<5000xi32, #tpu.memory_space<vmem>>
    %dma_wait3A_81 = tpu.memref_slice %arg3[%add3A_39] : memref<160000xi32, #tpu.memory_space<hbm>> -> memref<5000xi32, #tpu.memory_space<hbm>>
    %dma_wait3A_82 = arith.constant 0 : i32
    %dma_wait3A_83 = tpu.memref_slice %arg9[%dma_wait3A_82] : memref<5008xi32, #tpu.memory_space<vmem>> -> memref<5000xi32, #tpu.memory_space<vmem>>
    %dma_wait3A_84 = tpu.memref_slice %arg3[%add3A_39] : memref<160000xi32, #tpu.memory_space<hbm>> -> memref<5000xi32, #tpu.memory_space<hbm>>
    tpu.wait_dma2 semaphore(%arg20 : memref<!tpu.dma_semaphore, #tpu.memory_space<semaphore_mem>>) src(%dma_wait3A_84 : memref<5000xi32, #tpu.memory_space<hbm>>) dst(%dma_wait3A_83 : memref<5000xi32, #tpu.memory_space<vmem>>)
    %dma_wait3A_85 = arith.constant 0 : i32
    %dma_wait3A_86 = tpu.memref_slice %arg10[%dma_wait3A_85] : memref<5008xf32, #tpu.memory_space<vmem>> -> memref<5000xf32, #tpu.memory_space<vmem>>
    %dma_wait3A_87 = tpu.memref_slice %arg4[%add3A_46] : memref<160000xf32, #tpu.memory_space<hbm>> -> memref<5000xf32, #tpu.memory_space<hbm>>
    %dma_wait3A_88 = arith.constant 0 : i32
    %dma_wait3A_89 = tpu.memref_slice %arg10[%dma_wait3A_88] : memref<5008xf32, #tpu.memory_space<vmem>> -> memref<5000xf32, #tpu.memory_space<vmem>>
    %dma_wait3A_90 = tpu.memref_slice %arg4[%add3A_46] : memref<160000xf32, #tpu.memory_space<hbm>> -> memref<5000xf32, #tpu.memory_space<hbm>>
    tpu.wait_dma2 semaphore(%arg20 : memref<!tpu.dma_semaphore, #tpu.memory_space<semaphore_mem>>) src(%dma_wait3A_90 : memref<5000xf32, #tpu.memory_space<hbm>>) dst(%dma_wait3A_89 : memref<5000xf32, #tpu.memory_space<vmem>>)
    %parallel_loop3A_91 = arith.constant 0 : i32
    %parallel_loop3A_92 = arith.constant 4992 : i32
    %parallel_loop3A_93 = arith.constant 16 : i32
    scf.for %parallel_loop3A_515 = %parallel_loop3A_91 to %parallel_loop3A_92 step %parallel_loop3A_93  : i32 {
      %parallel_loop3A_516 = arith.index_cast %parallel_loop3A_515 : i32 to index
      %parallel_loop3A_517 = tpu.vector_load %arg9[%parallel_loop3A_516] {strides = array<i32>} : memref<5008xi32, #tpu.memory_space<vmem>>, vector<16xi32>,
      %parallel_loop3A_518 = arith.index_cast %parallel_loop3A_515 : i32 to index
      %parallel_loop3A_519 = tpu.vector_load %arg10[%parallel_loop3A_518] {strides = array<i32>} : memref<5008xf32, #tpu.memory_space<vmem>>, vector<16xf32>,
      tpu.vector_store_idx %arg14[%parallel_loop3A_517], %parallel_loop3A_519 {add = true} : memref<10240xf32, #tpu.memory_space<vmem>>[vector<16xi32>], vector<16xf32>,
    } {sc.loop_unroll_factor = 4 : i64, sc.parallel_access}
    %iota3A = tpu.iota {dimensions = array<i32: 0>} : vector<16xi32>
    %lt3A_94 = arith.constant 8 : i32
    %lt3A_95 = vector.broadcast %lt3A_94 : i32 to vector<16xi32>
    %lt3A_96 = arith.cmpi slt, %iota3A, %lt3A_95 : vector<16xi32>
    %get3A = arith.constant 4992 : index
    %get3A_97 = tpu.vector_load %arg9[%get3A] {strides = array<i32>} : memref<5008xi32, #tpu.memory_space<vmem>>, vector<16xi32>,
    %jit3A_98 = arith.constant 0 : i32
    %broadcast_in_dim3A = vector.broadcast %jit3A_98 : i32 to vector<16xi32>
    %select_n3A_99 = arith.select %lt3A_96, %get3A_97, %broadcast_in_dim3A : vector<16xi1>, vector<16xi32>
    %get3A_100 = arith.constant 4992 : index
    %get3A_101 = tpu.vector_load %arg10[%get3A_100] {strides = array<i32>} : memref<5008xf32, #tpu.memory_space<vmem>>, vector<16xf32>,
    %jit3A_102 = arith.constant 0.000000e+00 : f32
    %broadcast_in_dim3A_103 = vector.broadcast %jit3A_102 : f32 to vector<16xf32>
    %select_n3A_104 = arith.select %lt3A_96, %get3A_101, %broadcast_in_dim3A_103 : vector<16xi1>, vector<16xf32>
    tpu.vector_store_idx %arg14[%select_n3A_99], %select_n3A_104 {add = true} : memref<10240xf32, #tpu.memory_space<vmem>>[vector<16xi32>], vector<16xf32>,
    %add3A_105 = arith.constant 0 : i32
    %add3A_106 = arith.addi %mul3A_37, %add3A_105 : i32
    %dma_start3A_107 = arith.constant 0 : i32
    %dma_start3A_108 = tpu.memref_slice %arg8[%dma_start3A_107] : memref<5008xi32, #tpu.memory_space<vmem>> -> memref<5000xi32, #tpu.memory_space<vmem>>
    %dma_start3A_109 = tpu.memref_slice %arg2[%add3A_106] : memref<160000xi32, #tpu.memory_space<hbm>> -> memref<5000xi32, #tpu.memory_space<hbm>>
    %dma_start3A_110 = arith.constant 0 : i32
    %dma_start3A_111 = tpu.memref_slice %arg8[%dma_start3A_110] : memref<5008xi32, #tpu.memory_space<vmem>> -> memref<5000xi32, #tpu.memory_space<vmem>>
    %dma_start3A_112 = tpu.memref_slice %arg2[%add3A_106] : memref<160000xi32, #tpu.memory_space<hbm>> -> memref<5000xi32, #tpu.memory_space<hbm>>
    tpu.enqueue_dma source(%dma_start3A_112 : memref<5000xi32, #tpu.memory_space<hbm>>) target(%dma_start3A_111 : memref<5000xi32, #tpu.memory_space<vmem>>) target_semaphore(%arg20 : memref<!tpu.dma_semaphore, #tpu.memory_space<semaphore_mem>>)
    %add3A_113 = arith.constant 0 : i32
    %add3A_114 = arith.addi %mul3A_37, %add3A_113 : i32
    %dma_start3A_115 = arith.constant 0 : i32
    %dma_start3A_116 = tpu.memref_slice %arg9[%dma_start3A_115] : memref<5008xi32, #tpu.memory_space<vmem>> -> memref<5000xi32, #tpu.memory_space<vmem>>
    %dma_start3A_117 = tpu.memref_slice %arg3[%add3A_114] : memref<160000xi32, #tpu.memory_space<hbm>> -> memref<5000xi32, #tpu.memory_space<hbm>>
    %dma_start3A_118 = arith.constant 0 : i32
    %dma_start3A_119 = tpu.memref_slice %arg9[%dma_start3A_118] : memref<5008xi32, #tpu.memory_space<vmem>> -> memref<5000xi32, #tpu.memory_space<vmem>>
    %dma_start3A_120 = tpu.memref_slice %arg3[%add3A_114] : memref<160000xi32, #tpu.memory_space<hbm>> -> memref<5000xi32, #tpu.memory_space<hbm>>
    tpu.enqueue_dma source(%dma_start3A_120 : memref<5000xi32, #tpu.memory_space<hbm>>) target(%dma_start3A_119 : memref<5000xi32, #tpu.memory_space<vmem>>) target_semaphore(%arg20 : memref<!tpu.dma_semaphore, #tpu.memory_space<semaphore_mem>>)
    %add3A_121 = arith.constant 0 : i32
    %add3A_122 = arith.addi %mul3A_37, %add3A_121 : i32
    %dma_start3A_123 = arith.constant 0 : i32
    %dma_start3A_124 = tpu.memref_slice %arg10[%dma_start3A_123] : memref<5008xf32, #tpu.memory_space<vmem>> -> memref<5000xf32, #tpu.memory_space<vmem>>
    %dma_start3A_125 = tpu.memref_slice %arg4[%add3A_122] : memref<160000xf32, #tpu.memory_space<hbm>> -> memref<5000xf32, #tpu.memory_space<hbm>>
    %dma_start3A_126 = arith.constant 0 : i32
    %dma_start3A_127 = tpu.memref_slice %arg10[%dma_start3A_126] : memref<5008xf32, #tpu.memory_space<vmem>> -> memref<5000xf32, #tpu.memory_space<vmem>>
    %dma_start3A_128 = tpu.memref_slice %arg4[%add3A_122] : memref<160000xf32, #tpu.memory_space<hbm>> -> memref<5000xf32, #tpu.memory_space<hbm>>
    tpu.enqueue_dma source(%dma_start3A_128 : memref<5000xf32, #tpu.memory_space<hbm>>) target(%dma_start3A_127 : memref<5000xf32, #tpu.memory_space<vmem>>) target_semaphore(%arg20 : memref<!tpu.dma_semaphore, #tpu.memory_space<semaphore_mem>>)
    %dma_wait3A_129 = arith.constant 0 : i32
    %dma_wait3A_130 = tpu.memref_slice %arg12[%dma_wait3A_129] : memref<5008xi32, #tpu.memory_space<vmem>> -> memref<5000xi32, #tpu.memory_space<vmem>>
    %dma_wait3A_131 = tpu.memref_slice %arg3[%add3A_54] : memref<160000xi32, #tpu.memory_space<hbm>> -> memref<5000xi32, #tpu.memory_space<hbm>>
    %dma_wait3A_132 = arith.constant 0 : i32
    %dma_wait3A_133 = tpu.memref_slice %arg12[%dma_wait3A_132] : memref<5008xi32, #tpu.memory_space<vmem>> -> memref<5000xi32, #tpu.memory_space<vmem>>
    %dma_wait3A_134 = tpu.memref_slice %arg3[%add3A_54] : memref<160000xi32, #tpu.memory_space<hbm>> -> memref<5000xi32, #tpu.memory_space<hbm>>
    tpu.wait_dma2 semaphore(%arg21 : memref<!tpu.dma_semaphore, #tpu.memory_space<semaphore_mem>>) src(%dma_wait3A_134 : memref<5000xi32, #tpu.memory_space<hbm>>) dst(%dma_wait3A_133 : memref<5000xi32, #tpu.memory_space<vmem>>)
    %dma_wait3A_135 = arith.constant 0 : i32
    %dma_wait3A_136 = tpu.memref_slice %arg13[%dma_wait3A_135] : memref<5008xf32, #tpu.memory_space<vmem>> -> memref<5000xf32, #tpu.memory_space<vmem>>
    %dma_wait3A_137 = tpu.memref_slice %arg4[%add3A_62] : memref<160000xf32, #tpu.memory_space<hbm>> -> memref<5000xf32, #tpu.memory_space<hbm>>
    %dma_wait3A_138 = arith.constant 0 : i32
    %dma_wait3A_139 = tpu.memref_slice %arg13[%dma_wait3A_138] : memref<5008xf32, #tpu.memory_space<vmem>> -> memref<5000xf32, #tpu.memory_space<vmem>>
    %dma_wait3A_140 = tpu.memref_slice %arg4[%add3A_62] : memref<160000xf32, #tpu.memory_space<hbm>> -> memref<5000xf32, #tpu.memory_space<hbm>>
    tpu.wait_dma2 semaphore(%arg21 : memref<!tpu.dma_semaphore, #tpu.memory_space<semaphore_mem>>) src(%dma_wait3A_140 : memref<5000xf32, #tpu.memory_space<hbm>>) dst(%dma_wait3A_139 : memref<5000xf32, #tpu.memory_space<vmem>>)
    %parallel_loop3A_141 = arith.constant 0 : i32
    %parallel_loop3A_142 = arith.constant 4992 : i32
    %parallel_loop3A_143 = arith.constant 16 : i32
    scf.for %parallel_loop3A_515 = %parallel_loop3A_141 to %parallel_loop3A_142 step %parallel_loop3A_143  : i32 {
      %parallel_loop3A_516 = arith.index_cast %parallel_loop3A_515 : i32 to index
      %parallel_loop3A_517 = tpu.vector_load %arg12[%parallel_loop3A_516] {strides = array<i32>} : memref<5008xi32, #tpu.memory_space<vmem>>, vector<16xi32>,
      %parallel_loop3A_518 = arith.index_cast %parallel_loop3A_515 : i32 to index
      %parallel_loop3A_519 = tpu.vector_load %arg13[%parallel_loop3A_518] {strides = array<i32>} : memref<5008xf32, #tpu.memory_space<vmem>>, vector<16xf32>,
      tpu.vector_store_idx %arg14[%parallel_loop3A_517], %parallel_loop3A_519 {add = true} : memref<10240xf32, #tpu.memory_space<vmem>>[vector<16xi32>], vector<16xf32>,
    } {sc.loop_unroll_factor = 4 : i64, sc.parallel_access}
    %iota3A_144 = tpu.iota {dimensions = array<i32: 0>} : vector<16xi32>
    %lt3A_145 = arith.constant 8 : i32
    %lt3A_146 = vector.broadcast %lt3A_145 : i32 to vector<16xi32>
    %lt3A_147 = arith.cmpi slt, %iota3A_144, %lt3A_146 : vector<16xi32>
    %get3A_148 = arith.constant 4992 : index
    %get3A_149 = tpu.vector_load %arg12[%get3A_148] {strides = array<i32>} : memref<5008xi32, #tpu.memory_space<vmem>>, vector<16xi32>,
    %jit3A_150 = arith.constant 0 : i32
    %broadcast_in_dim3A_151 = vector.broadcast %jit3A_150 : i32 to vector<16xi32>
    %select_n3A_152 = arith.select %lt3A_147, %get3A_149, %broadcast_in_dim3A_151 : vector<16xi1>, vector<16xi32>
    %get3A_153 = arith.constant 4992 : index
    %get3A_154 = tpu.vector_load %arg13[%get3A_153] {strides = array<i32>} : memref<5008xf32, #tpu.memory_space<vmem>>, vector<16xf32>,
    %jit3A_155 = arith.constant 0.000000e+00 : f32
    %broadcast_in_dim3A_156 = vector.broadcast %jit3A_155 : f32 to vector<16xf32>
    %select_n3A_157 = arith.select %lt3A_147, %get3A_154, %broadcast_in_dim3A_156 : vector<16xi1>, vector<16xf32>
    tpu.vector_store_idx %arg14[%select_n3A_152], %select_n3A_157 {add = true} : memref<10240xf32, #tpu.memory_space<vmem>>[vector<16xi32>], vector<16xf32>,
    %add3A_158 = arith.constant 5000 : i32
    %add3A_159 = arith.addi %mul3A_37, %add3A_158 : i32
    %dma_start3A_160 = arith.constant 0 : i32
    %dma_start3A_161 = tpu.memref_slice %arg11[%dma_start3A_160] : memref<5008xi32, #tpu.memory_space<vmem>> -> memref<5000xi32, #tpu.memory_space<vmem>>
    %dma_start3A_162 = tpu.memref_slice %arg2[%add3A_159] : memref<160000xi32, #tpu.memory_space<hbm>> -> memref<5000xi32, #tpu.memory_space<hbm>>
    %dma_start3A_163 = arith.constant 0 : i32
    %dma_start3A_164 = tpu.memref_slice %arg11[%dma_start3A_163] : memref<5008xi32, #tpu.memory_space<vmem>> -> memref<5000xi32, #tpu.memory_space<vmem>>
    %dma_start3A_165 = tpu.memref_slice %arg2[%add3A_159] : memref<160000xi32, #tpu.memory_space<hbm>> -> memref<5000xi32, #tpu.memory_space<hbm>>
    tpu.enqueue_dma source(%dma_start3A_165 : memref<5000xi32, #tpu.memory_space<hbm>>) target(%dma_start3A_164 : memref<5000xi32, #tpu.memory_space<vmem>>) target_semaphore(%arg21 : memref<!tpu.dma_semaphore, #tpu.memory_space<semaphore_mem>>)
    %add3A_166 = arith.constant 5000 : i32
    %add3A_167 = arith.addi %mul3A_37, %add3A_166 : i32
    %dma_start3A_168 = arith.constant 0 : i32
    %dma_start3A_169 = tpu.memref_slice %arg12[%dma_start3A_168] : memref<5008xi32, #tpu.memory_space<vmem>> -> memref<5000xi32, #tpu.memory_space<vmem>>
    %dma_start3A_170 = tpu.memref_slice %arg3[%add3A_167] : memref<160000xi32, #tpu.memory_space<hbm>> -> memref<5000xi32, #tpu.memory_space<hbm>>
    %dma_start3A_171 = arith.constant 0 : i32
    %dma_start3A_172 = tpu.memref_slice %arg12[%dma_start3A_171] : memref<5008xi32, #tpu.memory_space<vmem>> -> memref<5000xi32, #tpu.memory_space<vmem>>
    %dma_start3A_173 = tpu.memref_slice %arg3[%add3A_167] : memref<160000xi32, #tpu.memory_space<hbm>> -> memref<5000xi32, #tpu.memory_space<hbm>>
    tpu.enqueue_dma source(%dma_start3A_173 : memref<5000xi32, #tpu.memory_space<hbm>>) target(%dma_start3A_172 : memref<5000xi32, #tpu.memory_space<vmem>>) target_semaphore(%arg21 : memref<!tpu.dma_semaphore, #tpu.memory_space<semaphore_mem>>)
    %add3A_174 = arith.constant 5000 : i32
    %add3A_175 = arith.addi %mul3A_37, %add3A_174 : i32
    %dma_start3A_176 = arith.constant 0 : i32
    %dma_start3A_177 = tpu.memref_slice %arg13[%dma_start3A_176] : memref<5008xf32, #tpu.memory_space<vmem>> -> memref<5000xf32, #tpu.memory_space<vmem>>
    %dma_start3A_178 = tpu.memref_slice %arg4[%add3A_175] : memref<160000xf32, #tpu.memory_space<hbm>> -> memref<5000xf32, #tpu.memory_space<hbm>>
    %dma_start3A_179 = arith.constant 0 : i32
    %dma_start3A_180 = tpu.memref_slice %arg13[%dma_start3A_179] : memref<5008xf32, #tpu.memory_space<vmem>> -> memref<5000xf32, #tpu.memory_space<vmem>>
    %dma_start3A_181 = tpu.memref_slice %arg4[%add3A_175] : memref<160000xf32, #tpu.memory_space<hbm>> -> memref<5000xf32, #tpu.memory_space<hbm>>
    tpu.enqueue_dma source(%dma_start3A_181 : memref<5000xf32, #tpu.memory_space<hbm>>) target(%dma_start3A_180 : memref<5000xf32, #tpu.memory_space<vmem>>) target_semaphore(%arg21 : memref<!tpu.dma_semaphore, #tpu.memory_space<semaphore_mem>>)
    "tpu.region"() ({
      %run_scoped3A_515 = tpu.sem_alloc : memref<!tpu.dma_semaphore, #tpu.memory_space<semaphore_mem>>
      %dma_start3A_516 = arith.constant 0 : i32
      %dma_start3A_517 = tpu.memref_slice %arg18[%arg0, %arg1, %dma_start3A_516] : memref<2x16x10240xf32, #tpu.memory_space<vmem_shared>> -> memref<1x1x10240xf32, #tpu.memory_space<vmem_shared>>
      %dma_start3A_518 = tpu.memref_squeeze %dma_start3A_517 : memref<1x1x10240xf32, #tpu.memory_space<vmem_shared>> -> memref<10240xf32, #tpu.memory_space<vmem_shared>>
      %dma_start3A_519 = arith.constant 0 : i32
      %dma_start3A_520 = tpu.memref_slice %arg18[%arg0, %arg1, %dma_start3A_519] : memref<2x16x10240xf32, #tpu.memory_space<vmem_shared>> -> memref<1x1x10240xf32, #tpu.memory_space<vmem_shared>>
      %dma_start3A_521 = tpu.memref_squeeze %dma_start3A_520 : memref<1x1x10240xf32, #tpu.memory_space<vmem_shared>> -> memref<10240xf32, #tpu.memory_space<vmem_shared>>
      tpu.enqueue_dma source(%arg14 : memref<10240xf32, #tpu.memory_space<vmem>>) target(%dma_start3A_521 : memref<10240xf32, #tpu.memory_space<vmem_shared>>) target_semaphore(%run_scoped3A_515 : memref<!tpu.dma_semaphore, #tpu.memory_space<semaphore_mem>>)
      %dma_wait3A_522 = arith.constant 0 : i32
      %dma_wait3A_523 = tpu.memref_slice %arg18[%arg0, %arg1, %dma_wait3A_522] : memref<2x16x10240xf32, #tpu.memory_space<vmem_shared>> -> memref<1x1x10240xf32, #tpu.memory_space<vmem_shared>>
      %dma_wait3A_524 = tpu.memref_squeeze %dma_wait3A_523 : memref<1x1x10240xf32, #tpu.memory_space<vmem_shared>> -> memref<10240xf32, #tpu.memory_space<vmem_shared>>
      %dma_wait3A_525 = arith.constant 0 : i32
      %dma_wait3A_526 = tpu.memref_slice %arg18[%arg0, %arg1, %dma_wait3A_525] : memref<2x16x10240xf32, #tpu.memory_space<vmem_shared>> -> memref<1x1x10240xf32, #tpu.memory_space<vmem_shared>>
      %dma_wait3A_527 = tpu.memref_squeeze %dma_wait3A_526 : memref<1x1x10240xf32, #tpu.memory_space<vmem_shared>> -> memref<10240xf32, #tpu.memory_space<vmem_shared>>
      tpu.wait_dma2 semaphore(%run_scoped3A_515 : memref<!tpu.dma_semaphore, #tpu.memory_space<semaphore_mem>>) src(%arg14 : memref<10240xf32, #tpu.memory_space<vmem>>) dst(%dma_wait3A_527 : memref<10240xf32, #tpu.memory_space<vmem_shared>>)
      tpu.yield
    }) : () -> ()
    %barrier3A = arith.constant 0 : index
    tpu.barrier barrier_id(%barrier3A)
    %mul3A_182 = arith.constant 640 : i32
    %mul3A_183 = arith.muli %arg1, %mul3A_182 : i32
    %run_scoped3A = arith.constant 0 : i32
    "tpu.region"() ({
      %run_scoped3A_515 = tpu.sem_alloc : memref<!tpu.dma_semaphore, #tpu.memory_space<semaphore_mem>>
      %dma_start3A_516 = arith.constant 0 : i32
      %dma_start3A_517 = tpu.memref_slice %arg15[%dma_start3A_516] : memref<1280xf32, #tpu.memory_space<vmem>> -> memref<640xf32, #tpu.memory_space<vmem>>
      %dma_start3A_518 = tpu.memref_slice %arg18[%arg0, %run_scoped3A, %mul3A_183] : memref<2x16x10240xf32, #tpu.memory_space<vmem_shared>> -> memref<1x1x640xf32, #tpu.memory_space<vmem_shared>>
      %dma_start3A_519 = tpu.memref_squeeze %dma_start3A_518 : memref<1x1x640xf32, #tpu.memory_space<vmem_shared>> -> memref<640xf32, #tpu.memory_space<vmem_shared>>
      %dma_start3A_520 = arith.constant 0 : i32
      %dma_start3A_521 = tpu.memref_slice %arg15[%dma_start3A_520] : memref<1280xf32, #tpu.memory_space<vmem>> -> memref<640xf32, #tpu.memory_space<vmem>>
      %dma_start3A_522 = tpu.memref_slice %arg18[%arg0, %run_scoped3A, %mul3A_183] : memref<2x16x10240xf32, #tpu.memory_space<vmem_shared>> -> memref<1x1x640xf32, #tpu.memory_space<vmem_shared>>
      %dma_start3A_523 = tpu.memref_squeeze %dma_start3A_522 : memref<1x1x640xf32, #tpu.memory_space<vmem_shared>> -> memref<640xf32, #tpu.memory_space<vmem_shared>>
      tpu.enqueue_dma source(%dma_start3A_523 : memref<640xf32, #tpu.memory_space<vmem_shared>>) target(%dma_start3A_521 : memref<640xf32, #tpu.memory_space<vmem>>) target_semaphore(%run_scoped3A_515 : memref<!tpu.dma_semaphore, #tpu.memory_space<semaphore_mem>>)
      %dma_wait3A_524 = arith.constant 0 : i32
      %dma_wait3A_525 = tpu.memref_slice %arg15[%dma_wait3A_524] : memref<1280xf32, #tpu.memory_space<vmem>> -> memref<640xf32, #tpu.memory_space<vmem>>
      %dma_wait3A_526 = tpu.memref_slice %arg18[%arg0, %run_scoped3A, %mul3A_183] : memref<2x16x10240xf32, #tpu.memory_space<vmem_shared>> -> memref<1x1x640xf32, #tpu.memory_space<vmem_shared>>
      %dma_wait3A_527 = tpu.memref_squeeze %dma_wait3A_526 : memref<1x1x640xf32, #tpu.memory_space<vmem_shared>> -> memref<640xf32, #tpu.memory_space<vmem_shared>>
      %dma_wait3A_528 = arith.constant 0 : i32
      %dma_wait3A_529 = tpu.memref_slice %arg15[%dma_wait3A_528] : memref<1280xf32, #tpu.memory_space<vmem>> -> memref<640xf32, #tpu.memory_space<vmem>>
      %dma_wait3A_530 = tpu.memref_slice %arg18[%arg0, %run_scoped3A, %mul3A_183] : memref<2x16x10240xf32, #tpu.memory_space<vmem_shared>> -> memref<1x1x640xf32, #tpu.memory_space<vmem_shared>>
      %dma_wait3A_531 = tpu.memref_squeeze %dma_wait3A_530 : memref<1x1x640xf32, #tpu.memory_space<vmem_shared>> -> memref<640xf32, #tpu.memory_space<vmem_shared>>
      tpu.wait_dma2 semaphore(%run_scoped3A_515 : memref<!tpu.dma_semaphore, #tpu.memory_space<semaphore_mem>>) src(%dma_wait3A_531 : memref<640xf32, #tpu.memory_space<vmem_shared>>) dst(%dma_wait3A_529 : memref<640xf32, #tpu.memory_space<vmem>>)
      tpu.yield
    }) : () -> ()
    %mul3A_184 = arith.constant 640 : i32
    %mul3A_185 = arith.muli %arg1, %mul3A_184 : i32
    %run_scoped3A_186 = arith.constant 1 : i32
    "tpu.region"() ({
      %run_scoped3A_515 = tpu.sem_alloc : memref<!tpu.dma_semaphore, #tpu.memory_space<semaphore_mem>>
      %dma_start3A_516 = arith.constant 640 : i32
      %dma_start3A_517 = tpu.memref_slice %arg15[%dma_start3A_516] : memref<1280xf32, #tpu.memory_space<vmem>> -> memref<640xf32, #tpu.memory_space<vmem>>
      %dma_start3A_518 = tpu.memref_slice %arg18[%arg0, %run_scoped3A_186, %mul3A_185] : memref<2x16x10240xf32, #tpu.memory_space<vmem_shared>> -> memref<1x1x640xf32, #tpu.memory_space<vmem_shared>>
      %dma_start3A_519 = tpu.memref_squeeze %dma_start3A_518 : memref<1x1x640xf32, #tpu.memory_space<vmem_shared>> -> memref<640xf32, #tpu.memory_space<vmem_shared>>
      %dma_start3A_520 = arith.constant 640 : i32
      %dma_start3A_521 = tpu.memref_slice %arg15[%dma_start3A_520] : memref<1280xf32, #tpu.memory_space<vmem>> -> memref<640xf32, #tpu.memory_space<vmem>>
      %dma_start3A_522 = tpu.memref_slice %arg18[%arg0, %run_scoped3A_186, %mul3A_185] : memref<2x16x10240xf32, #tpu.memory_space<vmem_shared>> -> memref<1x1x640xf32, #tpu.memory_space<vmem_shared>>
      %dma_start3A_523 = tpu.memref_squeeze %dma_start3A_522 : memref<1x1x640xf32, #tpu.memory_space<vmem_shared>> -> memref<640xf32, #tpu.memory_space<vmem_shared>>
      tpu.enqueue_dma source(%dma_start3A_523 : memref<640xf32, #tpu.memory_space<vmem_shared>>) target(%dma_start3A_521 : memref<640xf32, #tpu.memory_space<vmem>>) target_semaphore(%run_scoped3A_515 : memref<!tpu.dma_semaphore, #tpu.memory_space<semaphore_mem>>)
      %dma_wait3A_524 = arith.constant 640 : i32
      %dma_wait3A_525 = tpu.memref_slice %arg15[%dma_wait3A_524] : memref<1280xf32, #tpu.memory_space<vmem>> -> memref<640xf32, #tpu.memory_space<vmem>>
      %dma_wait3A_526 = tpu.memref_slice %arg18[%arg0, %run_scoped3A_186, %mul3A_185] : memref<2x16x10240xf32, #tpu.memory_space<vmem_shared>> -> memref<1x1x640xf32, #tpu.memory_space<vmem_shared>>
      %dma_wait3A_527 = tpu.memref_squeeze %dma_wait3A_526 : memref<1x1x640xf32, #tpu.memory_space<vmem_shared>> -> memref<640xf32, #tpu.memory_space<vmem_shared>>
      %dma_wait3A_528 = arith.constant 640 : i32
      %dma_wait3A_529 = tpu.memref_slice %arg15[%dma_wait3A_528] : memref<1280xf32, #tpu.memory_space<vmem>> -> memref<640xf32, #tpu.memory_space<vmem>>
      %dma_wait3A_530 = tpu.memref_slice %arg18[%arg0, %run_scoped3A_186, %mul3A_185] : memref<2x16x10240xf32, #tpu.memory_space<vmem_shared>> -> memref<1x1x640xf32, #tpu.memory_space<vmem_shared>>
      %dma_wait3A_531 = tpu.memref_squeeze %dma_wait3A_530 : memref<1x1x640xf32, #tpu.memory_space<vmem_shared>> -> memref<640xf32, #tpu.memory_space<vmem_shared>>
      tpu.wait_dma2 semaphore(%run_scoped3A_515 : memref<!tpu.dma_semaphore, #tpu.memory_space<semaphore_mem>>) src(%dma_wait3A_531 : memref<640xf32, #tpu.memory_space<vmem_shared>>) dst(%dma_wait3A_529 : memref<640xf32, #tpu.memory_space<vmem>>)
      tpu.yield
    }) : () -> ()
    %parallel_loop3A_187 = arith.constant 0 : i32
    %parallel_loop3A_188 = arith.constant 640 : i32
    %parallel_loop3A_189 = arith.constant 16 : i32
    scf.for %parallel_loop3A_515 = %parallel_loop3A_187 to %parallel_loop3A_188 step %parallel_loop3A_189  : i32 {
      %parallel_loop3A_516 = arith.index_cast %parallel_loop3A_515 : i32 to index
      %parallel_loop3A_517 = tpu.vector_load %arg15[%parallel_loop3A_516] {strides = array<i32>} : memref<1280xf32, #tpu.memory_space<vmem>>, vector<16xf32>,
      %parallel_loop3A_518 = arith.constant 640 : i32
      %parallel_loop3A_519 = arith.addi %parallel_loop3A_518, %parallel_loop3A_515 : i32
      %parallel_loop3A_520 = arith.index_cast %parallel_loop3A_519 : i32 to index
      %parallel_loop3A_521 = tpu.vector_load %arg15[%parallel_loop3A_520] {strides = array<i32>} : memref<1280xf32, #tpu.memory_space<vmem>>, vector<16xf32>,
      %parallel_loop3A_522 = arith.addf %parallel_loop3A_517, %parallel_loop3A_521 : vector<16xf32>
      %parallel_loop3A_523 = arith.index_cast %parallel_loop3A_515 : i32 to index
      %parallel_loop3A_524 = tpu.vector_load %arg15[%parallel_loop3A_523] {strides = array<i32>} : memref<1280xf32, #tpu.memory_space<vmem>>, vector<16xf32>,
      tpu.vector_store %arg15[%parallel_loop3A_523], %parallel_loop3A_522 {strides = array<i32>} : memref<1280xf32, #tpu.memory_space<vmem>>, vector<16xf32>,
    } {sc.loop_unroll_factor = 1 : i64, sc.parallel_access}
    %mul3A_190 = arith.constant 640 : i32
    %mul3A_191 = arith.muli %arg1, %mul3A_190 : i32
    %run_scoped3A_192 = arith.constant 2 : i32
    "tpu.region"() ({
      %run_scoped3A_515 = tpu.sem_alloc : memref<!tpu.dma_semaphore, #tpu.memory_space<semaphore_mem>>
      %dma_start3A_516 = arith.constant 640 : i32
      %dma_start3A_517 = tpu.memref_slice %arg15[%dma_start3A_516] : memref<1280xf32, #tpu.memory_space<vmem>> -> memref<640xf32, #tpu.memory_space<vmem>>
      %dma_start3A_518 = tpu.memref_slice %arg18[%arg0, %run_scoped3A_192, %mul3A_191] : memref<2x16x10240xf32, #tpu.memory_space<vmem_shared>> -> memref<1x1x640xf32, #tpu.memory_space<vmem_shared>>
      %dma_start3A_519 = tpu.memref_squeeze %dma_start3A_518 : memref<1x1x640xf32, #tpu.memory_space<vmem_shared>> -> memref<640xf32, #tpu.memory_space<vmem_shared>>
      %dma_start3A_520 = arith.constant 640 : i32
      %dma_start3A_521 = tpu.memref_slice %arg15[%dma_start3A_520] : memref<1280xf32, #tpu.memory_space<vmem>> -> memref<640xf32, #tpu.memory_space<vmem>>
      %dma_start3A_522 = tpu.memref_slice %arg18[%arg0, %run_scoped3A_192, %mul3A_191] : memref<2x16x10240xf32, #tpu.memory_space<vmem_shared>> -> memref<1x1x640xf32, #tpu.memory_space<vmem_shared>>
      %dma_start3A_523 = tpu.memref_squeeze %dma_start3A_522 : memref<1x1x640xf32, #tpu.memory_space<vmem_shared>> -> memref<640xf32, #tpu.memory_space<vmem_shared>>
      tpu.enqueue_dma source(%dma_start3A_523 : memref<640xf32, #tpu.memory_space<vmem_shared>>) target(%dma_start3A_521 : memref<640xf32, #tpu.memory_space<vmem>>) target_semaphore(%run_scoped3A_515 : memref<!tpu.dma_semaphore, #tpu.memory_space<semaphore_mem>>)
      %dma_wait3A_524 = arith.constant 640 : i32
      %dma_wait3A_525 = tpu.memref_slice %arg15[%dma_wait3A_524] : memref<1280xf32, #tpu.memory_space<vmem>> -> memref<640xf32, #tpu.memory_space<vmem>>
      %dma_wait3A_526 = tpu.memref_slice %arg18[%arg0, %run_scoped3A_192, %mul3A_191] : memref<2x16x10240xf32, #tpu.memory_space<vmem_shared>> -> memref<1x1x640xf32, #tpu.memory_space<vmem_shared>>
      %dma_wait3A_527 = tpu.memref_squeeze %dma_wait3A_526 : memref<1x1x640xf32, #tpu.memory_space<vmem_shared>> -> memref<640xf32, #tpu.memory_space<vmem_shared>>
      %dma_wait3A_528 = arith.constant 640 : i32
      %dma_wait3A_529 = tpu.memref_slice %arg15[%dma_wait3A_528] : memref<1280xf32, #tpu.memory_space<vmem>> -> memref<640xf32, #tpu.memory_space<vmem>>
      %dma_wait3A_530 = tpu.memref_slice %arg18[%arg0, %run_scoped3A_192, %mul3A_191] : memref<2x16x10240xf32, #tpu.memory_space<vmem_shared>> -> memref<1x1x640xf32, #tpu.memory_space<vmem_shared>>
      %dma_wait3A_531 = tpu.memref_squeeze %dma_wait3A_530 : memref<1x1x640xf32, #tpu.memory_space<vmem_shared>> -> memref<640xf32, #tpu.memory_space<vmem_shared>>
      tpu.wait_dma2 semaphore(%run_scoped3A_515 : memref<!tpu.dma_semaphore, #tpu.memory_space<semaphore_mem>>) src(%dma_wait3A_531 : memref<640xf32, #tpu.memory_space<vmem_shared>>) dst(%dma_wait3A_529 : memref<640xf32, #tpu.memory_space<vmem>>)
      tpu.yield
    }) : () -> ()
    %parallel_loop3A_193 = arith.constant 0 : i32
    %parallel_loop3A_194 = arith.constant 640 : i32
    %parallel_loop3A_195 = arith.constant 16 : i32
    scf.for %parallel_loop3A_515 = %parallel_loop3A_193 to %parallel_loop3A_194 step %parallel_loop3A_195  : i32 {
      %parallel_loop3A_516 = arith.index_cast %parallel_loop3A_515 : i32 to index
      %parallel_loop3A_517 = tpu.vector_load %arg15[%parallel_loop3A_516] {strides = array<i32>} : memref<1280xf32, #tpu.memory_space<vmem>>, vector<16xf32>,
      %parallel_loop3A_518 = arith.constant 640 : i32
      %parallel_loop3A_519 = arith.addi %parallel_loop3A_518, %parallel_loop3A_515 : i32
      %parallel_loop3A_520 = arith.index_cast %parallel_loop3A_519 : i32 to index
      %parallel_loop3A_521 = tpu.vector_load %arg15[%parallel_loop3A_520] {strides = array<i32>} : memref<1280xf32, #tpu.memory_space<vmem>>, vector<16xf32>,
      %parallel_loop3A_522 = arith.addf %parallel_loop3A_517, %parallel_loop3A_521 : vector<16xf32>
      %parallel_loop3A_523 = arith.index_cast %parallel_loop3A_515 : i32 to index
      %parallel_loop3A_524 = tpu.vector_load %arg15[%parallel_loop3A_523] {strides = array<i32>} : memref<1280xf32, #tpu.memory_space<vmem>>, vector<16xf32>,
      tpu.vector_store %arg15[%parallel_loop3A_523], %parallel_loop3A_522 {strides = array<i32>} : memref<1280xf32, #tpu.memory_space<vmem>>, vector<16xf32>,
    } {sc.loop_unroll_factor = 1 : i64, sc.parallel_access}
    %mul3A_196 = arith.constant 640 : i32
    %mul3A_197 = arith.muli %arg1, %mul3A_196 : i32
    %run_scoped3A_198 = arith.constant 3 : i32
    "tpu.region"() ({
      %run_scoped3A_515 = tpu.sem_alloc : memref<!tpu.dma_semaphore, #tpu.memory_space<semaphore_mem>>
      %dma_start3A_516 = arith.constant 640 : i32
      %dma_start3A_517 = tpu.memref_slice %arg15[%dma_start3A_516] : memref<1280xf32, #tpu.memory_space<vmem>> -> memref<640xf32, #tpu.memory_space<vmem>>
      %dma_start3A_518 = tpu.memref_slice %arg18[%arg0, %run_scoped3A_198, %mul3A_197] : memref<2x16x10240xf32, #tpu.memory_space<vmem_shared>> -> memref<1x1x640xf32, #tpu.memory_space<vmem_shared>>
      %dma_start3A_519 = tpu.memref_squeeze %dma_start3A_518 : memref<1x1x640xf32, #tpu.memory_space<vmem_shared>> -> memref<640xf32, #tpu.memory_space<vmem_shared>>
      %dma_start3A_520 = arith.constant 640 : i32
      %dma_start3A_521 = tpu.memref_slice %arg15[%dma_start3A_520] : memref<1280xf32, #tpu.memory_space<vmem>> -> memref<640xf32, #tpu.memory_space<vmem>>
      %dma_start3A_522 = tpu.memref_slice %arg18[%arg0, %run_scoped3A_198, %mul3A_197] : memref<2x16x10240xf32, #tpu.memory_space<vmem_shared>> -> memref<1x1x640xf32, #tpu.memory_space<vmem_shared>>
      %dma_start3A_523 = tpu.memref_squeeze %dma_start3A_522 : memref<1x1x640xf32, #tpu.memory_space<vmem_shared>> -> memref<640xf32, #tpu.memory_space<vmem_shared>>
      tpu.enqueue_dma source(%dma_start3A_523 : memref<640xf32, #tpu.memory_space<vmem_shared>>) target(%dma_start3A_521 : memref<640xf32, #tpu.memory_space<vmem>>) target_semaphore(%run_scoped3A_515 : memref<!tpu.dma_semaphore, #tpu.memory_space<semaphore_mem>>)
      %dma_wait3A_524 = arith.constant 640 : i32
      %dma_wait3A_525 = tpu.memref_slice %arg15[%dma_wait3A_524] : memref<1280xf32, #tpu.memory_space<vmem>> -> memref<640xf32, #tpu.memory_space<vmem>>
      %dma_wait3A_526 = tpu.memref_slice %arg18[%arg0, %run_scoped3A_198, %mul3A_197] : memref<2x16x10240xf32, #tpu.memory_space<vmem_shared>> -> memref<1x1x640xf32, #tpu.memory_space<vmem_shared>>
      %dma_wait3A_527 = tpu.memref_squeeze %dma_wait3A_526 : memref<1x1x640xf32, #tpu.memory_space<vmem_shared>> -> memref<640xf32, #tpu.memory_space<vmem_shared>>
      %dma_wait3A_528 = arith.constant 640 : i32
      %dma_wait3A_529 = tpu.memref_slice %arg15[%dma_wait3A_528] : memref<1280xf32, #tpu.memory_space<vmem>> -> memref<640xf32, #tpu.memory_space<vmem>>
      %dma_wait3A_530 = tpu.memref_slice %arg18[%arg0, %run_scoped3A_198, %mul3A_197] : memref<2x16x10240xf32, #tpu.memory_space<vmem_shared>> -> memref<1x1x640xf32, #tpu.memory_space<vmem_shared>>
      %dma_wait3A_531 = tpu.memref_squeeze %dma_wait3A_530 : memref<1x1x640xf32, #tpu.memory_space<vmem_shared>> -> memref<640xf32, #tpu.memory_space<vmem_shared>>
      tpu.wait_dma2 semaphore(%run_scoped3A_515 : memref<!tpu.dma_semaphore, #tpu.memory_space<semaphore_mem>>) src(%dma_wait3A_531 : memref<640xf32, #tpu.memory_space<vmem_shared>>) dst(%dma_wait3A_529 : memref<640xf32, #tpu.memory_space<vmem>>)
      tpu.yield
    }) : () -> ()
    %parallel_loop3A_199 = arith.constant 0 : i32
    %parallel_loop3A_200 = arith.constant 640 : i32
    %parallel_loop3A_201 = arith.constant 16 : i32
    scf.for %parallel_loop3A_515 = %parallel_loop3A_199 to %parallel_loop3A_200 step %parallel_loop3A_201  : i32 {
      %parallel_loop3A_516 = arith.index_cast %parallel_loop3A_515 : i32 to index
      %parallel_loop3A_517 = tpu.vector_load %arg15[%parallel_loop3A_516] {strides = array<i32>} : memref<1280xf32, #tpu.memory_space<vmem>>, vector<16xf32>,
      %parallel_loop3A_518 = arith.constant 640 : i32
      %parallel_loop3A_519 = arith.addi %parallel_loop3A_518, %parallel_loop3A_515 : i32
      %parallel_loop3A_520 = arith.index_cast %parallel_loop3A_519 : i32 to index
      %parallel_loop3A_521 = tpu.vector_load %arg15[%parallel_loop3A_520] {strides = array<i32>} : memref<1280xf32, #tpu.memory_space<vmem>>, vector<16xf32>,
      %parallel_loop3A_522 = arith.addf %parallel_loop3A_517, %parallel_loop3A_521 : vector<16xf32>
      %parallel_loop3A_523 = arith.index_cast %parallel_loop3A_515 : i32 to index
      %parallel_loop3A_524 = tpu.vector_load %arg15[%parallel_loop3A_523] {strides = array<i32>} : memref<1280xf32, #tpu.memory_space<vmem>>, vector<16xf32>,
      tpu.vector_store %arg15[%parallel_loop3A_523], %parallel_loop3A_522 {strides = array<i32>} : memref<1280xf32, #tpu.memory_space<vmem>>, vector<16xf32>,
    } {sc.loop_unroll_factor = 1 : i64, sc.parallel_access}
    %mul3A_202 = arith.constant 640 : i32
    %mul3A_203 = arith.muli %arg1, %mul3A_202 : i32
    %run_scoped3A_204 = arith.constant 4 : i32
    "tpu.region"() ({
      %run_scoped3A_515 = tpu.sem_alloc : memref<!tpu.dma_semaphore, #tpu.memory_space<semaphore_mem>>
      %dma_start3A_516 = arith.constant 640 : i32
      %dma_start3A_517 = tpu.memref_slice %arg15[%dma_start3A_516] : memref<1280xf32, #tpu.memory_space<vmem>> -> memref<640xf32, #tpu.memory_space<vmem>>
      %dma_start3A_518 = tpu.memref_slice %arg18[%arg0, %run_scoped3A_204, %mul3A_203] : memref<2x16x10240xf32, #tpu.memory_space<vmem_shared>> -> memref<1x1x640xf32, #tpu.memory_space<vmem_shared>>
      %dma_start3A_519 = tpu.memref_squeeze %dma_start3A_518 : memref<1x1x640xf32, #tpu.memory_space<vmem_shared>> -> memref<640xf32, #tpu.memory_space<vmem_shared>>
      %dma_start3A_520 = arith.constant 640 : i32
      %dma_start3A_521 = tpu.memref_slice %arg15[%dma_start3A_520] : memref<1280xf32, #tpu.memory_space<vmem>> -> memref<640xf32, #tpu.memory_space<vmem>>
      %dma_start3A_522 = tpu.memref_slice %arg18[%arg0, %run_scoped3A_204, %mul3A_203] : memref<2x16x10240xf32, #tpu.memory_space<vmem_shared>> -> memref<1x1x640xf32, #tpu.memory_space<vmem_shared>>
      %dma_start3A_523 = tpu.memref_squeeze %dma_start3A_522 : memref<1x1x640xf32, #tpu.memory_space<vmem_shared>> -> memref<640xf32, #tpu.memory_space<vmem_shared>>
      tpu.enqueue_dma source(%dma_start3A_523 : memref<640xf32, #tpu.memory_space<vmem_shared>>) target(%dma_start3A_521 : memref<640xf32, #tpu.memory_space<vmem>>) target_semaphore(%run_scoped3A_515 : memref<!tpu.dma_semaphore, #tpu.memory_space<semaphore_mem>>)
      %dma_wait3A_524 = arith.constant 640 : i32
      %dma_wait3A_525 = tpu.memref_slice %arg15[%dma_wait3A_524] : memref<1280xf32, #tpu.memory_space<vmem>> -> memref<640xf32, #tpu.memory_space<vmem>>
      %dma_wait3A_526 = tpu.memref_slice %arg18[%arg0, %run_scoped3A_204, %mul3A_203] : memref<2x16x10240xf32, #tpu.memory_space<vmem_shared>> -> memref<1x1x640xf32, #tpu.memory_space<vmem_shared>>
      %dma_wait3A_527 = tpu.memref_squeeze %dma_wait3A_526 : memref<1x1x640xf32, #tpu.memory_space<vmem_shared>> -> memref<640xf32, #tpu.memory_space<vmem_shared>>
      %dma_wait3A_528 = arith.constant 640 : i32
      %dma_wait3A_529 = tpu.memref_slice %arg15[%dma_wait3A_528] : memref<1280xf32, #tpu.memory_space<vmem>> -> memref<640xf32, #tpu.memory_space<vmem>>
      %dma_wait3A_530 = tpu.memref_slice %arg18[%arg0, %run_scoped3A_204, %mul3A_203] : memref<2x16x10240xf32, #tpu.memory_space<vmem_shared>> -> memref<1x1x640xf32, #tpu.memory_space<vmem_shared>>
      %dma_wait3A_531 = tpu.memref_squeeze %dma_wait3A_530 : memref<1x1x640xf32, #tpu.memory_space<vmem_shared>> -> memref<640xf32, #tpu.memory_space<vmem_shared>>
      tpu.wait_dma2 semaphore(%run_scoped3A_515 : memref<!tpu.dma_semaphore, #tpu.memory_space<semaphore_mem>>) src(%dma_wait3A_531 : memref<640xf32, #tpu.memory_space<vmem_shared>>) dst(%dma_wait3A_529 : memref<640xf32, #tpu.memory_space<vmem>>)
      tpu.yield
    }) : () -> ()
    %parallel_loop3A_205 = arith.constant 0 : i32
    %parallel_loop3A_206 = arith.constant 640 : i32
    %parallel_loop3A_207 = arith.constant 16 : i32
    scf.for %parallel_loop3A_515 = %parallel_loop3A_205 to %parallel_loop3A_206 step %parallel_loop3A_207  : i32 {
      %parallel_loop3A_516 = arith.index_cast %parallel_loop3A_515 : i32 to index
      %parallel_loop3A_517 = tpu.vector_load %arg15[%parallel_loop3A_516] {strides = array<i32>} : memref<1280xf32, #tpu.memory_space<vmem>>, vector<16xf32>,
      %parallel_loop3A_518 = arith.constant 640 : i32
      %parallel_loop3A_519 = arith.addi %parallel_loop3A_518, %parallel_loop3A_515 : i32
      %parallel_loop3A_520 = arith.index_cast %parallel_loop3A_519 : i32 to index
      %parallel_loop3A_521 = tpu.vector_load %arg15[%parallel_loop3A_520] {strides = array<i32>} : memref<1280xf32, #tpu.memory_space<vmem>>, vector<16xf32>,
      %parallel_loop3A_522 = arith.addf %parallel_loop3A_517, %parallel_loop3A_521 : vector<16xf32>
      %parallel_loop3A_523 = arith.index_cast %parallel_loop3A_515 : i32 to index
      %parallel_loop3A_524 = tpu.vector_load %arg15[%parallel_loop3A_523] {strides = array<i32>} : memref<1280xf32, #tpu.memory_space<vmem>>, vector<16xf32>,
      tpu.vector_store %arg15[%parallel_loop3A_523], %parallel_loop3A_522 {strides = array<i32>} : memref<1280xf32, #tpu.memory_space<vmem>>, vector<16xf32>,
    } {sc.loop_unroll_factor = 1 : i64, sc.parallel_access}
    %mul3A_208 = arith.constant 640 : i32
    %mul3A_209 = arith.muli %arg1, %mul3A_208 : i32
    %run_scoped3A_210 = arith.constant 5 : i32
    "tpu.region"() ({
      %run_scoped3A_515 = tpu.sem_alloc : memref<!tpu.dma_semaphore, #tpu.memory_space<semaphore_mem>>
      %dma_start3A_516 = arith.constant 640 : i32
      %dma_start3A_517 = tpu.memref_slice %arg15[%dma_start3A_516] : memref<1280xf32, #tpu.memory_space<vmem>> -> memref<640xf32, #tpu.memory_space<vmem>>
      %dma_start3A_518 = tpu.memref_slice %arg18[%arg0, %run_scoped3A_210, %mul3A_209] : memref<2x16x10240xf32, #tpu.memory_space<vmem_shared>> -> memref<1x1x640xf32, #tpu.memory_space<vmem_shared>>
      %dma_start3A_519 = tpu.memref_squeeze %dma_start3A_518 : memref<1x1x640xf32, #tpu.memory_space<vmem_shared>> -> memref<640xf32, #tpu.memory_space<vmem_shared>>
      %dma_start3A_520 = arith.constant 640 : i32
      %dma_start3A_521 = tpu.memref_slice %arg15[%dma_start3A_520] : memref<1280xf32, #tpu.memory_space<vmem>> -> memref<640xf32, #tpu.memory_space<vmem>>
      %dma_start3A_522 = tpu.memref_slice %arg18[%arg0, %run_scoped3A_210, %mul3A_209] : memref<2x16x10240xf32, #tpu.memory_space<vmem_shared>> -> memref<1x1x640xf32, #tpu.memory_space<vmem_shared>>
      %dma_start3A_523 = tpu.memref_squeeze %dma_start3A_522 : memref<1x1x640xf32, #tpu.memory_space<vmem_shared>> -> memref<640xf32, #tpu.memory_space<vmem_shared>>
      tpu.enqueue_dma source(%dma_start3A_523 : memref<640xf32, #tpu.memory_space<vmem_shared>>) target(%dma_start3A_521 : memref<640xf32, #tpu.memory_space<vmem>>) target_semaphore(%run_scoped3A_515 : memref<!tpu.dma_semaphore, #tpu.memory_space<semaphore_mem>>)
      %dma_wait3A_524 = arith.constant 640 : i32
      %dma_wait3A_525 = tpu.memref_slice %arg15[%dma_wait3A_524] : memref<1280xf32, #tpu.memory_space<vmem>> -> memref<640xf32, #tpu.memory_space<vmem>>
      %dma_wait3A_526 = tpu.memref_slice %arg18[%arg0, %run_scoped3A_210, %mul3A_209] : memref<2x16x10240xf32, #tpu.memory_space<vmem_shared>> -> memref<1x1x640xf32, #tpu.memory_space<vmem_shared>>
      %dma_wait3A_527 = tpu.memref_squeeze %dma_wait3A_526 : memref<1x1x640xf32, #tpu.memory_space<vmem_shared>> -> memref<640xf32, #tpu.memory_space<vmem_shared>>
      %dma_wait3A_528 = arith.constant 640 : i32
      %dma_wait3A_529 = tpu.memref_slice %arg15[%dma_wait3A_528] : memref<1280xf32, #tpu.memory_space<vmem>> -> memref<640xf32, #tpu.memory_space<vmem>>
      %dma_wait3A_530 = tpu.memref_slice %arg18[%arg0, %run_scoped3A_210, %mul3A_209] : memref<2x16x10240xf32, #tpu.memory_space<vmem_shared>> -> memref<1x1x640xf32, #tpu.memory_space<vmem_shared>>
      %dma_wait3A_531 = tpu.memref_squeeze %dma_wait3A_530 : memref<1x1x640xf32, #tpu.memory_space<vmem_shared>> -> memref<640xf32, #tpu.memory_space<vmem_shared>>
      tpu.wait_dma2 semaphore(%run_scoped3A_515 : memref<!tpu.dma_semaphore, #tpu.memory_space<semaphore_mem>>) src(%dma_wait3A_531 : memref<640xf32, #tpu.memory_space<vmem_shared>>) dst(%dma_wait3A_529 : memref<640xf32, #tpu.memory_space<vmem>>)
      tpu.yield
    }) : () -> ()
    %parallel_loop3A_211 = arith.constant 0 : i32
    %parallel_loop3A_212 = arith.constant 640 : i32
    %parallel_loop3A_213 = arith.constant 16 : i32
    scf.for %parallel_loop3A_515 = %parallel_loop3A_211 to %parallel_loop3A_212 step %parallel_loop3A_213  : i32 {
      %parallel_loop3A_516 = arith.index_cast %parallel_loop3A_515 : i32 to index
      %parallel_loop3A_517 = tpu.vector_load %arg15[%parallel_loop3A_516] {strides = array<i32>} : memref<1280xf32, #tpu.memory_space<vmem>>, vector<16xf32>,
      %parallel_loop3A_518 = arith.constant 640 : i32
      %parallel_loop3A_519 = arith.addi %parallel_loop3A_518, %parallel_loop3A_515 : i32
      %parallel_loop3A_520 = arith.index_cast %parallel_loop3A_519 : i32 to index
      %parallel_loop3A_521 = tpu.vector_load %arg15[%parallel_loop3A_520] {strides = array<i32>} : memref<1280xf32, #tpu.memory_space<vmem>>, vector<16xf32>,
      %parallel_loop3A_522 = arith.addf %parallel_loop3A_517, %parallel_loop3A_521 : vector<16xf32>
      %parallel_loop3A_523 = arith.index_cast %parallel_loop3A_515 : i32 to index
      %parallel_loop3A_524 = tpu.vector_load %arg15[%parallel_loop3A_523] {strides = array<i32>} : memref<1280xf32, #tpu.memory_space<vmem>>, vector<16xf32>,
      tpu.vector_store %arg15[%parallel_loop3A_523], %parallel_loop3A_522 {strides = array<i32>} : memref<1280xf32, #tpu.memory_space<vmem>>, vector<16xf32>,
    } {sc.loop_unroll_factor = 1 : i64, sc.parallel_access}
    %mul3A_214 = arith.constant 640 : i32
    %mul3A_215 = arith.muli %arg1, %mul3A_214 : i32
    %run_scoped3A_216 = arith.constant 6 : i32
    "tpu.region"() ({
      %run_scoped3A_515 = tpu.sem_alloc : memref<!tpu.dma_semaphore, #tpu.memory_space<semaphore_mem>>
      %dma_start3A_516 = arith.constant 640 : i32
      %dma_start3A_517 = tpu.memref_slice %arg15[%dma_start3A_516] : memref<1280xf32, #tpu.memory_space<vmem>> -> memref<640xf32, #tpu.memory_space<vmem>>
      %dma_start3A_518 = tpu.memref_slice %arg18[%arg0, %run_scoped3A_216, %mul3A_215] : memref<2x16x10240xf32, #tpu.memory_space<vmem_shared>> -> memref<1x1x640xf32, #tpu.memory_space<vmem_shared>>
      %dma_start3A_519 = tpu.memref_squeeze %dma_start3A_518 : memref<1x1x640xf32, #tpu.memory_space<vmem_shared>> -> memref<640xf32, #tpu.memory_space<vmem_shared>>
      %dma_start3A_520 = arith.constant 640 : i32
      %dma_start3A_521 = tpu.memref_slice %arg15[%dma_start3A_520] : memref<1280xf32, #tpu.memory_space<vmem>> -> memref<640xf32, #tpu.memory_space<vmem>>
      %dma_start3A_522 = tpu.memref_slice %arg18[%arg0, %run_scoped3A_216, %mul3A_215] : memref<2x16x10240xf32, #tpu.memory_space<vmem_shared>> -> memref<1x1x640xf32, #tpu.memory_space<vmem_shared>>
      %dma_start3A_523 = tpu.memref_squeeze %dma_start3A_522 : memref<1x1x640xf32, #tpu.memory_space<vmem_shared>> -> memref<640xf32, #tpu.memory_space<vmem_shared>>
      tpu.enqueue_dma source(%dma_start3A_523 : memref<640xf32, #tpu.memory_space<vmem_shared>>) target(%dma_start3A_521 : memref<640xf32, #tpu.memory_space<vmem>>) target_semaphore(%run_scoped3A_515 : memref<!tpu.dma_semaphore, #tpu.memory_space<semaphore_mem>>)
      %dma_wait3A_524 = arith.constant 640 : i32
      %dma_wait3A_525 = tpu.memref_slice %arg15[%dma_wait3A_524] : memref<1280xf32, #tpu.memory_space<vmem>> -> memref<640xf32, #tpu.memory_space<vmem>>
      %dma_wait3A_526 = tpu.memref_slice %arg18[%arg0, %run_scoped3A_216, %mul3A_215] : memref<2x16x10240xf32, #tpu.memory_space<vmem_shared>> -> memref<1x1x640xf32, #tpu.memory_space<vmem_shared>>
      %dma_wait3A_527 = tpu.memref_squeeze %dma_wait3A_526 : memref<1x1x640xf32, #tpu.memory_space<vmem_shared>> -> memref<640xf32, #tpu.memory_space<vmem_shared>>
      %dma_wait3A_528 = arith.constant 640 : i32
      %dma_wait3A_529 = tpu.memref_slice %arg15[%dma_wait3A_528] : memref<1280xf32, #tpu.memory_space<vmem>> -> memref<640xf32, #tpu.memory_space<vmem>>
      %dma_wait3A_530 = tpu.memref_slice %arg18[%arg0, %run_scoped3A_216, %mul3A_215] : memref<2x16x10240xf32, #tpu.memory_space<vmem_shared>> -> memref<1x1x640xf32, #tpu.memory_space<vmem_shared>>
      %dma_wait3A_531 = tpu.memref_squeeze %dma_wait3A_530 : memref<1x1x640xf32, #tpu.memory_space<vmem_shared>> -> memref<640xf32, #tpu.memory_space<vmem_shared>>
      tpu.wait_dma2 semaphore(%run_scoped3A_515 : memref<!tpu.dma_semaphore, #tpu.memory_space<semaphore_mem>>) src(%dma_wait3A_531 : memref<640xf32, #tpu.memory_space<vmem_shared>>) dst(%dma_wait3A_529 : memref<640xf32, #tpu.memory_space<vmem>>)
      tpu.yield
    }) : () -> ()
    %parallel_loop3A_217 = arith.constant 0 : i32
    %parallel_loop3A_218 = arith.constant 640 : i32
    %parallel_loop3A_219 = arith.constant 16 : i32
    scf.for %parallel_loop3A_515 = %parallel_loop3A_217 to %parallel_loop3A_218 step %parallel_loop3A_219  : i32 {
      %parallel_loop3A_516 = arith.index_cast %parallel_loop3A_515 : i32 to index
      %parallel_loop3A_517 = tpu.vector_load %arg15[%parallel_loop3A_516] {strides = array<i32>} : memref<1280xf32, #tpu.memory_space<vmem>>, vector<16xf32>,
      %parallel_loop3A_518 = arith.constant 640 : i32
      %parallel_loop3A_519 = arith.addi %parallel_loop3A_518, %parallel_loop3A_515 : i32
      %parallel_loop3A_520 = arith.index_cast %parallel_loop3A_519 : i32 to index
      %parallel_loop3A_521 = tpu.vector_load %arg15[%parallel_loop3A_520] {strides = array<i32>} : memref<1280xf32, #tpu.memory_space<vmem>>, vector<16xf32>,
      %parallel_loop3A_522 = arith.addf %parallel_loop3A_517, %parallel_loop3A_521 : vector<16xf32>
      %parallel_loop3A_523 = arith.index_cast %parallel_loop3A_515 : i32 to index
      %parallel_loop3A_524 = tpu.vector_load %arg15[%parallel_loop3A_523] {strides = array<i32>} : memref<1280xf32, #tpu.memory_space<vmem>>, vector<16xf32>,
      tpu.vector_store %arg15[%parallel_loop3A_523], %parallel_loop3A_522 {strides = array<i32>} : memref<1280xf32, #tpu.memory_space<vmem>>, vector<16xf32>,
    } {sc.loop_unroll_factor = 1 : i64, sc.parallel_access}
    %mul3A_220 = arith.constant 640 : i32
    %mul3A_221 = arith.muli %arg1, %mul3A_220 : i32
    %run_scoped3A_222 = arith.constant 7 : i32
    "tpu.region"() ({
      %run_scoped3A_515 = tpu.sem_alloc : memref<!tpu.dma_semaphore, #tpu.memory_space<semaphore_mem>>
      %dma_start3A_516 = arith.constant 640 : i32
      %dma_start3A_517 = tpu.memref_slice %arg15[%dma_start3A_516] : memref<1280xf32, #tpu.memory_space<vmem>> -> memref<640xf32, #tpu.memory_space<vmem>>
      %dma_start3A_518 = tpu.memref_slice %arg18[%arg0, %run_scoped3A_222, %mul3A_221] : memref<2x16x10240xf32, #tpu.memory_space<vmem_shared>> -> memref<1x1x640xf32, #tpu.memory_space<vmem_shared>>
      %dma_start3A_519 = tpu.memref_squeeze %dma_start3A_518 : memref<1x1x640xf32, #tpu.memory_space<vmem_shared>> -> memref<640xf32, #tpu.memory_space<vmem_shared>>
      %dma_start3A_520 = arith.constant 640 : i32
      %dma_start3A_521 = tpu.memref_slice %arg15[%dma_start3A_520] : memref<1280xf32, #tpu.memory_space<vmem>> -> memref<640xf32, #tpu.memory_space<vmem>>
      %dma_start3A_522 = tpu.memref_slice %arg18[%arg0, %run_scoped3A_222, %mul3A_221] : memref<2x16x10240xf32, #tpu.memory_space<vmem_shared>> -> memref<1x1x640xf32, #tpu.memory_space<vmem_shared>>
      %dma_start3A_523 = tpu.memref_squeeze %dma_start3A_522 : memref<1x1x640xf32, #tpu.memory_space<vmem_shared>> -> memref<640xf32, #tpu.memory_space<vmem_shared>>
      tpu.enqueue_dma source(%dma_start3A_523 : memref<640xf32, #tpu.memory_space<vmem_shared>>) target(%dma_start3A_521 : memref<640xf32, #tpu.memory_space<vmem>>) target_semaphore(%run_scoped3A_515 : memref<!tpu.dma_semaphore, #tpu.memory_space<semaphore_mem>>)
      %dma_wait3A_524 = arith.constant 640 : i32
      %dma_wait3A_525 = tpu.memref_slice %arg15[%dma_wait3A_524] : memref<1280xf32, #tpu.memory_space<vmem>> -> memref<640xf32, #tpu.memory_space<vmem>>
      %dma_wait3A_526 = tpu.memref_slice %arg18[%arg0, %run_scoped3A_222, %mul3A_221] : memref<2x16x10240xf32, #tpu.memory_space<vmem_shared>> -> memref<1x1x640xf32, #tpu.memory_space<vmem_shared>>
      %dma_wait3A_527 = tpu.memref_squeeze %dma_wait3A_526 : memref<1x1x640xf32, #tpu.memory_space<vmem_shared>> -> memref<640xf32, #tpu.memory_space<vmem_shared>>
      %dma_wait3A_528 = arith.constant 640 : i32
      %dma_wait3A_529 = tpu.memref_slice %arg15[%dma_wait3A_528] : memref<1280xf32, #tpu.memory_space<vmem>> -> memref<640xf32, #tpu.memory_space<vmem>>
      %dma_wait3A_530 = tpu.memref_slice %arg18[%arg0, %run_scoped3A_222, %mul3A_221] : memref<2x16x10240xf32, #tpu.memory_space<vmem_shared>> -> memref<1x1x640xf32, #tpu.memory_space<vmem_shared>>
      %dma_wait3A_531 = tpu.memref_squeeze %dma_wait3A_530 : memref<1x1x640xf32, #tpu.memory_space<vmem_shared>> -> memref<640xf32, #tpu.memory_space<vmem_shared>>
      tpu.wait_dma2 semaphore(%run_scoped3A_515 : memref<!tpu.dma_semaphore, #tpu.memory_space<semaphore_mem>>) src(%dma_wait3A_531 : memref<640xf32, #tpu.memory_space<vmem_shared>>) dst(%dma_wait3A_529 : memref<640xf32, #tpu.memory_space<vmem>>)
      tpu.yield
    }) : () -> ()
    %parallel_loop3A_223 = arith.constant 0 : i32
    %parallel_loop3A_224 = arith.constant 640 : i32
    %parallel_loop3A_225 = arith.constant 16 : i32
    scf.for %parallel_loop3A_515 = %parallel_loop3A_223 to %parallel_loop3A_224 step %parallel_loop3A_225  : i32 {
      %parallel_loop3A_516 = arith.index_cast %parallel_loop3A_515 : i32 to index
      %parallel_loop3A_517 = tpu.vector_load %arg15[%parallel_loop3A_516] {strides = array<i32>} : memref<1280xf32, #tpu.memory_space<vmem>>, vector<16xf32>,
      %parallel_loop3A_518 = arith.constant 640 : i32
      %parallel_loop3A_519 = arith.addi %parallel_loop3A_518, %parallel_loop3A_515 : i32
      %parallel_loop3A_520 = arith.index_cast %parallel_loop3A_519 : i32 to index
      %parallel_loop3A_521 = tpu.vector_load %arg15[%parallel_loop3A_520] {strides = array<i32>} : memref<1280xf32, #tpu.memory_space<vmem>>, vector<16xf32>,
      %parallel_loop3A_522 = arith.addf %parallel_loop3A_517, %parallel_loop3A_521 : vector<16xf32>
      %parallel_loop3A_523 = arith.index_cast %parallel_loop3A_515 : i32 to index
      %parallel_loop3A_524 = tpu.vector_load %arg15[%parallel_loop3A_523] {strides = array<i32>} : memref<1280xf32, #tpu.memory_space<vmem>>, vector<16xf32>,
      tpu.vector_store %arg15[%parallel_loop3A_523], %parallel_loop3A_522 {strides = array<i32>} : memref<1280xf32, #tpu.memory_space<vmem>>, vector<16xf32>,
    } {sc.loop_unroll_factor = 1 : i64, sc.parallel_access}
    %mul3A_226 = arith.constant 640 : i32
    %mul3A_227 = arith.muli %arg1, %mul3A_226 : i32
    %run_scoped3A_228 = arith.constant 8 : i32
    "tpu.region"() ({
      %run_scoped3A_515 = tpu.sem_alloc : memref<!tpu.dma_semaphore, #tpu.memory_space<semaphore_mem>>
      %dma_start3A_516 = arith.constant 640 : i32
      %dma_start3A_517 = tpu.memref_slice %arg15[%dma_start3A_516] : memref<1280xf32, #tpu.memory_space<vmem>> -> memref<640xf32, #tpu.memory_space<vmem>>
      %dma_start3A_518 = tpu.memref_slice %arg18[%arg0, %run_scoped3A_228, %mul3A_227] : memref<2x16x10240xf32, #tpu.memory_space<vmem_shared>> -> memref<1x1x640xf32, #tpu.memory_space<vmem_shared>>
      %dma_start3A_519 = tpu.memref_squeeze %dma_start3A_518 : memref<1x1x640xf32, #tpu.memory_space<vmem_shared>> -> memref<640xf32, #tpu.memory_space<vmem_shared>>
      %dma_start3A_520 = arith.constant 640 : i32
      %dma_start3A_521 = tpu.memref_slice %arg15[%dma_start3A_520] : memref<1280xf32, #tpu.memory_space<vmem>> -> memref<640xf32, #tpu.memory_space<vmem>>
      %dma_start3A_522 = tpu.memref_slice %arg18[%arg0, %run_scoped3A_228, %mul3A_227] : memref<2x16x10240xf32, #tpu.memory_space<vmem_shared>> -> memref<1x1x640xf32, #tpu.memory_space<vmem_shared>>
      %dma_start3A_523 = tpu.memref_squeeze %dma_start3A_522 : memref<1x1x640xf32, #tpu.memory_space<vmem_shared>> -> memref<640xf32, #tpu.memory_space<vmem_shared>>
      tpu.enqueue_dma source(%dma_start3A_523 : memref<640xf32, #tpu.memory_space<vmem_shared>>) target(%dma_start3A_521 : memref<640xf32, #tpu.memory_space<vmem>>) target_semaphore(%run_scoped3A_515 : memref<!tpu.dma_semaphore, #tpu.memory_space<semaphore_mem>>)
      %dma_wait3A_524 = arith.constant 640 : i32
      %dma_wait3A_525 = tpu.memref_slice %arg15[%dma_wait3A_524] : memref<1280xf32, #tpu.memory_space<vmem>> -> memref<640xf32, #tpu.memory_space<vmem>>
      %dma_wait3A_526 = tpu.memref_slice %arg18[%arg0, %run_scoped3A_228, %mul3A_227] : memref<2x16x10240xf32, #tpu.memory_space<vmem_shared>> -> memref<1x1x640xf32, #tpu.memory_space<vmem_shared>>
      %dma_wait3A_527 = tpu.memref_squeeze %dma_wait3A_526 : memref<1x1x640xf32, #tpu.memory_space<vmem_shared>> -> memref<640xf32, #tpu.memory_space<vmem_shared>>
      %dma_wait3A_528 = arith.constant 640 : i32
      %dma_wait3A_529 = tpu.memref_slice %arg15[%dma_wait3A_528] : memref<1280xf32, #tpu.memory_space<vmem>> -> memref<640xf32, #tpu.memory_space<vmem>>
      %dma_wait3A_530 = tpu.memref_slice %arg18[%arg0, %run_scoped3A_228, %mul3A_227] : memref<2x16x10240xf32, #tpu.memory_space<vmem_shared>> -> memref<1x1x640xf32, #tpu.memory_space<vmem_shared>>
      %dma_wait3A_531 = tpu.memref_squeeze %dma_wait3A_530 : memref<1x1x640xf32, #tpu.memory_space<vmem_shared>> -> memref<640xf32, #tpu.memory_space<vmem_shared>>
      tpu.wait_dma2 semaphore(%run_scoped3A_515 : memref<!tpu.dma_semaphore, #tpu.memory_space<semaphore_mem>>) src(%dma_wait3A_531 : memref<640xf32, #tpu.memory_space<vmem_shared>>) dst(%dma_wait3A_529 : memref<640xf32, #tpu.memory_space<vmem>>)
      tpu.yield
    }) : () -> ()
    %parallel_loop3A_229 = arith.constant 0 : i32
    %parallel_loop3A_230 = arith.constant 640 : i32
    %parallel_loop3A_231 = arith.constant 16 : i32
    scf.for %parallel_loop3A_515 = %parallel_loop3A_229 to %parallel_loop3A_230 step %parallel_loop3A_231  : i32 {
      %parallel_loop3A_516 = arith.index_cast %parallel_loop3A_515 : i32 to index
      %parallel_loop3A_517 = tpu.vector_load %arg15[%parallel_loop3A_516] {strides = array<i32>} : memref<1280xf32, #tpu.memory_space<vmem>>, vector<16xf32>,
      %parallel_loop3A_518 = arith.constant 640 : i32
      %parallel_loop3A_519 = arith.addi %parallel_loop3A_518, %parallel_loop3A_515 : i32
      %parallel_loop3A_520 = arith.index_cast %parallel_loop3A_519 : i32 to index
      %parallel_loop3A_521 = tpu.vector_load %arg15[%parallel_loop3A_520] {strides = array<i32>} : memref<1280xf32, #tpu.memory_space<vmem>>, vector<16xf32>,
      %parallel_loop3A_522 = arith.addf %parallel_loop3A_517, %parallel_loop3A_521 : vector<16xf32>
      %parallel_loop3A_523 = arith.index_cast %parallel_loop3A_515 : i32 to index
      %parallel_loop3A_524 = tpu.vector_load %arg15[%parallel_loop3A_523] {strides = array<i32>} : memref<1280xf32, #tpu.memory_space<vmem>>, vector<16xf32>,
      tpu.vector_store %arg15[%parallel_loop3A_523], %parallel_loop3A_522 {strides = array<i32>} : memref<1280xf32, #tpu.memory_space<vmem>>, vector<16xf32>,
    } {sc.loop_unroll_factor = 1 : i64, sc.parallel_access}
    %mul3A_232 = arith.constant 640 : i32
    %mul3A_233 = arith.muli %arg1, %mul3A_232 : i32
    %run_scoped3A_234 = arith.constant 9 : i32
    "tpu.region"() ({
      %run_scoped3A_515 = tpu.sem_alloc : memref<!tpu.dma_semaphore, #tpu.memory_space<semaphore_mem>>
      %dma_start3A_516 = arith.constant 640 : i32
      %dma_start3A_517 = tpu.memref_slice %arg15[%dma_start3A_516] : memref<1280xf32, #tpu.memory_space<vmem>> -> memref<640xf32, #tpu.memory_space<vmem>>
      %dma_start3A_518 = tpu.memref_slice %arg18[%arg0, %run_scoped3A_234, %mul3A_233] : memref<2x16x10240xf32, #tpu.memory_space<vmem_shared>> -> memref<1x1x640xf32, #tpu.memory_space<vmem_shared>>
      %dma_start3A_519 = tpu.memref_squeeze %dma_start3A_518 : memref<1x1x640xf32, #tpu.memory_space<vmem_shared>> -> memref<640xf32, #tpu.memory_space<vmem_shared>>
      %dma_start3A_520 = arith.constant 640 : i32
      %dma_start3A_521 = tpu.memref_slice %arg15[%dma_start3A_520] : memref<1280xf32, #tpu.memory_space<vmem>> -> memref<640xf32, #tpu.memory_space<vmem>>
      %dma_start3A_522 = tpu.memref_slice %arg18[%arg0, %run_scoped3A_234, %mul3A_233] : memref<2x16x10240xf32, #tpu.memory_space<vmem_shared>> -> memref<1x1x640xf32, #tpu.memory_space<vmem_shared>>
      %dma_start3A_523 = tpu.memref_squeeze %dma_start3A_522 : memref<1x1x640xf32, #tpu.memory_space<vmem_shared>> -> memref<640xf32, #tpu.memory_space<vmem_shared>>
      tpu.enqueue_dma source(%dma_start3A_523 : memref<640xf32, #tpu.memory_space<vmem_shared>>) target(%dma_start3A_521 : memref<640xf32, #tpu.memory_space<vmem>>) target_semaphore(%run_scoped3A_515 : memref<!tpu.dma_semaphore, #tpu.memory_space<semaphore_mem>>)
      %dma_wait3A_524 = arith.constant 640 : i32
      %dma_wait3A_525 = tpu.memref_slice %arg15[%dma_wait3A_524] : memref<1280xf32, #tpu.memory_space<vmem>> -> memref<640xf32, #tpu.memory_space<vmem>>
      %dma_wait3A_526 = tpu.memref_slice %arg18[%arg0, %run_scoped3A_234, %mul3A_233] : memref<2x16x10240xf32, #tpu.memory_space<vmem_shared>> -> memref<1x1x640xf32, #tpu.memory_space<vmem_shared>>
      %dma_wait3A_527 = tpu.memref_squeeze %dma_wait3A_526 : memref<1x1x640xf32, #tpu.memory_space<vmem_shared>> -> memref<640xf32, #tpu.memory_space<vmem_shared>>
      %dma_wait3A_528 = arith.constant 640 : i32
      %dma_wait3A_529 = tpu.memref_slice %arg15[%dma_wait3A_528] : memref<1280xf32, #tpu.memory_space<vmem>> -> memref<640xf32, #tpu.memory_space<vmem>>
      %dma_wait3A_530 = tpu.memref_slice %arg18[%arg0, %run_scoped3A_234, %mul3A_233] : memref<2x16x10240xf32, #tpu.memory_space<vmem_shared>> -> memref<1x1x640xf32, #tpu.memory_space<vmem_shared>>
      %dma_wait3A_531 = tpu.memref_squeeze %dma_wait3A_530 : memref<1x1x640xf32, #tpu.memory_space<vmem_shared>> -> memref<640xf32, #tpu.memory_space<vmem_shared>>
      tpu.wait_dma2 semaphore(%run_scoped3A_515 : memref<!tpu.dma_semaphore, #tpu.memory_space<semaphore_mem>>) src(%dma_wait3A_531 : memref<640xf32, #tpu.memory_space<vmem_shared>>) dst(%dma_wait3A_529 : memref<640xf32, #tpu.memory_space<vmem>>)
      tpu.yield
    }) : () -> ()
    %parallel_loop3A_235 = arith.constant 0 : i32
    %parallel_loop3A_236 = arith.constant 640 : i32
    %parallel_loop3A_237 = arith.constant 16 : i32
    scf.for %parallel_loop3A_515 = %parallel_loop3A_235 to %parallel_loop3A_236 step %parallel_loop3A_237  : i32 {
      %parallel_loop3A_516 = arith.index_cast %parallel_loop3A_515 : i32 to index
      %parallel_loop3A_517 = tpu.vector_load %arg15[%parallel_loop3A_516] {strides = array<i32>} : memref<1280xf32, #tpu.memory_space<vmem>>, vector<16xf32>,
      %parallel_loop3A_518 = arith.constant 640 : i32
      %parallel_loop3A_519 = arith.addi %parallel_loop3A_518, %parallel_loop3A_515 : i32
      %parallel_loop3A_520 = arith.index_cast %parallel_loop3A_519 : i32 to index
      %parallel_loop3A_521 = tpu.vector_load %arg15[%parallel_loop3A_520] {strides = array<i32>} : memref<1280xf32, #tpu.memory_space<vmem>>, vector<16xf32>,
      %parallel_loop3A_522 = arith.addf %parallel_loop3A_517, %parallel_loop3A_521 : vector<16xf32>
      %parallel_loop3A_523 = arith.index_cast %parallel_loop3A_515 : i32 to index
      %parallel_loop3A_524 = tpu.vector_load %arg15[%parallel_loop3A_523] {strides = array<i32>} : memref<1280xf32, #tpu.memory_space<vmem>>, vector<16xf32>,
      tpu.vector_store %arg15[%parallel_loop3A_523], %parallel_loop3A_522 {strides = array<i32>} : memref<1280xf32, #tpu.memory_space<vmem>>, vector<16xf32>,
    } {sc.loop_unroll_factor = 1 : i64, sc.parallel_access}
    %mul3A_238 = arith.constant 640 : i32
    %mul3A_239 = arith.muli %arg1, %mul3A_238 : i32
    %run_scoped3A_240 = arith.constant 10 : i32
    "tpu.region"() ({
      %run_scoped3A_515 = tpu.sem_alloc : memref<!tpu.dma_semaphore, #tpu.memory_space<semaphore_mem>>
      %dma_start3A_516 = arith.constant 640 : i32
      %dma_start3A_517 = tpu.memref_slice %arg15[%dma_start3A_516] : memref<1280xf32, #tpu.memory_space<vmem>> -> memref<640xf32, #tpu.memory_space<vmem>>
      %dma_start3A_518 = tpu.memref_slice %arg18[%arg0, %run_scoped3A_240, %mul3A_239] : memref<2x16x10240xf32, #tpu.memory_space<vmem_shared>> -> memref<1x1x640xf32, #tpu.memory_space<vmem_shared>>
      %dma_start3A_519 = tpu.memref_squeeze %dma_start3A_518 : memref<1x1x640xf32, #tpu.memory_space<vmem_shared>> -> memref<640xf32, #tpu.memory_space<vmem_shared>>
      %dma_start3A_520 = arith.constant 640 : i32
      %dma_start3A_521 = tpu.memref_slice %arg15[%dma_start3A_520] : memref<1280xf32, #tpu.memory_space<vmem>> -> memref<640xf32, #tpu.memory_space<vmem>>
      %dma_start3A_522 = tpu.memref_slice %arg18[%arg0, %run_scoped3A_240, %mul3A_239] : memref<2x16x10240xf32, #tpu.memory_space<vmem_shared>> -> memref<1x1x640xf32, #tpu.memory_space<vmem_shared>>
      %dma_start3A_523 = tpu.memref_squeeze %dma_start3A_522 : memref<1x1x640xf32, #tpu.memory_space<vmem_shared>> -> memref<640xf32, #tpu.memory_space<vmem_shared>>
      tpu.enqueue_dma source(%dma_start3A_523 : memref<640xf32, #tpu.memory_space<vmem_shared>>) target(%dma_start3A_521 : memref<640xf32, #tpu.memory_space<vmem>>) target_semaphore(%run_scoped3A_515 : memref<!tpu.dma_semaphore, #tpu.memory_space<semaphore_mem>>)
      %dma_wait3A_524 = arith.constant 640 : i32
      %dma_wait3A_525 = tpu.memref_slice %arg15[%dma_wait3A_524] : memref<1280xf32, #tpu.memory_space<vmem>> -> memref<640xf32, #tpu.memory_space<vmem>>
      %dma_wait3A_526 = tpu.memref_slice %arg18[%arg0, %run_scoped3A_240, %mul3A_239] : memref<2x16x10240xf32, #tpu.memory_space<vmem_shared>> -> memref<1x1x640xf32, #tpu.memory_space<vmem_shared>>
      %dma_wait3A_527 = tpu.memref_squeeze %dma_wait3A_526 : memref<1x1x640xf32, #tpu.memory_space<vmem_shared>> -> memref<640xf32, #tpu.memory_space<vmem_shared>>
      %dma_wait3A_528 = arith.constant 640 : i32
      %dma_wait3A_529 = tpu.memref_slice %arg15[%dma_wait3A_528] : memref<1280xf32, #tpu.memory_space<vmem>> -> memref<640xf32, #tpu.memory_space<vmem>>
      %dma_wait3A_530 = tpu.memref_slice %arg18[%arg0, %run_scoped3A_240, %mul3A_239] : memref<2x16x10240xf32, #tpu.memory_space<vmem_shared>> -> memref<1x1x640xf32, #tpu.memory_space<vmem_shared>>
      %dma_wait3A_531 = tpu.memref_squeeze %dma_wait3A_530 : memref<1x1x640xf32, #tpu.memory_space<vmem_shared>> -> memref<640xf32, #tpu.memory_space<vmem_shared>>
      tpu.wait_dma2 semaphore(%run_scoped3A_515 : memref<!tpu.dma_semaphore, #tpu.memory_space<semaphore_mem>>) src(%dma_wait3A_531 : memref<640xf32, #tpu.memory_space<vmem_shared>>) dst(%dma_wait3A_529 : memref<640xf32, #tpu.memory_space<vmem>>)
      tpu.yield
    }) : () -> ()
    %parallel_loop3A_241 = arith.constant 0 : i32
    %parallel_loop3A_242 = arith.constant 640 : i32
    %parallel_loop3A_243 = arith.constant 16 : i32
    scf.for %parallel_loop3A_515 = %parallel_loop3A_241 to %parallel_loop3A_242 step %parallel_loop3A_243  : i32 {
      %parallel_loop3A_516 = arith.index_cast %parallel_loop3A_515 : i32 to index
      %parallel_loop3A_517 = tpu.vector_load %arg15[%parallel_loop3A_516] {strides = array<i32>} : memref<1280xf32, #tpu.memory_space<vmem>>, vector<16xf32>,
      %parallel_loop3A_518 = arith.constant 640 : i32
      %parallel_loop3A_519 = arith.addi %parallel_loop3A_518, %parallel_loop3A_515 : i32
      %parallel_loop3A_520 = arith.index_cast %parallel_loop3A_519 : i32 to index
      %parallel_loop3A_521 = tpu.vector_load %arg15[%parallel_loop3A_520] {strides = array<i32>} : memref<1280xf32, #tpu.memory_space<vmem>>, vector<16xf32>,
      %parallel_loop3A_522 = arith.addf %parallel_loop3A_517, %parallel_loop3A_521 : vector<16xf32>
      %parallel_loop3A_523 = arith.index_cast %parallel_loop3A_515 : i32 to index
      %parallel_loop3A_524 = tpu.vector_load %arg15[%parallel_loop3A_523] {strides = array<i32>} : memref<1280xf32, #tpu.memory_space<vmem>>, vector<16xf32>,
      tpu.vector_store %arg15[%parallel_loop3A_523], %parallel_loop3A_522 {strides = array<i32>} : memref<1280xf32, #tpu.memory_space<vmem>>, vector<16xf32>,
    } {sc.loop_unroll_factor = 1 : i64, sc.parallel_access}
    %mul3A_244 = arith.constant 640 : i32
    %mul3A_245 = arith.muli %arg1, %mul3A_244 : i32
    %run_scoped3A_246 = arith.constant 11 : i32
    "tpu.region"() ({
      %run_scoped3A_515 = tpu.sem_alloc : memref<!tpu.dma_semaphore, #tpu.memory_space<semaphore_mem>>
      %dma_start3A_516 = arith.constant 640 : i32
      %dma_start3A_517 = tpu.memref_slice %arg15[%dma_start3A_516] : memref<1280xf32, #tpu.memory_space<vmem>> -> memref<640xf32, #tpu.memory_space<vmem>>
      %dma_start3A_518 = tpu.memref_slice %arg18[%arg0, %run_scoped3A_246, %mul3A_245] : memref<2x16x10240xf32, #tpu.memory_space<vmem_shared>> -> memref<1x1x640xf32, #tpu.memory_space<vmem_shared>>
      %dma_start3A_519 = tpu.memref_squeeze %dma_start3A_518 : memref<1x1x640xf32, #tpu.memory_space<vmem_shared>> -> memref<640xf32, #tpu.memory_space<vmem_shared>>
      %dma_start3A_520 = arith.constant 640 : i32
      %dma_start3A_521 = tpu.memref_slice %arg15[%dma_start3A_520] : memref<1280xf32, #tpu.memory_space<vmem>> -> memref<640xf32, #tpu.memory_space<vmem>>
      %dma_start3A_522 = tpu.memref_slice %arg18[%arg0, %run_scoped3A_246, %mul3A_245] : memref<2x16x10240xf32, #tpu.memory_space<vmem_shared>> -> memref<1x1x640xf32, #tpu.memory_space<vmem_shared>>
      %dma_start3A_523 = tpu.memref_squeeze %dma_start3A_522 : memref<1x1x640xf32, #tpu.memory_space<vmem_shared>> -> memref<640xf32, #tpu.memory_space<vmem_shared>>
      tpu.enqueue_dma source(%dma_start3A_523 : memref<640xf32, #tpu.memory_space<vmem_shared>>) target(%dma_start3A_521 : memref<640xf32, #tpu.memory_space<vmem>>) target_semaphore(%run_scoped3A_515 : memref<!tpu.dma_semaphore, #tpu.memory_space<semaphore_mem>>)
      %dma_wait3A_524 = arith.constant 640 : i32
      %dma_wait3A_525 = tpu.memref_slice %arg15[%dma_wait3A_524] : memref<1280xf32, #tpu.memory_space<vmem>> -> memref<640xf32, #tpu.memory_space<vmem>>
      %dma_wait3A_526 = tpu.memref_slice %arg18[%arg0, %run_scoped3A_246, %mul3A_245] : memref<2x16x10240xf32, #tpu.memory_space<vmem_shared>> -> memref<1x1x640xf32, #tpu.memory_space<vmem_shared>>
      %dma_wait3A_527 = tpu.memref_squeeze %dma_wait3A_526 : memref<1x1x640xf32, #tpu.memory_space<vmem_shared>> -> memref<640xf32, #tpu.memory_space<vmem_shared>>
      %dma_wait3A_528 = arith.constant 640 : i32
      %dma_wait3A_529 = tpu.memref_slice %arg15[%dma_wait3A_528] : memref<1280xf32, #tpu.memory_space<vmem>> -> memref<640xf32, #tpu.memory_space<vmem>>
      %dma_wait3A_530 = tpu.memref_slice %arg18[%arg0, %run_scoped3A_246, %mul3A_245] : memref<2x16x10240xf32, #tpu.memory_space<vmem_shared>> -> memref<1x1x640xf32, #tpu.memory_space<vmem_shared>>
      %dma_wait3A_531 = tpu.memref_squeeze %dma_wait3A_530 : memref<1x1x640xf32, #tpu.memory_space<vmem_shared>> -> memref<640xf32, #tpu.memory_space<vmem_shared>>
      tpu.wait_dma2 semaphore(%run_scoped3A_515 : memref<!tpu.dma_semaphore, #tpu.memory_space<semaphore_mem>>) src(%dma_wait3A_531 : memref<640xf32, #tpu.memory_space<vmem_shared>>) dst(%dma_wait3A_529 : memref<640xf32, #tpu.memory_space<vmem>>)
      tpu.yield
    }) : () -> ()
    %parallel_loop3A_247 = arith.constant 0 : i32
    %parallel_loop3A_248 = arith.constant 640 : i32
    %parallel_loop3A_249 = arith.constant 16 : i32
    scf.for %parallel_loop3A_515 = %parallel_loop3A_247 to %parallel_loop3A_248 step %parallel_loop3A_249  : i32 {
      %parallel_loop3A_516 = arith.index_cast %parallel_loop3A_515 : i32 to index
      %parallel_loop3A_517 = tpu.vector_load %arg15[%parallel_loop3A_516] {strides = array<i32>} : memref<1280xf32, #tpu.memory_space<vmem>>, vector<16xf32>,
      %parallel_loop3A_518 = arith.constant 640 : i32
      %parallel_loop3A_519 = arith.addi %parallel_loop3A_518, %parallel_loop3A_515 : i32
      %parallel_loop3A_520 = arith.index_cast %parallel_loop3A_519 : i32 to index
      %parallel_loop3A_521 = tpu.vector_load %arg15[%parallel_loop3A_520] {strides = array<i32>} : memref<1280xf32, #tpu.memory_space<vmem>>, vector<16xf32>,
      %parallel_loop3A_522 = arith.addf %parallel_loop3A_517, %parallel_loop3A_521 : vector<16xf32>
      %parallel_loop3A_523 = arith.index_cast %parallel_loop3A_515 : i32 to index
      %parallel_loop3A_524 = tpu.vector_load %arg15[%parallel_loop3A_523] {strides = array<i32>} : memref<1280xf32, #tpu.memory_space<vmem>>, vector<16xf32>,
      tpu.vector_store %arg15[%parallel_loop3A_523], %parallel_loop3A_522 {strides = array<i32>} : memref<1280xf32, #tpu.memory_space<vmem>>, vector<16xf32>,
    } {sc.loop_unroll_factor = 1 : i64, sc.parallel_access}
    %mul3A_250 = arith.constant 640 : i32
    %mul3A_251 = arith.muli %arg1, %mul3A_250 : i32
    %run_scoped3A_252 = arith.constant 12 : i32
    "tpu.region"() ({
      %run_scoped3A_515 = tpu.sem_alloc : memref<!tpu.dma_semaphore, #tpu.memory_space<semaphore_mem>>
      %dma_start3A_516 = arith.constant 640 : i32
      %dma_start3A_517 = tpu.memref_slice %arg15[%dma_start3A_516] : memref<1280xf32, #tpu.memory_space<vmem>> -> memref<640xf32, #tpu.memory_space<vmem>>
      %dma_start3A_518 = tpu.memref_slice %arg18[%arg0, %run_scoped3A_252, %mul3A_251] : memref<2x16x10240xf32, #tpu.memory_space<vmem_shared>> -> memref<1x1x640xf32, #tpu.memory_space<vmem_shared>>
      %dma_start3A_519 = tpu.memref_squeeze %dma_start3A_518 : memref<1x1x640xf32, #tpu.memory_space<vmem_shared>> -> memref<640xf32, #tpu.memory_space<vmem_shared>>
      %dma_start3A_520 = arith.constant 640 : i32
      %dma_start3A_521 = tpu.memref_slice %arg15[%dma_start3A_520] : memref<1280xf32, #tpu.memory_space<vmem>> -> memref<640xf32, #tpu.memory_space<vmem>>
      %dma_start3A_522 = tpu.memref_slice %arg18[%arg0, %run_scoped3A_252, %mul3A_251] : memref<2x16x10240xf32, #tpu.memory_space<vmem_shared>> -> memref<1x1x640xf32, #tpu.memory_space<vmem_shared>>
      %dma_start3A_523 = tpu.memref_squeeze %dma_start3A_522 : memref<1x1x640xf32, #tpu.memory_space<vmem_shared>> -> memref<640xf32, #tpu.memory_space<vmem_shared>>
      tpu.enqueue_dma source(%dma_start3A_523 : memref<640xf32, #tpu.memory_space<vmem_shared>>) target(%dma_start3A_521 : memref<640xf32, #tpu.memory_space<vmem>>) target_semaphore(%run_scoped3A_515 : memref<!tpu.dma_semaphore, #tpu.memory_space<semaphore_mem>>)
      %dma_wait3A_524 = arith.constant 640 : i32
      %dma_wait3A_525 = tpu.memref_slice %arg15[%dma_wait3A_524] : memref<1280xf32, #tpu.memory_space<vmem>> -> memref<640xf32, #tpu.memory_space<vmem>>
      %dma_wait3A_526 = tpu.memref_slice %arg18[%arg0, %run_scoped3A_252, %mul3A_251] : memref<2x16x10240xf32, #tpu.memory_space<vmem_shared>> -> memref<1x1x640xf32, #tpu.memory_space<vmem_shared>>
      %dma_wait3A_527 = tpu.memref_squeeze %dma_wait3A_526 : memref<1x1x640xf32, #tpu.memory_space<vmem_shared>> -> memref<640xf32, #tpu.memory_space<vmem_shared>>
      %dma_wait3A_528 = arith.constant 640 : i32
      %dma_wait3A_529 = tpu.memref_slice %arg15[%dma_wait3A_528] : memref<1280xf32, #tpu.memory_space<vmem>> -> memref<640xf32, #tpu.memory_space<vmem>>
      %dma_wait3A_530 = tpu.memref_slice %arg18[%arg0, %run_scoped3A_252, %mul3A_251] : memref<2x16x10240xf32, #tpu.memory_space<vmem_shared>> -> memref<1x1x640xf32, #tpu.memory_space<vmem_shared>>
      %dma_wait3A_531 = tpu.memref_squeeze %dma_wait3A_530 : memref<1x1x640xf32, #tpu.memory_space<vmem_shared>> -> memref<640xf32, #tpu.memory_space<vmem_shared>>
      tpu.wait_dma2 semaphore(%run_scoped3A_515 : memref<!tpu.dma_semaphore, #tpu.memory_space<semaphore_mem>>) src(%dma_wait3A_531 : memref<640xf32, #tpu.memory_space<vmem_shared>>) dst(%dma_wait3A_529 : memref<640xf32, #tpu.memory_space<vmem>>)
      tpu.yield
    }) : () -> ()
    %parallel_loop3A_253 = arith.constant 0 : i32
    %parallel_loop3A_254 = arith.constant 640 : i32
    %parallel_loop3A_255 = arith.constant 16 : i32
    scf.for %parallel_loop3A_515 = %parallel_loop3A_253 to %parallel_loop3A_254 step %parallel_loop3A_255  : i32 {
      %parallel_loop3A_516 = arith.index_cast %parallel_loop3A_515 : i32 to index
      %parallel_loop3A_517 = tpu.vector_load %arg15[%parallel_loop3A_516] {strides = array<i32>} : memref<1280xf32, #tpu.memory_space<vmem>>, vector<16xf32>,
      %parallel_loop3A_518 = arith.constant 640 : i32
      %parallel_loop3A_519 = arith.addi %parallel_loop3A_518, %parallel_loop3A_515 : i32
      %parallel_loop3A_520 = arith.index_cast %parallel_loop3A_519 : i32 to index
      %parallel_loop3A_521 = tpu.vector_load %arg15[%parallel_loop3A_520] {strides = array<i32>} : memref<1280xf32, #tpu.memory_space<vmem>>, vector<16xf32>,
      %parallel_loop3A_522 = arith.addf %parallel_loop3A_517, %parallel_loop3A_521 : vector<16xf32>
      %parallel_loop3A_523 = arith.index_cast %parallel_loop3A_515 : i32 to index
      %parallel_loop3A_524 = tpu.vector_load %arg15[%parallel_loop3A_523] {strides = array<i32>} : memref<1280xf32, #tpu.memory_space<vmem>>, vector<16xf32>,
      tpu.vector_store %arg15[%parallel_loop3A_523], %parallel_loop3A_522 {strides = array<i32>} : memref<1280xf32, #tpu.memory_space<vmem>>, vector<16xf32>,
    } {sc.loop_unroll_factor = 1 : i64, sc.parallel_access}
    %mul3A_256 = arith.constant 640 : i32
    %mul3A_257 = arith.muli %arg1, %mul3A_256 : i32
    %run_scoped3A_258 = arith.constant 13 : i32
    "tpu.region"() ({
      %run_scoped3A_515 = tpu.sem_alloc : memref<!tpu.dma_semaphore, #tpu.memory_space<semaphore_mem>>
      %dma_start3A_516 = arith.constant 640 : i32
      %dma_start3A_517 = tpu.memref_slice %arg15[%dma_start3A_516] : memref<1280xf32, #tpu.memory_space<vmem>> -> memref<640xf32, #tpu.memory_space<vmem>>
      %dma_start3A_518 = tpu.memref_slice %arg18[%arg0, %run_scoped3A_258, %mul3A_257] : memref<2x16x10240xf32, #tpu.memory_space<vmem_shared>> -> memref<1x1x640xf32, #tpu.memory_space<vmem_shared>>
      %dma_start3A_519 = tpu.memref_squeeze %dma_start3A_518 : memref<1x1x640xf32, #tpu.memory_space<vmem_shared>> -> memref<640xf32, #tpu.memory_space<vmem_shared>>
      %dma_start3A_520 = arith.constant 640 : i32
      %dma_start3A_521 = tpu.memref_slice %arg15[%dma_start3A_520] : memref<1280xf32, #tpu.memory_space<vmem>> -> memref<640xf32, #tpu.memory_space<vmem>>
      %dma_start3A_522 = tpu.memref_slice %arg18[%arg0, %run_scoped3A_258, %mul3A_257] : memref<2x16x10240xf32, #tpu.memory_space<vmem_shared>> -> memref<1x1x640xf32, #tpu.memory_space<vmem_shared>>
      %dma_start3A_523 = tpu.memref_squeeze %dma_start3A_522 : memref<1x1x640xf32, #tpu.memory_space<vmem_shared>> -> memref<640xf32, #tpu.memory_space<vmem_shared>>
      tpu.enqueue_dma source(%dma_start3A_523 : memref<640xf32, #tpu.memory_space<vmem_shared>>) target(%dma_start3A_521 : memref<640xf32, #tpu.memory_space<vmem>>) target_semaphore(%run_scoped3A_515 : memref<!tpu.dma_semaphore, #tpu.memory_space<semaphore_mem>>)
      %dma_wait3A_524 = arith.constant 640 : i32
      %dma_wait3A_525 = tpu.memref_slice %arg15[%dma_wait3A_524] : memref<1280xf32, #tpu.memory_space<vmem>> -> memref<640xf32, #tpu.memory_space<vmem>>
      %dma_wait3A_526 = tpu.memref_slice %arg18[%arg0, %run_scoped3A_258, %mul3A_257] : memref<2x16x10240xf32, #tpu.memory_space<vmem_shared>> -> memref<1x1x640xf32, #tpu.memory_space<vmem_shared>>
      %dma_wait3A_527 = tpu.memref_squeeze %dma_wait3A_526 : memref<1x1x640xf32, #tpu.memory_space<vmem_shared>> -> memref<640xf32, #tpu.memory_space<vmem_shared>>
      %dma_wait3A_528 = arith.constant 640 : i32
      %dma_wait3A_529 = tpu.memref_slice %arg15[%dma_wait3A_528] : memref<1280xf32, #tpu.memory_space<vmem>> -> memref<640xf32, #tpu.memory_space<vmem>>
      %dma_wait3A_530 = tpu.memref_slice %arg18[%arg0, %run_scoped3A_258, %mul3A_257] : memref<2x16x10240xf32, #tpu.memory_space<vmem_shared>> -> memref<1x1x640xf32, #tpu.memory_space<vmem_shared>>
      %dma_wait3A_531 = tpu.memref_squeeze %dma_wait3A_530 : memref<1x1x640xf32, #tpu.memory_space<vmem_shared>> -> memref<640xf32, #tpu.memory_space<vmem_shared>>
      tpu.wait_dma2 semaphore(%run_scoped3A_515 : memref<!tpu.dma_semaphore, #tpu.memory_space<semaphore_mem>>) src(%dma_wait3A_531 : memref<640xf32, #tpu.memory_space<vmem_shared>>) dst(%dma_wait3A_529 : memref<640xf32, #tpu.memory_space<vmem>>)
      tpu.yield
    }) : () -> ()
    %parallel_loop3A_259 = arith.constant 0 : i32
    %parallel_loop3A_260 = arith.constant 640 : i32
    %parallel_loop3A_261 = arith.constant 16 : i32
    scf.for %parallel_loop3A_515 = %parallel_loop3A_259 to %parallel_loop3A_260 step %parallel_loop3A_261  : i32 {
      %parallel_loop3A_516 = arith.index_cast %parallel_loop3A_515 : i32 to index
      %parallel_loop3A_517 = tpu.vector_load %arg15[%parallel_loop3A_516] {strides = array<i32>} : memref<1280xf32, #tpu.memory_space<vmem>>, vector<16xf32>,
      %parallel_loop3A_518 = arith.constant 640 : i32
      %parallel_loop3A_519 = arith.addi %parallel_loop3A_518, %parallel_loop3A_515 : i32
      %parallel_loop3A_520 = arith.index_cast %parallel_loop3A_519 : i32 to index
      %parallel_loop3A_521 = tpu.vector_load %arg15[%parallel_loop3A_520] {strides = array<i32>} : memref<1280xf32, #tpu.memory_space<vmem>>, vector<16xf32>,
      %parallel_loop3A_522 = arith.addf %parallel_loop3A_517, %parallel_loop3A_521 : vector<16xf32>
      %parallel_loop3A_523 = arith.index_cast %parallel_loop3A_515 : i32 to index
      %parallel_loop3A_524 = tpu.vector_load %arg15[%parallel_loop3A_523] {strides = array<i32>} : memref<1280xf32, #tpu.memory_space<vmem>>, vector<16xf32>,
      tpu.vector_store %arg15[%parallel_loop3A_523], %parallel_loop3A_522 {strides = array<i32>} : memref<1280xf32, #tpu.memory_space<vmem>>, vector<16xf32>,
    } {sc.loop_unroll_factor = 1 : i64, sc.parallel_access}
    %mul3A_262 = arith.constant 640 : i32
    %mul3A_263 = arith.muli %arg1, %mul3A_262 : i32
    %run_scoped3A_264 = arith.constant 14 : i32
    "tpu.region"() ({
      %run_scoped3A_515 = tpu.sem_alloc : memref<!tpu.dma_semaphore, #tpu.memory_space<semaphore_mem>>
      %dma_start3A_516 = arith.constant 640 : i32
      %dma_start3A_517 = tpu.memref_slice %arg15[%dma_start3A_516] : memref<1280xf32, #tpu.memory_space<vmem>> -> memref<640xf32, #tpu.memory_space<vmem>>
      %dma_start3A_518 = tpu.memref_slice %arg18[%arg0, %run_scoped3A_264, %mul3A_263] : memref<2x16x10240xf32, #tpu.memory_space<vmem_shared>> -> memref<1x1x640xf32, #tpu.memory_space<vmem_shared>>
      %dma_start3A_519 = tpu.memref_squeeze %dma_start3A_518 : memref<1x1x640xf32, #tpu.memory_space<vmem_shared>> -> memref<640xf32, #tpu.memory_space<vmem_shared>>
      %dma_start3A_520 = arith.constant 640 : i32
      %dma_start3A_521 = tpu.memref_slice %arg15[%dma_start3A_520] : memref<1280xf32, #tpu.memory_space<vmem>> -> memref<640xf32, #tpu.memory_space<vmem>>
      %dma_start3A_522 = tpu.memref_slice %arg18[%arg0, %run_scoped3A_264, %mul3A_263] : memref<2x16x10240xf32, #tpu.memory_space<vmem_shared>> -> memref<1x1x640xf32, #tpu.memory_space<vmem_shared>>
      %dma_start3A_523 = tpu.memref_squeeze %dma_start3A_522 : memref<1x1x640xf32, #tpu.memory_space<vmem_shared>> -> memref<640xf32, #tpu.memory_space<vmem_shared>>
      tpu.enqueue_dma source(%dma_start3A_523 : memref<640xf32, #tpu.memory_space<vmem_shared>>) target(%dma_start3A_521 : memref<640xf32, #tpu.memory_space<vmem>>) target_semaphore(%run_scoped3A_515 : memref<!tpu.dma_semaphore, #tpu.memory_space<semaphore_mem>>)
      %dma_wait3A_524 = arith.constant 640 : i32
      %dma_wait3A_525 = tpu.memref_slice %arg15[%dma_wait3A_524] : memref<1280xf32, #tpu.memory_space<vmem>> -> memref<640xf32, #tpu.memory_space<vmem>>
      %dma_wait3A_526 = tpu.memref_slice %arg18[%arg0, %run_scoped3A_264, %mul3A_263] : memref<2x16x10240xf32, #tpu.memory_space<vmem_shared>> -> memref<1x1x640xf32, #tpu.memory_space<vmem_shared>>
      %dma_wait3A_527 = tpu.memref_squeeze %dma_wait3A_526 : memref<1x1x640xf32, #tpu.memory_space<vmem_shared>> -> memref<640xf32, #tpu.memory_space<vmem_shared>>
      %dma_wait3A_528 = arith.constant 640 : i32
      %dma_wait3A_529 = tpu.memref_slice %arg15[%dma_wait3A_528] : memref<1280xf32, #tpu.memory_space<vmem>> -> memref<640xf32, #tpu.memory_space<vmem>>
      %dma_wait3A_530 = tpu.memref_slice %arg18[%arg0, %run_scoped3A_264, %mul3A_263] : memref<2x16x10240xf32, #tpu.memory_space<vmem_shared>> -> memref<1x1x640xf32, #tpu.memory_space<vmem_shared>>
      %dma_wait3A_531 = tpu.memref_squeeze %dma_wait3A_530 : memref<1x1x640xf32, #tpu.memory_space<vmem_shared>> -> memref<640xf32, #tpu.memory_space<vmem_shared>>
      tpu.wait_dma2 semaphore(%run_scoped3A_515 : memref<!tpu.dma_semaphore, #tpu.memory_space<semaphore_mem>>) src(%dma_wait3A_531 : memref<640xf32, #tpu.memory_space<vmem_shared>>) dst(%dma_wait3A_529 : memref<640xf32, #tpu.memory_space<vmem>>)
      tpu.yield
    }) : () -> ()
    %parallel_loop3A_265 = arith.constant 0 : i32
    %parallel_loop3A_266 = arith.constant 640 : i32
    %parallel_loop3A_267 = arith.constant 16 : i32
    scf.for %parallel_loop3A_515 = %parallel_loop3A_265 to %parallel_loop3A_266 step %parallel_loop3A_267  : i32 {
      %parallel_loop3A_516 = arith.index_cast %parallel_loop3A_515 : i32 to index
      %parallel_loop3A_517 = tpu.vector_load %arg15[%parallel_loop3A_516] {strides = array<i32>} : memref<1280xf32, #tpu.memory_space<vmem>>, vector<16xf32>,
      %parallel_loop3A_518 = arith.constant 640 : i32
      %parallel_loop3A_519 = arith.addi %parallel_loop3A_518, %parallel_loop3A_515 : i32
      %parallel_loop3A_520 = arith.index_cast %parallel_loop3A_519 : i32 to index
      %parallel_loop3A_521 = tpu.vector_load %arg15[%parallel_loop3A_520] {strides = array<i32>} : memref<1280xf32, #tpu.memory_space<vmem>>, vector<16xf32>,
      %parallel_loop3A_522 = arith.addf %parallel_loop3A_517, %parallel_loop3A_521 : vector<16xf32>
      %parallel_loop3A_523 = arith.index_cast %parallel_loop3A_515 : i32 to index
      %parallel_loop3A_524 = tpu.vector_load %arg15[%parallel_loop3A_523] {strides = array<i32>} : memref<1280xf32, #tpu.memory_space<vmem>>, vector<16xf32>,
      tpu.vector_store %arg15[%parallel_loop3A_523], %parallel_loop3A_522 {strides = array<i32>} : memref<1280xf32, #tpu.memory_space<vmem>>, vector<16xf32>,
    } {sc.loop_unroll_factor = 1 : i64, sc.parallel_access}
    %mul3A_268 = arith.constant 640 : i32
    %mul3A_269 = arith.muli %arg1, %mul3A_268 : i32
    %run_scoped3A_270 = arith.constant 15 : i32
    "tpu.region"() ({
      %run_scoped3A_515 = tpu.sem_alloc : memref<!tpu.dma_semaphore, #tpu.memory_space<semaphore_mem>>
      %dma_start3A_516 = arith.constant 640 : i32
      %dma_start3A_517 = tpu.memref_slice %arg15[%dma_start3A_516] : memref<1280xf32, #tpu.memory_space<vmem>> -> memref<640xf32, #tpu.memory_space<vmem>>
      %dma_start3A_518 = tpu.memref_slice %arg18[%arg0, %run_scoped3A_270, %mul3A_269] : memref<2x16x10240xf32, #tpu.memory_space<vmem_shared>> -> memref<1x1x640xf32, #tpu.memory_space<vmem_shared>>
      %dma_start3A_519 = tpu.memref_squeeze %dma_start3A_518 : memref<1x1x640xf32, #tpu.memory_space<vmem_shared>> -> memref<640xf32, #tpu.memory_space<vmem_shared>>
      %dma_start3A_520 = arith.constant 640 : i32
      %dma_start3A_521 = tpu.memref_slice %arg15[%dma_start3A_520] : memref<1280xf32, #tpu.memory_space<vmem>> -> memref<640xf32, #tpu.memory_space<vmem>>
      %dma_start3A_522 = tpu.memref_slice %arg18[%arg0, %run_scoped3A_270, %mul3A_269] : memref<2x16x10240xf32, #tpu.memory_space<vmem_shared>> -> memref<1x1x640xf32, #tpu.memory_space<vmem_shared>>
      %dma_start3A_523 = tpu.memref_squeeze %dma_start3A_522 : memref<1x1x640xf32, #tpu.memory_space<vmem_shared>> -> memref<640xf32, #tpu.memory_space<vmem_shared>>
      tpu.enqueue_dma source(%dma_start3A_523 : memref<640xf32, #tpu.memory_space<vmem_shared>>) target(%dma_start3A_521 : memref<640xf32, #tpu.memory_space<vmem>>) target_semaphore(%run_scoped3A_515 : memref<!tpu.dma_semaphore, #tpu.memory_space<semaphore_mem>>)
      %dma_wait3A_524 = arith.constant 640 : i32
      %dma_wait3A_525 = tpu.memref_slice %arg15[%dma_wait3A_524] : memref<1280xf32, #tpu.memory_space<vmem>> -> memref<640xf32, #tpu.memory_space<vmem>>
      %dma_wait3A_526 = tpu.memref_slice %arg18[%arg0, %run_scoped3A_270, %mul3A_269] : memref<2x16x10240xf32, #tpu.memory_space<vmem_shared>> -> memref<1x1x640xf32, #tpu.memory_space<vmem_shared>>
      %dma_wait3A_527 = tpu.memref_squeeze %dma_wait3A_526 : memref<1x1x640xf32, #tpu.memory_space<vmem_shared>> -> memref<640xf32, #tpu.memory_space<vmem_shared>>
      %dma_wait3A_528 = arith.constant 640 : i32
      %dma_wait3A_529 = tpu.memref_slice %arg15[%dma_wait3A_528] : memref<1280xf32, #tpu.memory_space<vmem>> -> memref<640xf32, #tpu.memory_space<vmem>>
      %dma_wait3A_530 = tpu.memref_slice %arg18[%arg0, %run_scoped3A_270, %mul3A_269] : memref<2x16x10240xf32, #tpu.memory_space<vmem_shared>> -> memref<1x1x640xf32, #tpu.memory_space<vmem_shared>>
      %dma_wait3A_531 = tpu.memref_squeeze %dma_wait3A_530 : memref<1x1x640xf32, #tpu.memory_space<vmem_shared>> -> memref<640xf32, #tpu.memory_space<vmem_shared>>
      tpu.wait_dma2 semaphore(%run_scoped3A_515 : memref<!tpu.dma_semaphore, #tpu.memory_space<semaphore_mem>>) src(%dma_wait3A_531 : memref<640xf32, #tpu.memory_space<vmem_shared>>) dst(%dma_wait3A_529 : memref<640xf32, #tpu.memory_space<vmem>>)
      tpu.yield
    }) : () -> ()
    %parallel_loop3A_271 = arith.constant 0 : i32
    %parallel_loop3A_272 = arith.constant 640 : i32
    %parallel_loop3A_273 = arith.constant 16 : i32
    scf.for %parallel_loop3A_515 = %parallel_loop3A_271 to %parallel_loop3A_272 step %parallel_loop3A_273  : i32 {
      %parallel_loop3A_516 = arith.index_cast %parallel_loop3A_515 : i32 to index
      %parallel_loop3A_517 = tpu.vector_load %arg15[%parallel_loop3A_516] {strides = array<i32>} : memref<1280xf32, #tpu.memory_space<vmem>>, vector<16xf32>,
      %parallel_loop3A_518 = arith.constant 640 : i32
      %parallel_loop3A_519 = arith.addi %parallel_loop3A_518, %parallel_loop3A_515 : i32
      %parallel_loop3A_520 = arith.index_cast %parallel_loop3A_519 : i32 to index
      %parallel_loop3A_521 = tpu.vector_load %arg15[%parallel_loop3A_520] {strides = array<i32>} : memref<1280xf32, #tpu.memory_space<vmem>>, vector<16xf32>,
      %parallel_loop3A_522 = arith.addf %parallel_loop3A_517, %parallel_loop3A_521 : vector<16xf32>
      %parallel_loop3A_523 = arith.index_cast %parallel_loop3A_515 : i32 to index
      %parallel_loop3A_524 = tpu.vector_load %arg15[%parallel_loop3A_523] {strides = array<i32>} : memref<1280xf32, #tpu.memory_space<vmem>>, vector<16xf32>,
      tpu.vector_store %arg15[%parallel_loop3A_523], %parallel_loop3A_522 {strides = array<i32>} : memref<1280xf32, #tpu.memory_space<vmem>>, vector<16xf32>,
    } {sc.loop_unroll_factor = 1 : i64, sc.parallel_access}
    %parallel_loop3A_274 = arith.constant 0 : i32
    %parallel_loop3A_275 = arith.constant 640 : i32
    %parallel_loop3A_276 = arith.constant 16 : i32
    scf.for %parallel_loop3A_515 = %parallel_loop3A_274 to %parallel_loop3A_275 step %parallel_loop3A_276  : i32 {
      %parallel_loop3A_516 = arith.index_cast %parallel_loop3A_515 : i32 to index
      %parallel_loop3A_517 = tpu.vector_load %arg15[%parallel_loop3A_516] {strides = array<i32>} : memref<1280xf32, #tpu.memory_space<vmem>>, vector<16xf32>,
      %parallel_loop3A_518 = arith.constant 1.000000e+00 : f32
      %parallel_loop3A_519 = vector.broadcast %parallel_loop3A_518 : f32 to vector<16xf32>
      %parallel_loop3A_520 = arith.addf %parallel_loop3A_517, %parallel_loop3A_519 : vector<16xf32>
      %parallel_loop3A_521 = vector.bitcast %parallel_loop3A_520 : vector<16xf32> to vector<16xi32>
      %parallel_loop3A_522 = arith.constant 1 : i32
      %parallel_loop3A_523 = vector.broadcast %parallel_loop3A_522 : i32 to vector<16xi32>
      %parallel_loop3A_524 = arith.shrui %parallel_loop3A_521, %parallel_loop3A_523 : vector<16xi32>
      %parallel_loop3A_525 = arith.constant 1597463007 : i32
      %parallel_loop3A_526 = vector.broadcast %parallel_loop3A_525 : i32 to vector<16xi32>
      %parallel_loop3A_527 = arith.subi %parallel_loop3A_526, %parallel_loop3A_524 : vector<16xi32>
      %parallel_loop3A_528 = vector.bitcast %parallel_loop3A_527 : vector<16xi32> to vector<16xf32>
      %parallel_loop3A_529 = arith.constant 5.000000e-01 : f32
      %parallel_loop3A_530 = vector.broadcast %parallel_loop3A_529 : f32 to vector<16xf32>
      %parallel_loop3A_531 = arith.mulf %parallel_loop3A_530, %parallel_loop3A_520 : vector<16xf32>
      %parallel_loop3A_532 = arith.mulf %parallel_loop3A_531, %parallel_loop3A_528 : vector<16xf32>
      %parallel_loop3A_533 = arith.mulf %parallel_loop3A_532, %parallel_loop3A_528 : vector<16xf32>
      %parallel_loop3A_534 = arith.constant 1.500000e+00 : f32
      %parallel_loop3A_535 = vector.broadcast %parallel_loop3A_534 : f32 to vector<16xf32>
      %parallel_loop3A_536 = arith.subf %parallel_loop3A_535, %parallel_loop3A_533 : vector<16xf32>
      %parallel_loop3A_537 = arith.mulf %parallel_loop3A_528, %parallel_loop3A_536 : vector<16xf32>
      %parallel_loop3A_538 = arith.constant 5.000000e-01 : f32
      %parallel_loop3A_539 = vector.broadcast %parallel_loop3A_538 : f32 to vector<16xf32>
      %parallel_loop3A_540 = arith.mulf %parallel_loop3A_539, %parallel_loop3A_520 : vector<16xf32>
      %parallel_loop3A_541 = arith.mulf %parallel_loop3A_540, %parallel_loop3A_537 : vector<16xf32>
      %parallel_loop3A_542 = arith.mulf %parallel_loop3A_541, %parallel_loop3A_537 : vector<16xf32>
      %parallel_loop3A_543 = arith.constant 1.500000e+00 : f32
      %parallel_loop3A_544 = vector.broadcast %parallel_loop3A_543 : f32 to vector<16xf32>
      %parallel_loop3A_545 = arith.subf %parallel_loop3A_544, %parallel_loop3A_542 : vector<16xf32>
      %parallel_loop3A_546 = arith.mulf %parallel_loop3A_537, %parallel_loop3A_545 : vector<16xf32>
      %parallel_loop3A_547 = arith.constant 5.000000e-01 : f32
      %parallel_loop3A_548 = vector.broadcast %parallel_loop3A_547 : f32 to vector<16xf32>
      %parallel_loop3A_549 = arith.mulf %parallel_loop3A_548, %parallel_loop3A_520 : vector<16xf32>
      %parallel_loop3A_550 = arith.mulf %parallel_loop3A_549, %parallel_loop3A_546 : vector<16xf32>
      %parallel_loop3A_551 = arith.mulf %parallel_loop3A_550, %parallel_loop3A_546 : vector<16xf32>
      %parallel_loop3A_552 = arith.constant 1.500000e+00 : f32
      %parallel_loop3A_553 = vector.broadcast %parallel_loop3A_552 : f32 to vector<16xf32>
      %parallel_loop3A_554 = arith.subf %parallel_loop3A_553, %parallel_loop3A_551 : vector<16xf32>
      %parallel_loop3A_555 = arith.mulf %parallel_loop3A_546, %parallel_loop3A_554 : vector<16xf32>
      %parallel_loop3A_556 = arith.constant 0.000000e+00 : f32
      %parallel_loop3A_557 = vector.broadcast %parallel_loop3A_556 : f32 to vector<16xf32>
      %parallel_loop3A_558 = arith.cmpf ogt, %parallel_loop3A_520, %parallel_loop3A_557 : vector<16xf32>
      %parallel_loop3A_559 = arith.constant 0.000000e+00 : f32
      %parallel_loop3A_560 = vector.broadcast %parallel_loop3A_559 : f32 to vector<16xf32>
      %parallel_loop3A_561 = arith.select %parallel_loop3A_558, %parallel_loop3A_555, %parallel_loop3A_560 : vector<16xi1>, vector<16xf32>
      %parallel_loop3A_562 = arith.index_cast %parallel_loop3A_515 : i32 to index
      %parallel_loop3A_563 = tpu.vector_load %arg15[%parallel_loop3A_562] {strides = array<i32>} : memref<1280xf32, #tpu.memory_space<vmem>>, vector<16xf32>,
      tpu.vector_store %arg15[%parallel_loop3A_562], %parallel_loop3A_561 {strides = array<i32>} : memref<1280xf32, #tpu.memory_space<vmem>>, vector<16xf32>,
    } {sc.loop_unroll_factor = 2 : i64, sc.parallel_access}
    %mul3A_277 = arith.constant 640 : i32
    %mul3A_278 = arith.muli %arg1, %mul3A_277 : i32
    "tpu.region"() ({
      %run_scoped3A_515 = tpu.sem_alloc : memref<!tpu.dma_semaphore, #tpu.memory_space<semaphore_mem>>
      %dma_start3A_516 = arith.constant 0 : i32
      %dma_start3A_517 = tpu.memref_slice %arg15[%dma_start3A_516] : memref<1280xf32, #tpu.memory_space<vmem>> -> memref<640xf32, #tpu.memory_space<vmem>>
      %dma_start3A_518 = tpu.memref_slice %arg19[%arg0, %mul3A_278] : memref<2x10240xf32, #tpu.memory_space<vmem_shared>> -> memref<1x640xf32, #tpu.memory_space<vmem_shared>>
      %dma_start3A_519 = tpu.memref_squeeze %dma_start3A_518 : memref<1x640xf32, #tpu.memory_space<vmem_shared>> -> memref<640xf32, #tpu.memory_space<vmem_shared>>
      %dma_start3A_520 = tpu.memref_slice %arg19[%arg0, %mul3A_278] : memref<2x10240xf32, #tpu.memory_space<vmem_shared>> -> memref<1x640xf32, #tpu.memory_space<vmem_shared>>
      %dma_start3A_521 = tpu.memref_squeeze %dma_start3A_520 : memref<1x640xf32, #tpu.memory_space<vmem_shared>> -> memref<640xf32, #tpu.memory_space<vmem_shared>>
      %dma_start3A_522 = arith.constant 0 : i32
      %dma_start3A_523 = tpu.memref_slice %arg15[%dma_start3A_522] : memref<1280xf32, #tpu.memory_space<vmem>> -> memref<640xf32, #tpu.memory_space<vmem>>
      tpu.enqueue_dma source(%dma_start3A_523 : memref<640xf32, #tpu.memory_space<vmem>>) target(%dma_start3A_521 : memref<640xf32, #tpu.memory_space<vmem_shared>>) target_semaphore(%run_scoped3A_515 : memref<!tpu.dma_semaphore, #tpu.memory_space<semaphore_mem>>)
      %dma_wait3A_524 = arith.constant 0 : i32
      %dma_wait3A_525 = tpu.memref_slice %arg15[%dma_wait3A_524] : memref<1280xf32, #tpu.memory_space<vmem>> -> memref<640xf32, #tpu.memory_space<vmem>>
      %dma_wait3A_526 = tpu.memref_slice %arg19[%arg0, %mul3A_278] : memref<2x10240xf32, #tpu.memory_space<vmem_shared>> -> memref<1x640xf32, #tpu.memory_space<vmem_shared>>
      %dma_wait3A_527 = tpu.memref_squeeze %dma_wait3A_526 : memref<1x640xf32, #tpu.memory_space<vmem_shared>> -> memref<640xf32, #tpu.memory_space<vmem_shared>>
      %dma_wait3A_528 = tpu.memref_slice %arg19[%arg0, %mul3A_278] : memref<2x10240xf32, #tpu.memory_space<vmem_shared>> -> memref<1x640xf32, #tpu.memory_space<vmem_shared>>
      %dma_wait3A_529 = tpu.memref_squeeze %dma_wait3A_528 : memref<1x640xf32, #tpu.memory_space<vmem_shared>> -> memref<640xf32, #tpu.memory_space<vmem_shared>>
      %dma_wait3A_530 = arith.constant 0 : i32
      %dma_wait3A_531 = tpu.memref_slice %arg15[%dma_wait3A_530] : memref<1280xf32, #tpu.memory_space<vmem>> -> memref<640xf32, #tpu.memory_space<vmem>>
      tpu.wait_dma2 semaphore(%run_scoped3A_515 : memref<!tpu.dma_semaphore, #tpu.memory_space<semaphore_mem>>) src(%dma_wait3A_531 : memref<640xf32, #tpu.memory_space<vmem>>) dst(%dma_wait3A_529 : memref<640xf32, #tpu.memory_space<vmem_shared>>)
      tpu.yield
    }) : () -> ()
    %barrier3A_279 = arith.constant 0 : index
    tpu.barrier barrier_id(%barrier3A_279)
    "tpu.region"() ({
      %run_scoped3A_515 = tpu.sem_alloc : memref<!tpu.dma_semaphore, #tpu.memory_space<semaphore_mem>>
      %dma_start3A_516 = arith.constant 0 : i32
      %dma_start3A_517 = tpu.memref_slice %arg19[%arg0, %dma_start3A_516] : memref<2x10240xf32, #tpu.memory_space<vmem_shared>> -> memref<1x10240xf32, #tpu.memory_space<vmem_shared>>
      %dma_start3A_518 = tpu.memref_squeeze %dma_start3A_517 : memref<1x10240xf32, #tpu.memory_space<vmem_shared>> -> memref<10240xf32, #tpu.memory_space<vmem_shared>>
      %dma_start3A_519 = arith.constant 0 : i32
      %dma_start3A_520 = tpu.memref_slice %arg19[%arg0, %dma_start3A_519] : memref<2x10240xf32, #tpu.memory_space<vmem_shared>> -> memref<1x10240xf32, #tpu.memory_space<vmem_shared>>
      %dma_start3A_521 = tpu.memref_squeeze %dma_start3A_520 : memref<1x10240xf32, #tpu.memory_space<vmem_shared>> -> memref<10240xf32, #tpu.memory_space<vmem_shared>>
      tpu.enqueue_dma source(%dma_start3A_521 : memref<10240xf32, #tpu.memory_space<vmem_shared>>) target(%arg14 : memref<10240xf32, #tpu.memory_space<vmem>>) target_semaphore(%run_scoped3A_515 : memref<!tpu.dma_semaphore, #tpu.memory_space<semaphore_mem>>)
      %dma_wait3A_522 = arith.constant 0 : i32
      %dma_wait3A_523 = tpu.memref_slice %arg19[%arg0, %dma_wait3A_522] : memref<2x10240xf32, #tpu.memory_space<vmem_shared>> -> memref<1x10240xf32, #tpu.memory_space<vmem_shared>>
      %dma_wait3A_524 = tpu.memref_squeeze %dma_wait3A_523 : memref<1x10240xf32, #tpu.memory_space<vmem_shared>> -> memref<10240xf32, #tpu.memory_space<vmem_shared>>
      %dma_wait3A_525 = arith.constant 0 : i32
      %dma_wait3A_526 = tpu.memref_slice %arg19[%arg0, %dma_wait3A_525] : memref<2x10240xf32, #tpu.memory_space<vmem_shared>> -> memref<1x10240xf32, #tpu.memory_space<vmem_shared>>
      %dma_wait3A_527 = tpu.memref_squeeze %dma_wait3A_526 : memref<1x10240xf32, #tpu.memory_space<vmem_shared>> -> memref<10240xf32, #tpu.memory_space<vmem_shared>>
      tpu.wait_dma2 semaphore(%run_scoped3A_515 : memref<!tpu.dma_semaphore, #tpu.memory_space<semaphore_mem>>) src(%dma_wait3A_527 : memref<10240xf32, #tpu.memory_space<vmem_shared>>) dst(%arg14 : memref<10240xf32, #tpu.memory_space<vmem>>)
      tpu.yield
    }) : () -> ()
    %eq3A_280 = arith.constant 0 : i32
    %eq3A_281 = arith.cmpi eq, %arg1, %eq3A_280 : i32
    %convert_element_type3A = arith.extui %eq3A_281 : i1 to i32
    %cond3A = arith.constant 0 : i32
    %cond3A_282 = arith.cmpi ne, %convert_element_type3A, %cond3A : i32
    scf.if %cond3A_282 {
      "tpu.region"() ({
        %run_scoped3A_515 = tpu.sem_alloc : memref<!tpu.dma_semaphore, #tpu.memory_space<semaphore_mem>>
        %dma_start3A_516 = arith.constant 0 : i32
        %dma_start3A_517 = tpu.memref_slice %arg7[%arg0, %dma_start3A_516] : memref<2x10240xf32, #tpu.memory_space<hbm>> -> memref<1x10240xf32, #tpu.memory_space<hbm>>
        %dma_start3A_518 = tpu.memref_squeeze %dma_start3A_517 : memref<1x10240xf32, #tpu.memory_space<hbm>> -> memref<10240xf32, #tpu.memory_space<hbm>>
        %dma_start3A_519 = arith.constant 0 : i32
        %dma_start3A_520 = tpu.memref_slice %arg7[%arg0, %dma_start3A_519] : memref<2x10240xf32, #tpu.memory_space<hbm>> -> memref<1x10240xf32, #tpu.memory_space<hbm>>
        %dma_start3A_521 = tpu.memref_squeeze %dma_start3A_520 : memref<1x10240xf32, #tpu.memory_space<hbm>> -> memref<10240xf32, #tpu.memory_space<hbm>>
        tpu.enqueue_dma source(%arg14 : memref<10240xf32, #tpu.memory_space<vmem>>) target(%dma_start3A_521 : memref<10240xf32, #tpu.memory_space<hbm>>) target_semaphore(%run_scoped3A_515 : memref<!tpu.dma_semaphore, #tpu.memory_space<semaphore_mem>>)
        %dma_wait3A_522 = arith.constant 0 : i32
        %dma_wait3A_523 = tpu.memref_slice %arg7[%arg0, %dma_wait3A_522] : memref<2x10240xf32, #tpu.memory_space<hbm>> -> memref<1x10240xf32, #tpu.memory_space<hbm>>
        %dma_wait3A_524 = tpu.memref_squeeze %dma_wait3A_523 : memref<1x10240xf32, #tpu.memory_space<hbm>> -> memref<10240xf32, #tpu.memory_space<hbm>>
        %dma_wait3A_525 = arith.constant 0 : i32
        %dma_wait3A_526 = tpu.memref_slice %arg7[%arg0, %dma_wait3A_525] : memref<2x10240xf32, #tpu.memory_space<hbm>> -> memref<1x10240xf32, #tpu.memory_space<hbm>>
        %dma_wait3A_527 = tpu.memref_squeeze %dma_wait3A_526 : memref<1x10240xf32, #tpu.memory_space<hbm>> -> memref<10240xf32, #tpu.memory_space<hbm>>
        tpu.wait_dma2 semaphore(%run_scoped3A_515 : memref<!tpu.dma_semaphore, #tpu.memory_space<semaphore_mem>>) src(%arg14 : memref<10240xf32, #tpu.memory_space<vmem>>) dst(%dma_wait3A_527 : memref<10240xf32, #tpu.memory_space<hbm>>)
        tpu.yield
      }) : () -> ()
    } else {
    }
    %dma_wait3A_283 = arith.constant 0 : i32
    %dma_wait3A_284 = tpu.memref_slice %arg5[%add3A_19, %dma_wait3A_283] : memref<5x10000xf32, #tpu.memory_space<hbm>> -> memref<1x10000xf32, #tpu.memory_space<hbm>>
    %dma_wait3A_285 = tpu.memref_squeeze %dma_wait3A_284 : memref<1x10000xf32, #tpu.memory_space<hbm>> -> memref<10000xf32, #tpu.memory_space<hbm>>
    %dma_wait3A_286 = arith.constant 0 : i32
    %dma_wait3A_287 = tpu.memref_slice %arg5[%add3A_19, %dma_wait3A_286] : memref<5x10000xf32, #tpu.memory_space<hbm>> -> memref<1x10000xf32, #tpu.memory_space<hbm>>
    %dma_wait3A_288 = tpu.memref_squeeze %dma_wait3A_287 : memref<1x10000xf32, #tpu.memory_space<hbm>> -> memref<10000xf32, #tpu.memory_space<hbm>>
    tpu.wait_dma2 semaphore(%arg22 : memref<!tpu.dma_semaphore, #tpu.memory_space<semaphore_mem>>) src(%dma_wait3A_288 : memref<10000xf32, #tpu.memory_space<hbm>>) dst(%arg16 : memref<10000xf32, #tpu.memory_space<vmem>>)
    %parallel_loop3A_289 = arith.constant 0 : i32
    %parallel_loop3A_290 = arith.constant 10000 : i32
    %parallel_loop3A_291 = arith.constant 16 : i32
    scf.for %parallel_loop3A_515 = %parallel_loop3A_289 to %parallel_loop3A_290 step %parallel_loop3A_291  : i32 {
      %parallel_loop3A_516 = arith.index_cast %parallel_loop3A_515 : i32 to index
      %parallel_loop3A_517 = tpu.vector_load %arg16[%parallel_loop3A_516] {strides = array<i32>} : memref<10000xf32, #tpu.memory_space<vmem>>, vector<16xf32>,
      %parallel_loop3A_518 = arith.index_cast %parallel_loop3A_515 : i32 to index
      %parallel_loop3A_519 = tpu.vector_load %arg14[%parallel_loop3A_518] {strides = array<i32>} : memref<10240xf32, #tpu.memory_space<vmem>>, vector<16xf32>,
      %parallel_loop3A_520 = arith.mulf %parallel_loop3A_517, %parallel_loop3A_519 : vector<16xf32>
      %parallel_loop3A_521 = arith.index_cast %parallel_loop3A_515 : i32 to index
      %parallel_loop3A_522 = tpu.vector_load %arg16[%parallel_loop3A_521] {strides = array<i32>} : memref<10000xf32, #tpu.memory_space<vmem>>, vector<16xf32>,
      tpu.vector_store %arg16[%parallel_loop3A_521], %parallel_loop3A_520 {strides = array<i32>} : memref<10000xf32, #tpu.memory_space<vmem>>, vector<16xf32>,
    } {sc.loop_unroll_factor = 4 : i64, sc.parallel_access}
    %dma_wait3A_292 = arith.constant 0 : i32
    %dma_wait3A_293 = tpu.memref_slice %arg8[%dma_wait3A_292] : memref<5008xi32, #tpu.memory_space<vmem>> -> memref<5000xi32, #tpu.memory_space<vmem>>
    %dma_wait3A_294 = tpu.memref_slice %arg2[%add3A_106] : memref<160000xi32, #tpu.memory_space<hbm>> -> memref<5000xi32, #tpu.memory_space<hbm>>
    %dma_wait3A_295 = arith.constant 0 : i32
    %dma_wait3A_296 = tpu.memref_slice %arg8[%dma_wait3A_295] : memref<5008xi32, #tpu.memory_space<vmem>> -> memref<5000xi32, #tpu.memory_space<vmem>>
    %dma_wait3A_297 = tpu.memref_slice %arg2[%add3A_106] : memref<160000xi32, #tpu.memory_space<hbm>> -> memref<5000xi32, #tpu.memory_space<hbm>>
    tpu.wait_dma2 semaphore(%arg20 : memref<!tpu.dma_semaphore, #tpu.memory_space<semaphore_mem>>) src(%dma_wait3A_297 : memref<5000xi32, #tpu.memory_space<hbm>>) dst(%dma_wait3A_296 : memref<5000xi32, #tpu.memory_space<vmem>>)
    %dma_wait3A_298 = arith.constant 0 : i32
    %dma_wait3A_299 = tpu.memref_slice %arg9[%dma_wait3A_298] : memref<5008xi32, #tpu.memory_space<vmem>> -> memref<5000xi32, #tpu.memory_space<vmem>>
    %dma_wait3A_300 = tpu.memref_slice %arg3[%add3A_114] : memref<160000xi32, #tpu.memory_space<hbm>> -> memref<5000xi32, #tpu.memory_space<hbm>>
    %dma_wait3A_301 = arith.constant 0 : i32
    %dma_wait3A_302 = tpu.memref_slice %arg9[%dma_wait3A_301] : memref<5008xi32, #tpu.memory_space<vmem>> -> memref<5000xi32, #tpu.memory_space<vmem>>
    %dma_wait3A_303 = tpu.memref_slice %arg3[%add3A_114] : memref<160000xi32, #tpu.memory_space<hbm>> -> memref<5000xi32, #tpu.memory_space<hbm>>
    tpu.wait_dma2 semaphore(%arg20 : memref<!tpu.dma_semaphore, #tpu.memory_space<semaphore_mem>>) src(%dma_wait3A_303 : memref<5000xi32, #tpu.memory_space<hbm>>) dst(%dma_wait3A_302 : memref<5000xi32, #tpu.memory_space<vmem>>)
    %dma_wait3A_304 = arith.constant 0 : i32
    %dma_wait3A_305 = tpu.memref_slice %arg10[%dma_wait3A_304] : memref<5008xf32, #tpu.memory_space<vmem>> -> memref<5000xf32, #tpu.memory_space<vmem>>
    %dma_wait3A_306 = tpu.memref_slice %arg4[%add3A_122] : memref<160000xf32, #tpu.memory_space<hbm>> -> memref<5000xf32, #tpu.memory_space<hbm>>
    %dma_wait3A_307 = arith.constant 0 : i32
    %dma_wait3A_308 = tpu.memref_slice %arg10[%dma_wait3A_307] : memref<5008xf32, #tpu.memory_space<vmem>> -> memref<5000xf32, #tpu.memory_space<vmem>>
    %dma_wait3A_309 = tpu.memref_slice %arg4[%add3A_122] : memref<160000xf32, #tpu.memory_space<hbm>> -> memref<5000xf32, #tpu.memory_space<hbm>>
    tpu.wait_dma2 semaphore(%arg20 : memref<!tpu.dma_semaphore, #tpu.memory_space<semaphore_mem>>) src(%dma_wait3A_309 : memref<5000xf32, #tpu.memory_space<hbm>>) dst(%dma_wait3A_308 : memref<5000xf32, #tpu.memory_space<vmem>>)
    %parallel_loop3A_310 = arith.constant 0 : i32
    %parallel_loop3A_311 = arith.constant 4992 : i32
    %parallel_loop3A_312 = arith.constant 16 : i32
    scf.for %parallel_loop3A_515 = %parallel_loop3A_310 to %parallel_loop3A_311 step %parallel_loop3A_312  : i32 {
      %parallel_loop3A_516 = arith.index_cast %parallel_loop3A_515 : i32 to index
      %parallel_loop3A_517 = tpu.vector_load %arg8[%parallel_loop3A_516] {strides = array<i32>} : memref<5008xi32, #tpu.memory_space<vmem>>, vector<16xi32>,
      %parallel_loop3A_518 = arith.index_cast %parallel_loop3A_515 : i32 to index
      %parallel_loop3A_519 = tpu.vector_load %arg9[%parallel_loop3A_518] {strides = array<i32>} : memref<5008xi32, #tpu.memory_space<vmem>>, vector<16xi32>,
      %parallel_loop3A_520 = arith.index_cast %parallel_loop3A_515 : i32 to index
      %parallel_loop3A_521 = tpu.vector_load %arg10[%parallel_loop3A_520] {strides = array<i32>} : memref<5008xf32, #tpu.memory_space<vmem>>, vector<16xf32>,
      %parallel_loop3A_522 = tpu.vector_load_idx %arg16[%parallel_loop3A_517] : memref<10000xf32, #tpu.memory_space<vmem>>[vector<16xi32>], vector<16xf32>,
      %parallel_loop3A_523 = tpu.vector_load_idx %arg14[%parallel_loop3A_519] : memref<10240xf32, #tpu.memory_space<vmem>>[vector<16xi32>], vector<16xf32>,
      %parallel_loop3A_524 = arith.mulf %parallel_loop3A_521, %parallel_loop3A_522 : vector<16xf32>
      %parallel_loop3A_525 = arith.mulf %parallel_loop3A_524, %parallel_loop3A_523 : vector<16xf32>
      tpu.vector_store_idx %arg17[%parallel_loop3A_519], %parallel_loop3A_525 {add = true} : memref<10000xf32, #tpu.memory_space<vmem>>[vector<16xi32>], vector<16xf32>,
    } {sc.loop_unroll_factor = 2 : i64, sc.parallel_access}
    %iota3A_313 = tpu.iota {dimensions = array<i32: 0>} : vector<16xi32>
    %lt3A_314 = arith.constant 8 : i32
    %lt3A_315 = vector.broadcast %lt3A_314 : i32 to vector<16xi32>
    %lt3A_316 = arith.cmpi slt, %iota3A_313, %lt3A_315 : vector<16xi32>
    %get3A_317 = arith.constant 4992 : index
    %get3A_318 = tpu.vector_load %arg8[%get3A_317] {strides = array<i32>} : memref<5008xi32, #tpu.memory_space<vmem>>, vector<16xi32>,
    %jit3A_319 = arith.constant 0 : i32
    %broadcast_in_dim3A_320 = vector.broadcast %jit3A_319 : i32 to vector<16xi32>
    %select_n3A_321 = arith.select %lt3A_316, %get3A_318, %broadcast_in_dim3A_320 : vector<16xi1>, vector<16xi32>
    %get3A_322 = arith.constant 4992 : index
    %get3A_323 = tpu.vector_load %arg9[%get3A_322] {strides = array<i32>} : memref<5008xi32, #tpu.memory_space<vmem>>, vector<16xi32>,
    %jit3A_324 = arith.constant 0 : i32
    %broadcast_in_dim3A_325 = vector.broadcast %jit3A_324 : i32 to vector<16xi32>
    %select_n3A_326 = arith.select %lt3A_316, %get3A_323, %broadcast_in_dim3A_325 : vector<16xi1>, vector<16xi32>
    %get3A_327 = arith.constant 4992 : index
    %get3A_328 = tpu.vector_load %arg10[%get3A_327] {strides = array<i32>} : memref<5008xf32, #tpu.memory_space<vmem>>, vector<16xf32>,
    %jit3A_329 = arith.constant 0.000000e+00 : f32
    %broadcast_in_dim3A_330 = vector.broadcast %jit3A_329 : f32 to vector<16xf32>
    %select_n3A_331 = arith.select %lt3A_316, %get3A_328, %broadcast_in_dim3A_330 : vector<16xi1>, vector<16xf32>
    %gather3A = tpu.vector_load_idx %arg16[%select_n3A_321] : memref<10000xf32, #tpu.memory_space<vmem>>[vector<16xi32>], vector<16xf32>,
    %gather3A_332 = tpu.vector_load_idx %arg14[%select_n3A_326] : memref<10240xf32, #tpu.memory_space<vmem>>[vector<16xi32>], vector<16xf32>,
    %mul3A_333 = arith.mulf %select_n3A_331, %gather3A : vector<16xf32>
    %mul3A_334 = arith.mulf %mul3A_333, %gather3A_332 : vector<16xf32>
    tpu.vector_store_idx %arg17[%select_n3A_326], %mul3A_334 {add = true} : memref<10000xf32, #tpu.memory_space<vmem>>[vector<16xi32>], vector<16xf32>,
    %add3A_335 = arith.constant 10000 : i32
    %add3A_336 = arith.addi %mul3A_37, %add3A_335 : i32
    %dma_start3A_337 = arith.constant 0 : i32
    %dma_start3A_338 = tpu.memref_slice %arg8[%dma_start3A_337] : memref<5008xi32, #tpu.memory_space<vmem>> -> memref<5000xi32, #tpu.memory_space<vmem>>
    %dma_start3A_339 = tpu.memref_slice %arg2[%add3A_336] : memref<160000xi32, #tpu.memory_space<hbm>> -> memref<5000xi32, #tpu.memory_space<hbm>>
    %dma_start3A_340 = arith.constant 0 : i32
    %dma_start3A_341 = tpu.memref_slice %arg8[%dma_start3A_340] : memref<5008xi32, #tpu.memory_space<vmem>> -> memref<5000xi32, #tpu.memory_space<vmem>>
    %dma_start3A_342 = tpu.memref_slice %arg2[%add3A_336] : memref<160000xi32, #tpu.memory_space<hbm>> -> memref<5000xi32, #tpu.memory_space<hbm>>
    tpu.enqueue_dma source(%dma_start3A_342 : memref<5000xi32, #tpu.memory_space<hbm>>) target(%dma_start3A_341 : memref<5000xi32, #tpu.memory_space<vmem>>) target_semaphore(%arg20 : memref<!tpu.dma_semaphore, #tpu.memory_space<semaphore_mem>>)
    %add3A_343 = arith.constant 10000 : i32
    %add3A_344 = arith.addi %mul3A_37, %add3A_343 : i32
    %dma_start3A_345 = arith.constant 0 : i32
    %dma_start3A_346 = tpu.memref_slice %arg9[%dma_start3A_345] : memref<5008xi32, #tpu.memory_space<vmem>> -> memref<5000xi32, #tpu.memory_space<vmem>>
    %dma_start3A_347 = tpu.memref_slice %arg3[%add3A_344] : memref<160000xi32, #tpu.memory_space<hbm>> -> memref<5000xi32, #tpu.memory_space<hbm>>
    %dma_start3A_348 = arith.constant 0 : i32
    %dma_start3A_349 = tpu.memref_slice %arg9[%dma_start3A_348] : memref<5008xi32, #tpu.memory_space<vmem>> -> memref<5000xi32, #tpu.memory_space<vmem>>
    %dma_start3A_350 = tpu.memref_slice %arg3[%add3A_344] : memref<160000xi32, #tpu.memory_space<hbm>> -> memref<5000xi32, #tpu.memory_space<hbm>>
    tpu.enqueue_dma source(%dma_start3A_350 : memref<5000xi32, #tpu.memory_space<hbm>>) target(%dma_start3A_349 : memref<5000xi32, #tpu.memory_space<vmem>>) target_semaphore(%arg20 : memref<!tpu.dma_semaphore, #tpu.memory_space<semaphore_mem>>)
    %add3A_351 = arith.constant 10000 : i32
    %add3A_352 = arith.addi %mul3A_37, %add3A_351 : i32
    %dma_start3A_353 = arith.constant 0 : i32
    %dma_start3A_354 = tpu.memref_slice %arg10[%dma_start3A_353] : memref<5008xf32, #tpu.memory_space<vmem>> -> memref<5000xf32, #tpu.memory_space<vmem>>
    %dma_start3A_355 = tpu.memref_slice %arg4[%add3A_352] : memref<160000xf32, #tpu.memory_space<hbm>> -> memref<5000xf32, #tpu.memory_space<hbm>>
    %dma_start3A_356 = arith.constant 0 : i32
    %dma_start3A_357 = tpu.memref_slice %arg10[%dma_start3A_356] : memref<5008xf32, #tpu.memory_space<vmem>> -> memref<5000xf32, #tpu.memory_space<vmem>>
    %dma_start3A_358 = tpu.memref_slice %arg4[%add3A_352] : memref<160000xf32, #tpu.memory_space<hbm>> -> memref<5000xf32, #tpu.memory_space<hbm>>
    tpu.enqueue_dma source(%dma_start3A_358 : memref<5000xf32, #tpu.memory_space<hbm>>) target(%dma_start3A_357 : memref<5000xf32, #tpu.memory_space<vmem>>) target_semaphore(%arg20 : memref<!tpu.dma_semaphore, #tpu.memory_space<semaphore_mem>>)
    %dma_wait3A_359 = arith.constant 0 : i32
    %dma_wait3A_360 = tpu.memref_slice %arg11[%dma_wait3A_359] : memref<5008xi32, #tpu.memory_space<vmem>> -> memref<5000xi32, #tpu.memory_space<vmem>>
    %dma_wait3A_361 = tpu.memref_slice %arg2[%add3A_159] : memref<160000xi32, #tpu.memory_space<hbm>> -> memref<5000xi32, #tpu.memory_space<hbm>>
    %dma_wait3A_362 = arith.constant 0 : i32
    %dma_wait3A_363 = tpu.memref_slice %arg11[%dma_wait3A_362] : memref<5008xi32, #tpu.memory_space<vmem>> -> memref<5000xi32, #tpu.memory_space<vmem>>
    %dma_wait3A_364 = tpu.memref_slice %arg2[%add3A_159] : memref<160000xi32, #tpu.memory_space<hbm>> -> memref<5000xi32, #tpu.memory_space<hbm>>
    tpu.wait_dma2 semaphore(%arg21 : memref<!tpu.dma_semaphore, #tpu.memory_space<semaphore_mem>>) src(%dma_wait3A_364 : memref<5000xi32, #tpu.memory_space<hbm>>) dst(%dma_wait3A_363 : memref<5000xi32, #tpu.memory_space<vmem>>)
    %dma_wait3A_365 = arith.constant 0 : i32
    %dma_wait3A_366 = tpu.memref_slice %arg12[%dma_wait3A_365] : memref<5008xi32, #tpu.memory_space<vmem>> -> memref<5000xi32, #tpu.memory_space<vmem>>
    %dma_wait3A_367 = tpu.memref_slice %arg3[%add3A_167] : memref<160000xi32, #tpu.memory_space<hbm>> -> memref<5000xi32, #tpu.memory_space<hbm>>
    %dma_wait3A_368 = arith.constant 0 : i32
    %dma_wait3A_369 = tpu.memref_slice %arg12[%dma_wait3A_368] : memref<5008xi32, #tpu.memory_space<vmem>> -> memref<5000xi32, #tpu.memory_space<vmem>>
    %dma_wait3A_370 = tpu.memref_slice %arg3[%add3A_167] : memref<160000xi32, #tpu.memory_space<hbm>> -> memref<5000xi32, #tpu.memory_space<hbm>>
    tpu.wait_dma2 semaphore(%arg21 : memref<!tpu.dma_semaphore, #tpu.memory_space<semaphore_mem>>) src(%dma_wait3A_370 : memref<5000xi32, #tpu.memory_space<hbm>>) dst(%dma_wait3A_369 : memref<5000xi32, #tpu.memory_space<vmem>>)
    %dma_wait3A_371 = arith.constant 0 : i32
    %dma_wait3A_372 = tpu.memref_slice %arg13[%dma_wait3A_371] : memref<5008xf32, #tpu.memory_space<vmem>> -> memref<5000xf32, #tpu.memory_space<vmem>>
    %dma_wait3A_373 = tpu.memref_slice %arg4[%add3A_175] : memref<160000xf32, #tpu.memory_space<hbm>> -> memref<5000xf32, #tpu.memory_space<hbm>>
    %dma_wait3A_374 = arith.constant 0 : i32
    %dma_wait3A_375 = tpu.memref_slice %arg13[%dma_wait3A_374] : memref<5008xf32, #tpu.memory_space<vmem>> -> memref<5000xf32, #tpu.memory_space<vmem>>
    %dma_wait3A_376 = tpu.memref_slice %arg4[%add3A_175] : memref<160000xf32, #tpu.memory_space<hbm>> -> memref<5000xf32, #tpu.memory_space<hbm>>
    tpu.wait_dma2 semaphore(%arg21 : memref<!tpu.dma_semaphore, #tpu.memory_space<semaphore_mem>>) src(%dma_wait3A_376 : memref<5000xf32, #tpu.memory_space<hbm>>) dst(%dma_wait3A_375 : memref<5000xf32, #tpu.memory_space<vmem>>)
    %parallel_loop3A_377 = arith.constant 0 : i32
    %parallel_loop3A_378 = arith.constant 4992 : i32
    %parallel_loop3A_379 = arith.constant 16 : i32
    scf.for %parallel_loop3A_515 = %parallel_loop3A_377 to %parallel_loop3A_378 step %parallel_loop3A_379  : i32 {
      %parallel_loop3A_516 = arith.index_cast %parallel_loop3A_515 : i32 to index
      %parallel_loop3A_517 = tpu.vector_load %arg11[%parallel_loop3A_516] {strides = array<i32>} : memref<5008xi32, #tpu.memory_space<vmem>>, vector<16xi32>,
      %parallel_loop3A_518 = arith.index_cast %parallel_loop3A_515 : i32 to index
      %parallel_loop3A_519 = tpu.vector_load %arg12[%parallel_loop3A_518] {strides = array<i32>} : memref<5008xi32, #tpu.memory_space<vmem>>, vector<16xi32>,
      %parallel_loop3A_520 = arith.index_cast %parallel_loop3A_515 : i32 to index
      %parallel_loop3A_521 = tpu.vector_load %arg13[%parallel_loop3A_520] {strides = array<i32>} : memref<5008xf32, #tpu.memory_space<vmem>>, vector<16xf32>,
      %parallel_loop3A_522 = tpu.vector_load_idx %arg16[%parallel_loop3A_517] : memref<10000xf32, #tpu.memory_space<vmem>>[vector<16xi32>], vector<16xf32>,
      %parallel_loop3A_523 = tpu.vector_load_idx %arg14[%parallel_loop3A_519] : memref<10240xf32, #tpu.memory_space<vmem>>[vector<16xi32>], vector<16xf32>,
      %parallel_loop3A_524 = arith.mulf %parallel_loop3A_521, %parallel_loop3A_522 : vector<16xf32>
      %parallel_loop3A_525 = arith.mulf %parallel_loop3A_524, %parallel_loop3A_523 : vector<16xf32>
      tpu.vector_store_idx %arg17[%parallel_loop3A_519], %parallel_loop3A_525 {add = true} : memref<10000xf32, #tpu.memory_space<vmem>>[vector<16xi32>], vector<16xf32>,
    } {sc.loop_unroll_factor = 2 : i64, sc.parallel_access}
    %iota3A_380 = tpu.iota {dimensions = array<i32: 0>} : vector<16xi32>
    %lt3A_381 = arith.constant 8 : i32
    %lt3A_382 = vector.broadcast %lt3A_381 : i32 to vector<16xi32>
    %lt3A_383 = arith.cmpi slt, %iota3A_380, %lt3A_382 : vector<16xi32>
    %get3A_384 = arith.constant 4992 : index
    %get3A_385 = tpu.vector_load %arg11[%get3A_384] {strides = array<i32>} : memref<5008xi32, #tpu.memory_space<vmem>>, vector<16xi32>,
    %jit3A_386 = arith.constant 0 : i32
    %broadcast_in_dim3A_387 = vector.broadcast %jit3A_386 : i32 to vector<16xi32>
    %select_n3A_388 = arith.select %lt3A_383, %get3A_385, %broadcast_in_dim3A_387 : vector<16xi1>, vector<16xi32>
    %get3A_389 = arith.constant 4992 : index
    %get3A_390 = tpu.vector_load %arg12[%get3A_389] {strides = array<i32>} : memref<5008xi32, #tpu.memory_space<vmem>>, vector<16xi32>,
    %jit3A_391 = arith.constant 0 : i32
    %broadcast_in_dim3A_392 = vector.broadcast %jit3A_391 : i32 to vector<16xi32>
    %select_n3A_393 = arith.select %lt3A_383, %get3A_390, %broadcast_in_dim3A_392 : vector<16xi1>, vector<16xi32>
    %get3A_394 = arith.constant 4992 : index
    %get3A_395 = tpu.vector_load %arg13[%get3A_394] {strides = array<i32>} : memref<5008xf32, #tpu.memory_space<vmem>>, vector<16xf32>,
    %jit3A_396 = arith.constant 0.000000e+00 : f32
    %broadcast_in_dim3A_397 = vector.broadcast %jit3A_396 : f32 to vector<16xf32>
    %select_n3A_398 = arith.select %lt3A_383, %get3A_395, %broadcast_in_dim3A_397 : vector<16xi1>, vector<16xf32>
    %gather3A_399 = tpu.vector_load_idx %arg16[%select_n3A_388] : memref<10000xf32, #tpu.memory_space<vmem>>[vector<16xi32>], vector<16xf32>,
    %gather3A_400 = tpu.vector_load_idx %arg14[%select_n3A_393] : memref<10240xf32, #tpu.memory_space<vmem>>[vector<16xi32>], vector<16xf32>,
    %mul3A_401 = arith.mulf %select_n3A_398, %gather3A_399 : vector<16xf32>
    %mul3A_402 = arith.mulf %mul3A_401, %gather3A_400 : vector<16xf32>
    tpu.vector_store_idx %arg17[%select_n3A_393], %mul3A_402 {add = true} : memref<10000xf32, #tpu.memory_space<vmem>>[vector<16xi32>], vector<16xf32>,
    %add3A_403 = arith.constant 15000 : i32
    %add3A_404 = arith.addi %mul3A_37, %add3A_403 : i32
    %dma_start3A_405 = arith.constant 0 : i32
    %dma_start3A_406 = tpu.memref_slice %arg11[%dma_start3A_405] : memref<5008xi32, #tpu.memory_space<vmem>> -> memref<5000xi32, #tpu.memory_space<vmem>>
    %dma_start3A_407 = tpu.memref_slice %arg2[%add3A_404] : memref<160000xi32, #tpu.memory_space<hbm>> -> memref<5000xi32, #tpu.memory_space<hbm>>
    %dma_start3A_408 = arith.constant 0 : i32
    %dma_start3A_409 = tpu.memref_slice %arg11[%dma_start3A_408] : memref<5008xi32, #tpu.memory_space<vmem>> -> memref<5000xi32, #tpu.memory_space<vmem>>
    %dma_start3A_410 = tpu.memref_slice %arg2[%add3A_404] : memref<160000xi32, #tpu.memory_space<hbm>> -> memref<5000xi32, #tpu.memory_space<hbm>>
    tpu.enqueue_dma source(%dma_start3A_410 : memref<5000xi32, #tpu.memory_space<hbm>>) target(%dma_start3A_409 : memref<5000xi32, #tpu.memory_space<vmem>>) target_semaphore(%arg21 : memref<!tpu.dma_semaphore, #tpu.memory_space<semaphore_mem>>)
    %add3A_411 = arith.constant 15000 : i32
    %add3A_412 = arith.addi %mul3A_37, %add3A_411 : i32
    %dma_start3A_413 = arith.constant 0 : i32
    %dma_start3A_414 = tpu.memref_slice %arg12[%dma_start3A_413] : memref<5008xi32, #tpu.memory_space<vmem>> -> memref<5000xi32, #tpu.memory_space<vmem>>
    %dma_start3A_415 = tpu.memref_slice %arg3[%add3A_412] : memref<160000xi32, #tpu.memory_space<hbm>> -> memref<5000xi32, #tpu.memory_space<hbm>>
    %dma_start3A_416 = arith.constant 0 : i32
    %dma_start3A_417 = tpu.memref_slice %arg12[%dma_start3A_416] : memref<5008xi32, #tpu.memory_space<vmem>> -> memref<5000xi32, #tpu.memory_space<vmem>>
    %dma_start3A_418 = tpu.memref_slice %arg3[%add3A_412] : memref<160000xi32, #tpu.memory_space<hbm>> -> memref<5000xi32, #tpu.memory_space<hbm>>
    tpu.enqueue_dma source(%dma_start3A_418 : memref<5000xi32, #tpu.memory_space<hbm>>) target(%dma_start3A_417 : memref<5000xi32, #tpu.memory_space<vmem>>) target_semaphore(%arg21 : memref<!tpu.dma_semaphore, #tpu.memory_space<semaphore_mem>>)
    %add3A_419 = arith.constant 15000 : i32
    %add3A_420 = arith.addi %mul3A_37, %add3A_419 : i32
    %dma_start3A_421 = arith.constant 0 : i32
    %dma_start3A_422 = tpu.memref_slice %arg13[%dma_start3A_421] : memref<5008xf32, #tpu.memory_space<vmem>> -> memref<5000xf32, #tpu.memory_space<vmem>>
    %dma_start3A_423 = tpu.memref_slice %arg4[%add3A_420] : memref<160000xf32, #tpu.memory_space<hbm>> -> memref<5000xf32, #tpu.memory_space<hbm>>
    %dma_start3A_424 = arith.constant 0 : i32
    %dma_start3A_425 = tpu.memref_slice %arg13[%dma_start3A_424] : memref<5008xf32, #tpu.memory_space<vmem>> -> memref<5000xf32, #tpu.memory_space<vmem>>
    %dma_start3A_426 = tpu.memref_slice %arg4[%add3A_420] : memref<160000xf32, #tpu.memory_space<hbm>> -> memref<5000xf32, #tpu.memory_space<hbm>>
    tpu.enqueue_dma source(%dma_start3A_426 : memref<5000xf32, #tpu.memory_space<hbm>>) target(%dma_start3A_425 : memref<5000xf32, #tpu.memory_space<vmem>>) target_semaphore(%arg21 : memref<!tpu.dma_semaphore, #tpu.memory_space<semaphore_mem>>)
    %dma_wait3A_427 = arith.constant 0 : i32
    %dma_wait3A_428 = tpu.memref_slice %arg8[%dma_wait3A_427] : memref<5008xi32, #tpu.memory_space<vmem>> -> memref<5000xi32, #tpu.memory_space<vmem>>
    %dma_wait3A_429 = tpu.memref_slice %arg2[%add3A_336] : memref<160000xi32, #tpu.memory_space<hbm>> -> memref<5000xi32, #tpu.memory_space<hbm>>
    %dma_wait3A_430 = arith.constant 0 : i32
    %dma_wait3A_431 = tpu.memref_slice %arg8[%dma_wait3A_430] : memref<5008xi32, #tpu.memory_space<vmem>> -> memref<5000xi32, #tpu.memory_space<vmem>>
    %dma_wait3A_432 = tpu.memref_slice %arg2[%add3A_336] : memref<160000xi32, #tpu.memory_space<hbm>> -> memref<5000xi32, #tpu.memory_space<hbm>>
    tpu.wait_dma2 semaphore(%arg20 : memref<!tpu.dma_semaphore, #tpu.memory_space<semaphore_mem>>) src(%dma_wait3A_432 : memref<5000xi32, #tpu.memory_space<hbm>>) dst(%dma_wait3A_431 : memref<5000xi32, #tpu.memory_space<vmem>>)
    %dma_wait3A_433 = arith.constant 0 : i32
    %dma_wait3A_434 = tpu.memref_slice %arg9[%dma_wait3A_433] : memref<5008xi32, #tpu.memory_space<vmem>> -> memref<5000xi32, #tpu.memory_space<vmem>>
    %dma_wait3A_435 = tpu.memref_slice %arg3[%add3A_344] : memref<160000xi32, #tpu.memory_space<hbm>> -> memref<5000xi32, #tpu.memory_space<hbm>>
    %dma_wait3A_436 = arith.constant 0 : i32
    %dma_wait3A_437 = tpu.memref_slice %arg9[%dma_wait3A_436] : memref<5008xi32, #tpu.memory_space<vmem>> -> memref<5000xi32, #tpu.memory_space<vmem>>
    %dma_wait3A_438 = tpu.memref_slice %arg3[%add3A_344] : memref<160000xi32, #tpu.memory_space<hbm>> -> memref<5000xi32, #tpu.memory_space<hbm>>
    tpu.wait_dma2 semaphore(%arg20 : memref<!tpu.dma_semaphore, #tpu.memory_space<semaphore_mem>>) src(%dma_wait3A_438 : memref<5000xi32, #tpu.memory_space<hbm>>) dst(%dma_wait3A_437 : memref<5000xi32, #tpu.memory_space<vmem>>)
    %dma_wait3A_439 = arith.constant 0 : i32
    %dma_wait3A_440 = tpu.memref_slice %arg10[%dma_wait3A_439] : memref<5008xf32, #tpu.memory_space<vmem>> -> memref<5000xf32, #tpu.memory_space<vmem>>
    %dma_wait3A_441 = tpu.memref_slice %arg4[%add3A_352] : memref<160000xf32, #tpu.memory_space<hbm>> -> memref<5000xf32, #tpu.memory_space<hbm>>
    %dma_wait3A_442 = arith.constant 0 : i32
    %dma_wait3A_443 = tpu.memref_slice %arg10[%dma_wait3A_442] : memref<5008xf32, #tpu.memory_space<vmem>> -> memref<5000xf32, #tpu.memory_space<vmem>>
    %dma_wait3A_444 = tpu.memref_slice %arg4[%add3A_352] : memref<160000xf32, #tpu.memory_space<hbm>> -> memref<5000xf32, #tpu.memory_space<hbm>>
    tpu.wait_dma2 semaphore(%arg20 : memref<!tpu.dma_semaphore, #tpu.memory_space<semaphore_mem>>) src(%dma_wait3A_444 : memref<5000xf32, #tpu.memory_space<hbm>>) dst(%dma_wait3A_443 : memref<5000xf32, #tpu.memory_space<vmem>>)
    %parallel_loop3A_445 = arith.constant 0 : i32
    %parallel_loop3A_446 = arith.constant 4992 : i32
    %parallel_loop3A_447 = arith.constant 16 : i32
    scf.for %parallel_loop3A_515 = %parallel_loop3A_445 to %parallel_loop3A_446 step %parallel_loop3A_447  : i32 {
      %parallel_loop3A_516 = arith.index_cast %parallel_loop3A_515 : i32 to index
      %parallel_loop3A_517 = tpu.vector_load %arg8[%parallel_loop3A_516] {strides = array<i32>} : memref<5008xi32, #tpu.memory_space<vmem>>, vector<16xi32>,
      %parallel_loop3A_518 = arith.index_cast %parallel_loop3A_515 : i32 to index
      %parallel_loop3A_519 = tpu.vector_load %arg9[%parallel_loop3A_518] {strides = array<i32>} : memref<5008xi32, #tpu.memory_space<vmem>>, vector<16xi32>,
      %parallel_loop3A_520 = arith.index_cast %parallel_loop3A_515 : i32 to index
      %parallel_loop3A_521 = tpu.vector_load %arg10[%parallel_loop3A_520] {strides = array<i32>} : memref<5008xf32, #tpu.memory_space<vmem>>, vector<16xf32>,
      %parallel_loop3A_522 = tpu.vector_load_idx %arg16[%parallel_loop3A_517] : memref<10000xf32, #tpu.memory_space<vmem>>[vector<16xi32>], vector<16xf32>,
      %parallel_loop3A_523 = tpu.vector_load_idx %arg14[%parallel_loop3A_519] : memref<10240xf32, #tpu.memory_space<vmem>>[vector<16xi32>], vector<16xf32>,
      %parallel_loop3A_524 = arith.mulf %parallel_loop3A_521, %parallel_loop3A_522 : vector<16xf32>
      %parallel_loop3A_525 = arith.mulf %parallel_loop3A_524, %parallel_loop3A_523 : vector<16xf32>
      tpu.vector_store_idx %arg17[%parallel_loop3A_519], %parallel_loop3A_525 {add = true} : memref<10000xf32, #tpu.memory_space<vmem>>[vector<16xi32>], vector<16xf32>,
    } {sc.loop_unroll_factor = 2 : i64, sc.parallel_access}
    %iota3A_448 = tpu.iota {dimensions = array<i32: 0>} : vector<16xi32>
    %lt3A_449 = arith.constant 8 : i32
    %lt3A_450 = vector.broadcast %lt3A_449 : i32 to vector<16xi32>
    %lt3A_451 = arith.cmpi slt, %iota3A_448, %lt3A_450 : vector<16xi32>
    %get3A_452 = arith.constant 4992 : index
    %get3A_453 = tpu.vector_load %arg8[%get3A_452] {strides = array<i32>} : memref<5008xi32, #tpu.memory_space<vmem>>, vector<16xi32>,
    %jit3A_454 = arith.constant 0 : i32
    %broadcast_in_dim3A_455 = vector.broadcast %jit3A_454 : i32 to vector<16xi32>
    %select_n3A_456 = arith.select %lt3A_451, %get3A_453, %broadcast_in_dim3A_455 : vector<16xi1>, vector<16xi32>
    %get3A_457 = arith.constant 4992 : index
    %get3A_458 = tpu.vector_load %arg9[%get3A_457] {strides = array<i32>} : memref<5008xi32, #tpu.memory_space<vmem>>, vector<16xi32>,
    %jit3A_459 = arith.constant 0 : i32
    %broadcast_in_dim3A_460 = vector.broadcast %jit3A_459 : i32 to vector<16xi32>
    %select_n3A_461 = arith.select %lt3A_451, %get3A_458, %broadcast_in_dim3A_460 : vector<16xi1>, vector<16xi32>
    %get3A_462 = arith.constant 4992 : index
    %get3A_463 = tpu.vector_load %arg10[%get3A_462] {strides = array<i32>} : memref<5008xf32, #tpu.memory_space<vmem>>, vector<16xf32>,
    %jit3A_464 = arith.constant 0.000000e+00 : f32
    %broadcast_in_dim3A_465 = vector.broadcast %jit3A_464 : f32 to vector<16xf32>
    %select_n3A_466 = arith.select %lt3A_451, %get3A_463, %broadcast_in_dim3A_465 : vector<16xi1>, vector<16xf32>
    %gather3A_467 = tpu.vector_load_idx %arg16[%select_n3A_456] : memref<10000xf32, #tpu.memory_space<vmem>>[vector<16xi32>], vector<16xf32>,
    %gather3A_468 = tpu.vector_load_idx %arg14[%select_n3A_461] : memref<10240xf32, #tpu.memory_space<vmem>>[vector<16xi32>], vector<16xf32>,
    %mul3A_469 = arith.mulf %select_n3A_466, %gather3A_467 : vector<16xf32>
    %mul3A_470 = arith.mulf %mul3A_469, %gather3A_468 : vector<16xf32>
    tpu.vector_store_idx %arg17[%select_n3A_461], %mul3A_470 {add = true} : memref<10000xf32, #tpu.memory_space<vmem>>[vector<16xi32>], vector<16xf32>,
    %dma_wait3A_471 = arith.constant 0 : i32
    %dma_wait3A_472 = tpu.memref_slice %arg11[%dma_wait3A_471] : memref<5008xi32, #tpu.memory_space<vmem>> -> memref<5000xi32, #tpu.memory_space<vmem>>
    %dma_wait3A_473 = tpu.memref_slice %arg2[%add3A_404] : memref<160000xi32, #tpu.memory_space<hbm>> -> memref<5000xi32, #tpu.memory_space<hbm>>
    %dma_wait3A_474 = arith.constant 0 : i32
    %dma_wait3A_475 = tpu.memref_slice %arg11[%dma_wait3A_474] : memref<5008xi32, #tpu.memory_space<vmem>> -> memref<5000xi32, #tpu.memory_space<vmem>>
    %dma_wait3A_476 = tpu.memref_slice %arg2[%add3A_404] : memref<160000xi32, #tpu.memory_space<hbm>> -> memref<5000xi32, #tpu.memory_space<hbm>>
    tpu.wait_dma2 semaphore(%arg21 : memref<!tpu.dma_semaphore, #tpu.memory_space<semaphore_mem>>) src(%dma_wait3A_476 : memref<5000xi32, #tpu.memory_space<hbm>>) dst(%dma_wait3A_475 : memref<5000xi32, #tpu.memory_space<vmem>>)
    %dma_wait3A_477 = arith.constant 0 : i32
    %dma_wait3A_478 = tpu.memref_slice %arg12[%dma_wait3A_477] : memref<5008xi32, #tpu.memory_space<vmem>> -> memref<5000xi32, #tpu.memory_space<vmem>>
    %dma_wait3A_479 = tpu.memref_slice %arg3[%add3A_412] : memref<160000xi32, #tpu.memory_space<hbm>> -> memref<5000xi32, #tpu.memory_space<hbm>>
    %dma_wait3A_480 = arith.constant 0 : i32
    %dma_wait3A_481 = tpu.memref_slice %arg12[%dma_wait3A_480] : memref<5008xi32, #tpu.memory_space<vmem>> -> memref<5000xi32, #tpu.memory_space<vmem>>
    %dma_wait3A_482 = tpu.memref_slice %arg3[%add3A_412] : memref<160000xi32, #tpu.memory_space<hbm>> -> memref<5000xi32, #tpu.memory_space<hbm>>
    tpu.wait_dma2 semaphore(%arg21 : memref<!tpu.dma_semaphore, #tpu.memory_space<semaphore_mem>>) src(%dma_wait3A_482 : memref<5000xi32, #tpu.memory_space<hbm>>) dst(%dma_wait3A_481 : memref<5000xi32, #tpu.memory_space<vmem>>)
    %dma_wait3A_483 = arith.constant 0 : i32
    %dma_wait3A_484 = tpu.memref_slice %arg13[%dma_wait3A_483] : memref<5008xf32, #tpu.memory_space<vmem>> -> memref<5000xf32, #tpu.memory_space<vmem>>
    %dma_wait3A_485 = tpu.memref_slice %arg4[%add3A_420] : memref<160000xf32, #tpu.memory_space<hbm>> -> memref<5000xf32, #tpu.memory_space<hbm>>
    %dma_wait3A_486 = arith.constant 0 : i32
    %dma_wait3A_487 = tpu.memref_slice %arg13[%dma_wait3A_486] : memref<5008xf32, #tpu.memory_space<vmem>> -> memref<5000xf32, #tpu.memory_space<vmem>>
    %dma_wait3A_488 = tpu.memref_slice %arg4[%add3A_420] : memref<160000xf32, #tpu.memory_space<hbm>> -> memref<5000xf32, #tpu.memory_space<hbm>>
    tpu.wait_dma2 semaphore(%arg21 : memref<!tpu.dma_semaphore, #tpu.memory_space<semaphore_mem>>) src(%dma_wait3A_488 : memref<5000xf32, #tpu.memory_space<hbm>>) dst(%dma_wait3A_487 : memref<5000xf32, #tpu.memory_space<vmem>>)
    %parallel_loop3A_489 = arith.constant 0 : i32
    %parallel_loop3A_490 = arith.constant 4992 : i32
    %parallel_loop3A_491 = arith.constant 16 : i32
    scf.for %parallel_loop3A_515 = %parallel_loop3A_489 to %parallel_loop3A_490 step %parallel_loop3A_491  : i32 {
      %parallel_loop3A_516 = arith.index_cast %parallel_loop3A_515 : i32 to index
      %parallel_loop3A_517 = tpu.vector_load %arg11[%parallel_loop3A_516] {strides = array<i32>} : memref<5008xi32, #tpu.memory_space<vmem>>, vector<16xi32>,
      %parallel_loop3A_518 = arith.index_cast %parallel_loop3A_515 : i32 to index
      %parallel_loop3A_519 = tpu.vector_load %arg12[%parallel_loop3A_518] {strides = array<i32>} : memref<5008xi32, #tpu.memory_space<vmem>>, vector<16xi32>,
      %parallel_loop3A_520 = arith.index_cast %parallel_loop3A_515 : i32 to index
      %parallel_loop3A_521 = tpu.vector_load %arg13[%parallel_loop3A_520] {strides = array<i32>} : memref<5008xf32, #tpu.memory_space<vmem>>, vector<16xf32>,
      %parallel_loop3A_522 = tpu.vector_load_idx %arg16[%parallel_loop3A_517] : memref<10000xf32, #tpu.memory_space<vmem>>[vector<16xi32>], vector<16xf32>,
      %parallel_loop3A_523 = tpu.vector_load_idx %arg14[%parallel_loop3A_519] : memref<10240xf32, #tpu.memory_space<vmem>>[vector<16xi32>], vector<16xf32>,
      %parallel_loop3A_524 = arith.mulf %parallel_loop3A_521, %parallel_loop3A_522 : vector<16xf32>
      %parallel_loop3A_525 = arith.mulf %parallel_loop3A_524, %parallel_loop3A_523 : vector<16xf32>
      tpu.vector_store_idx %arg17[%parallel_loop3A_519], %parallel_loop3A_525 {add = true} : memref<10000xf32, #tpu.memory_space<vmem>>[vector<16xi32>], vector<16xf32>,
    } {sc.loop_unroll_factor = 2 : i64, sc.parallel_access}
    %iota3A_492 = tpu.iota {dimensions = array<i32: 0>} : vector<16xi32>
    %lt3A_493 = arith.constant 8 : i32
    %lt3A_494 = vector.broadcast %lt3A_493 : i32 to vector<16xi32>
    %lt3A_495 = arith.cmpi slt, %iota3A_492, %lt3A_494 : vector<16xi32>
    %get3A_496 = arith.constant 4992 : index
    %get3A_497 = tpu.vector_load %arg11[%get3A_496] {strides = array<i32>} : memref<5008xi32, #tpu.memory_space<vmem>>, vector<16xi32>,
    %jit3A_498 = arith.constant 0 : i32
    %broadcast_in_dim3A_499 = vector.broadcast %jit3A_498 : i32 to vector<16xi32>
    %select_n3A_500 = arith.select %lt3A_495, %get3A_497, %broadcast_in_dim3A_499 : vector<16xi1>, vector<16xi32>
    %get3A_501 = arith.constant 4992 : index
    %get3A_502 = tpu.vector_load %arg12[%get3A_501] {strides = array<i32>} : memref<5008xi32, #tpu.memory_space<vmem>>, vector<16xi32>,
    %jit3A_503 = arith.constant 0 : i32
    %broadcast_in_dim3A_504 = vector.broadcast %jit3A_503 : i32 to vector<16xi32>
    %select_n3A_505 = arith.select %lt3A_495, %get3A_502, %broadcast_in_dim3A_504 : vector<16xi1>, vector<16xi32>
    %get3A_506 = arith.constant 4992 : index
    %get3A_507 = tpu.vector_load %arg13[%get3A_506] {strides = array<i32>} : memref<5008xf32, #tpu.memory_space<vmem>>, vector<16xf32>,
    %jit3A_508 = arith.constant 0.000000e+00 : f32
    %broadcast_in_dim3A_509 = vector.broadcast %jit3A_508 : f32 to vector<16xf32>
    %select_n3A_510 = arith.select %lt3A_495, %get3A_507, %broadcast_in_dim3A_509 : vector<16xi1>, vector<16xf32>
    %gather3A_511 = tpu.vector_load_idx %arg16[%select_n3A_500] : memref<10000xf32, #tpu.memory_space<vmem>>[vector<16xi32>], vector<16xf32>,
    %gather3A_512 = tpu.vector_load_idx %arg14[%select_n3A_505] : memref<10240xf32, #tpu.memory_space<vmem>>[vector<16xi32>], vector<16xf32>,
    %mul3A_513 = arith.mulf %select_n3A_510, %gather3A_511 : vector<16xf32>
    %mul3A_514 = arith.mulf %mul3A_513, %gather3A_512 : vector<16xf32>
    tpu.vector_store_idx %arg17[%select_n3A_505], %mul3A_514 {add = true} : memref<10000xf32, #tpu.memory_space<vmem>>[vector<16xi32>], vector<16xf32>,
    "tpu.region"() ({
      %run_scoped3A_515 = tpu.sem_alloc : memref<!tpu.dma_semaphore, #tpu.memory_space<semaphore_mem>>
      %dma_start3A_516 = arith.constant 0 : i32
      %dma_start3A_517 = tpu.memref_slice %arg6[%add3A, %dma_start3A_516] : memref<32x10000xf32, #tpu.memory_space<hbm>> -> memref<1x10000xf32, #tpu.memory_space<hbm>>
      %dma_start3A_518 = tpu.memref_squeeze %dma_start3A_517 : memref<1x10000xf32, #tpu.memory_space<hbm>> -> memref<10000xf32, #tpu.memory_space<hbm>>
      %dma_start3A_519 = arith.constant 0 : i32
      %dma_start3A_520 = tpu.memref_slice %arg6[%add3A, %dma_start3A_519] : memref<32x10000xf32, #tpu.memory_space<hbm>> -> memref<1x10000xf32, #tpu.memory_space<hbm>>
      %dma_start3A_521 = tpu.memref_squeeze %dma_start3A_520 : memref<1x10000xf32, #tpu.memory_space<hbm>> -> memref<10000xf32, #tpu.memory_space<hbm>>
      tpu.enqueue_dma source(%arg17 : memref<10000xf32, #tpu.memory_space<vmem>>) target(%dma_start3A_521 : memref<10000xf32, #tpu.memory_space<hbm>>) target_semaphore(%run_scoped3A_515 : memref<!tpu.dma_semaphore, #tpu.memory_space<semaphore_mem>>)
      %dma_wait3A_522 = arith.constant 0 : i32
      %dma_wait3A_523 = tpu.memref_slice %arg6[%add3A, %dma_wait3A_522] : memref<32x10000xf32, #tpu.memory_space<hbm>> -> memref<1x10000xf32, #tpu.memory_space<hbm>>
      %dma_wait3A_524 = tpu.memref_squeeze %dma_wait3A_523 : memref<1x10000xf32, #tpu.memory_space<hbm>> -> memref<10000xf32, #tpu.memory_space<hbm>>
      %dma_wait3A_525 = arith.constant 0 : i32
      %dma_wait3A_526 = tpu.memref_slice %arg6[%add3A, %dma_wait3A_525] : memref<32x10000xf32, #tpu.memory_space<hbm>> -> memref<1x10000xf32, #tpu.memory_space<hbm>>
      %dma_wait3A_527 = tpu.memref_squeeze %dma_wait3A_526 : memref<1x10000xf32, #tpu.memory_space<hbm>> -> memref<10000xf32, #tpu.memory_space<hbm>>
      tpu.wait_dma2 semaphore(%run_scoped3A_515 : memref<!tpu.dma_semaphore, #tpu.memory_space<semaphore_mem>>) src(%arg17 : memref<10000xf32, #tpu.memory_space<vmem>>) dst(%dma_wait3A_527 : memref<10000xf32, #tpu.memory_space<hbm>>)
      tpu.yield
    }) : () -> ()
    return
  }
}

module attributes {stable_mosaic.version = 14 : i64} {
  func.func @body(%arg0: memref<4x8x10000xf32, #tpu.memory_space<vmem>>, %arg1: memref<5x10000xf32, #tpu.memory_space<vmem>>, %arg2: memref<2x10240xf32, #tpu.memory_space<vmem>>, %arg3: memref<4x1xf32, #tpu.memory_space<vmem>>, %arg4: memref<4x10000xf32, #tpu.memory_space<vmem>>) attributes {dimension_semantics = [], scalar_prefetch = 0 : i64, scratch_operands = 0 : i64, tpu.core_type = #tpu.core_type<tc>} {
    %get3A = arith.constant 0 : index
    %get3A_0 = arith.constant 0 : index
    %get3A_1 = arith.constant 0 : index
    %get3A_2 = vector.load %arg0[%get3A, %get3A_0, %get3A_1] : memref<4x8x10000xf32, #tpu.memory_space<vmem>>, vector<4x8x10000xf32>
    %reduce_sum3A = arith.constant dense<0.000000e+00> : vector<4x10000xf32>
    %reduce_sum3A_3 = vector.multi_reduction <add>, %get3A_2, %reduce_sum3A [1] : vector<4x8x10000xf32> to vector<4x10000xf32>
    %get3A_4 = arith.constant 0 : index
    %get3A_5 = arith.constant 0 : index
    %get3A_6 = vector.load %arg1[%get3A_4, %get3A_5] : memref<5x10000xf32, #tpu.memory_space<vmem>>, vector<4x10000xf32>
    %get3A_7 = arith.constant 4 : index
    %get3A_8 = arith.constant 0 : index
    %get3A_9 = vector.load %arg1[%get3A_7, %get3A_8] : memref<5x10000xf32, #tpu.memory_space<vmem>>, vector<1x10000xf32>
    %get3A_10 = arith.constant 0 : index
    %get3A_11 = arith.constant 0 : index
    %get3A_12 = vector.load %arg2[%get3A_10, %get3A_11] : memref<2x10240xf32, #tpu.memory_space<vmem>>, vector<1x10000xf32>
    %mul3A = arith.mulf %get3A_12, %get3A_12 : vector<1x10000xf32>
    %mul3A_13 = vector.broadcast %mul3A : vector<1x10000xf32> to vector<4x10000xf32>
    %mul3A_14 = arith.mulf %mul3A_13, %get3A_6 : vector<4x10000xf32>
    %add3A = arith.addf %reduce_sum3A_3, %mul3A_14 : vector<4x10000xf32>
    %get3A_15 = arith.constant 0 : index
    %get3A_16 = arith.constant 0 : index
    %get3A_17 = vector.load %arg3[%get3A_15, %get3A_16] : memref<4x1xf32, #tpu.memory_space<vmem>>, vector<4x1xf32>
    %add3A_18 = vector.broadcast %get3A_17 : vector<4x1xf32> to vector<4x10000xf32>
    %add3A_19 = arith.addf %add3A, %add3A_18 : vector<4x10000xf32>
    %sub3A = vector.broadcast %get3A_9 : vector<1x10000xf32> to vector<4x10000xf32>
    %sub3A_20 = arith.subf %add3A_19, %sub3A : vector<4x10000xf32>
    %swap3A = arith.constant 0 : index
    %swap3A_21 = arith.constant 0 : index
    %swap3A_22 = vector.load %arg4[%swap3A, %swap3A_21] : memref<4x10000xf32, #tpu.memory_space<vmem>>, vector<4x10000xf32>
    tpu.vector_store %arg4[%swap3A, %swap3A_21], %sub3A_20 {strides = array<i32>} : memref<4x10000xf32, #tpu.memory_space<vmem>>, vector<4x10000xf32>,
    return
  }
}

module attributes {stable_mosaic.version = 14 : i64} {
  func.func @body(%arg0: memref<10000x256xf32, #tpu.memory_space<vmem>>, %arg1: memref<5x256xf32, #tpu.memory_space<vmem>>, %arg2: memref<5x10000xf32, #tpu.memory_space<vmem>>) attributes {dimension_semantics = [], scalar_prefetch = 0 : i64, scratch_operands = 0 : i64, tpu.core_type = #tpu.core_type<tc>} {
    %get3A = arith.constant 0 : index
    %get3A_0 = arith.constant 0 : index
    %get3A_1 = vector.load %arg1[%get3A, %get3A_0] : memref<5x256xf32, #tpu.memory_space<vmem>>, vector<5x256xf32>
    %get3A_2 = arith.constant 0 : index
    %get3A_3 = arith.constant 0 : index
    %get3A_4 = vector.load %arg0[%get3A_2, %get3A_3] : memref<10000x256xf32, #tpu.memory_space<vmem>>, vector<10000x256xf32>
    %dot_general3A = arith.constant dense<0.000000e+00> : vector<5x10000xf32>
    %dot_general3A_5 = tpu.matmul %get3A_1, %get3A_4, %dot_general3A {dimension_numbers = #tpu.dot_dimension_numbers<[1], [1], [0], [0], [0, 0, 1, 0], [], []>, transpose_lhs_hint = false} : vector<5x256xf32>, vector<10000x256xf32>, vector<5x10000xf32> -> vector<5x10000xf32>
    %swap3A = arith.constant 0 : index
    %swap3A_6 = arith.constant 0 : index
    %swap3A_7 = vector.load %arg2[%swap3A, %swap3A_6] : memref<5x10000xf32, #tpu.memory_space<vmem>>, vector<5x10000xf32>
    tpu.vector_store %arg2[%swap3A, %swap3A_6], %dot_general3A_5 {strides = array<i32>} : memref<5x10000xf32, #tpu.memory_space<vmem>>, vector<5x10000xf32>,
    return
  }
}

</mosaic_0001>

<sc_bundles>
// kernel: kernel.5.cloned.1.call-start
scs
__scs_entry_jumppad:
0x0: {  	(pc) =	sbr.rel $0x88, $3  }
0x1: {  	(tag) =	ssettag $0x0;
	lr =	simm.s32 $0x1  }
0x2: {  	[smem:$0x3F9C] =	sst lr;
	_ =	strace $0xD0000000  }
0x3: {  	_ = 	snop  }
0x4: {  	_ = 	snop  }
0x5: {  	_ = 	snop  }
0x6: {  	_ = 	snop  }
0x7: {  	_ = 	snop  }
__scs_overlays_trampoline_lowered:
0x8: {  	[smem:$0x3FAB] =	sst s0  }
0x9: {  	[smem:$0x3FAC] =	sst s1  }
0xa: {  	[smem:$0x3FAD] =	sst s2  }
0xb: {  	[smem:$0x3FAE] =	sst s3  }
0xc: {  	[smem:$0x3FAF] =	sst s4  }
0xd: {  	[smem:$0x3FB0] =	sst s5  }
0xe: {  	[smem:$0x3FB1] =	sst s6  }
0xf: {  	[smem:$0x3FB2] =	sst s7  }
0x10: {  	[smem:$0x3FB3] =	sst s8  }
0x11: {  	[smem:$0x3FB4] =	sst s9;
	s0 =	simm.s32 @!p0 $0x0  }
0x12: {  	s1 =	sld [smem:$0x3F9A];
	s0 =	simm.s32 @p0 $0x1  }
0x13: {  	[smem:$0x3FB5] =	sst s0;
	s0 =	simm.s32 @!p1 $0x0  }
0x14: {  	s2 =	sld [smem:$0x3F99];
	s0 =	simm.s32 @p1 $0x1  }
0x15: {  	[smem:$0x3FB6] =	sst s0;
	s0 =	simm.s32 @!p2 $0x0  }
0x16: {  	s3 =	sld [smem:$0x3FDB];
	s0 =	simm.s32 @p2 $0x1  }
0x17: {  	s4 =	simm.s32 $0x1BF5;
	[smem:$0x3FB8] =	sst s0  }
0x18: {  	s0 =	sld [smem:$0x3F9B];
	_ =	swait.ge [sflag:s4], $0x0  }
0x19: {  	s7 =	sld [smem:$0x3F9C]  }
0x1a: {  	s8 =	sadd.s32 $0xFFFFE003, lr  }
0x1b: {  	s9 =	sadd.s32 $0xFFFFFEF7, lr;
	s5 =	simm.s32 $0xFFFFFFFF;
	p2 =	slt.u32 s8, $0xFFFFF086  }
0x1c: {  	p1 =	slt.u32 s9, $0xF7A;
	s5 =	simm.s32 @!p2 $0x0  }
0x1d: {  	s5 =	simm.s32 @p1 $0x1;
	p0 =	seq.s32 s7, s2  }
0x1e: {  	s7 =	smul.u32 @!p0 $0xF7A, s2;
	p2 =	seq.s32 @!p0 s5, $0x0  }
0x1f: {  	s9 =	smul.u32 $0xF7A, s1;
	s8 =	simm.s32 @!p0 $0x1BF5;
	p2 =	por !p2, p0  }
0x20: {  	[sflag:s8] =	ssyncset.s32 @!p0 $0xFFFFF086;
	s6 =	sadd.s32 @!p0 s3, s7;
	s7 =	simm.s32 @!p0 $0x108  }
0x21: {  	s3 =	sadd.s32 s3, s9;
	s6 =	sadd.s32 @!p0 $0x88, s6;
	s7 =	simm.s32 @p2 $0x1082  }
0x22: {  	[simem:s7], [sflag:s8] =	dma.local @!p0 [hbm:s6], $0xF7A  }
0x23: {  	s9 =	sor.u32 $0xD0000000, s2;
	s6 =	simm.s32 $0x108;
	_ =	swait.ge @!p0 [sflag:s8], $0x0  }
0x24: {  	s3 =	sadd.s32 $0x88, s3;
	s6 =	simm.s32 @!p1 $0x1082;
	[sflag:s4] =	ssyncset.s32 $0xFFFFF086  }
0x25: {  	[simem:s6], [sflag:s4] =	dma.local [hbm:s3], $0xF7A  }
0x26: {  	[smem:$0x3F9C] =	sst s1;
	(tag) =	ssettag s2;
	_ =	strace s9  }
0x27: {  	s1 =	sld [smem:$0x3FAC]  }
0x28: {  	s2 =	sld [smem:$0x3FAD]  }
0x29: {  	s4 =	sld [smem:$0x3FAF]  }
0x2a: {  	p0 =	seq.s32 s5, $0x0;
	s5 =	sld [smem:$0x3FB0]  }
0x2b: {  	s6 =	sld [smem:$0x3FB1]  }
0x2c: {  	s7 =	sld [smem:$0x3FB2]  }
0x2d: {  	s3 =	simm.s32 $0x108;
	s8 =	sld [smem:$0x3FB3]  }
0x2e: {  	s3 =	simm.s32 @!p0 $0x1082;
	s9 =	sld [smem:$0x3FB4]  }
0x2f: {  	lr =	sadd.s32 s0, s3;
	s0 =	sld [smem:$0x3FAB]  }
0x30: {  	s3 =	sld [smem:$0x3FAE]  }
0x31: {  	[smem:$0x3FB7] =	sst s10  }
0x32: {  	s10 =	sld [smem:$0x3FB5];
	_ =	sdelay $0x3  }
0x33: {  	p0 =	seq.s32 s10, $0x1;
	s10 =	sld [smem:$0x3FB7];
	_ =	sdelay $0x3  }
0x34: {  	[smem:$0x3FB7] =	sst s10  }
0x35: {  	s10 =	sld [smem:$0x3FB6];
	_ =	sdelay $0x3  }
0x36: {  	p1 =	seq.s32 s10, $0x1;
	s10 =	sld [smem:$0x3FB7];
	_ =	sdelay $0x3  }
0x37: {  	[smem:$0x3FB7] =	sst s10  }
0x38: {  	s10 =	sld [smem:$0x3FB8]  }
0x39: {  	_ = 	snop;
	(pc) =	sbr.ind lr, $3  }
0x3a: {  	_ = 	snop  }
0x3b: {  	_ = 	snop  }
0x3c: {  	p2 =	seq.s32 s10, $0x1;
	s10 =	sld [smem:$0x3FB7]  }
0x3d: {  	_ =	shalt  }
0x3e: {  	_ =	shalt  }
0x3f: {  	_ =	shalt  }
0x40: {  	_ =	shalt  }
0x41: {  	_ =	shalt  }
0x42: {  	_ =	shalt  }
0x43: {  	_ =	shalt  }
0x44: {  	_ =	shalt  }
0x45: {  	_ =	shalt  }
0x46: {  	_ =	shalt  }
0x47: {  	_ =	shalt  }
0x48: {  	_ =	shalt  }
0x49: {  	_ =	shalt  }
0x4a: {  	_ =	shalt  }
0x4b: {  	_ =	shalt  }
0x4c: {  	_ =	shalt  }
0x4d: {  	_ =	shalt  }
0x4e: {  	_ =	shalt  }
0x4f: {  	_ =	shalt  }
0x50: {  	_ =	shalt  }
0x51: {  	_ =	shalt  }
0x52: {  	_ =	shalt  }
0x53: {  	_ =	shalt  }
0x54: {  	_ =	shalt  }
0x55: {  	_ =	shalt  }
0x56: {  	_ =	shalt  }
0x57: {  	_ =	shalt  }
0x58: {  	_ =	shalt  }
0x59: {  	_ =	shalt  }
0x5a: {  	_ =	shalt  }
0x5b: {  	_ =	shalt  }
0x5c: {  	_ =	shalt  }
0x5d: {  	_ =	shalt  }
0x5e: {  	_ =	shalt  }
0x5f: {  	_ =	shalt  }
0x60: {  	_ =	shalt  }
0x61: {  	_ =	shalt  }
0x62: {  	_ =	shalt  }
0x63: {  	_ =	shalt  }
0x64: {  	_ =	shalt  }
0x65: {  	_ =	shalt  }
0x66: {  	_ =	shalt  }
0x67: {  	_ =	shalt  }
0x68: {  	_ =	shalt  }
0x69: {  	_ =	shalt  }
0x6a: {  	_ =	shalt  }
0x6b: {  	_ =	shalt  }
0x6c: {  	_ =	shalt  }
0x6d: {  	_ =	shalt  }
0x6e: {  	_ =	shalt  }
0x6f: {  	_ =	shalt  }
0x70: {  	_ =	shalt  }
0x71: {  	_ =	shalt  }
0x72: {  	_ =	shalt  }
0x73: {  	_ =	shalt  }
0x74: {  	_ =	shalt  }
0x75: {  	_ =	shalt  }
0x76: {  	_ =	shalt  }
0x77: {  	_ =	shalt  }
0x78: {  	_ =	shalt  }
0x79: {  	_ =	shalt  }
0x7a: {  	_ =	shalt  }
0x7b: {  	_ =	shalt  }
0x7c: {  	_ =	shalt  }
0x7d: {  	_ =	shalt  }
0x7e: {  	_ =	shalt  }
0x7f: {  	_ =	shalt  }
0x80: {  	_ =	shalt  }
0x81: {  	_ =	shalt  }
0x82: {  	_ =	shalt  }
0x83: {  	_ =	shalt  }
0x84: {  	_ =	shalt  }
0x85: {  	_ =	shalt  }
0x86: {  	_ =	shalt  }
0x87: {  	_ =	shalt  }
.Lfunc_end0:
.L_simem_size_0:
called_computation_lowered:
.L_overlay_start_0:
0x88: {  	s2 =	sld [smem:$0x3FD9]  }
0x89: {  	s3 =	sld [smem:$0x3FFE];
	_ =	sdelay $0x1  }
0x8a: {  	s1 =	srdreg.scid  }
0x8b: {  	s0 =	sand.u32 $0x1, s1  }
0x8c: {  	s17 =	sshll.u32 s0, $0xA;
	s2 =	sadd.s32 s3, s2  }
0x8d: {  	s2 =	sadd.s32 s2, s17  }
0x8e: {  	[smem:$0x3FC3] =	sst s2  }
0x8f: {  	_ = 	snop  }
0x90: {  	s2 =	sld [smem:$0x3FC7]  }
0x91: {  	s18 =	sld [smem:$0x3FD0];
	(tm) =	ssettm $0x1  }
0x92: {  	s4 =	sld [smem:$0x3FFB];
	_ =	sdelay $0x3  }
0x93: {  	_ =	strace s4  }
0x94: {  	s4 =	sld [smem:$0x3FFC];
	_ =	sdelay $0x3  }
0x95: {  	_ =	strace s4  }
0x96: {  	s4 =	sld [smem:$0x3FFD];
	_ =	sdelay $0x3  }
0x97: {  	_ =	strace s4  }
0x98: {  	_ =	strace $0x8FFFFFFF  }
0x99: {  	s19 =	sld [smem:$0x3FDB];
	_ =	sdelay $0x1  }
0x9a: {  	s5 =	simm.s32 $_scs_section_size  }
0x9b: {  	s6 =	simm.s32 $_size__tile_overlayer_lowered;
	s7 =	simm.s32 $_tile_overlayer_lowered  }
0x9c: {  	s22 =	simm.s32 $0x1BFF;
	s21 =	sshll.u32 s7, $0x1;
	s4 =	sadd.s32 s5, s19  }
0x9d: {  	s8 =	simm.s32 $0x0;
	s20 =	sshll.u32 s6, $0x1;
	s6 =	sadd.s32 s21, s4  }
0x9e: {  	[timem:s8], [sflag:s22] =	dma.local [hbm:s6], s20  }
0x9f: {  	_ =	swait.ge [sflag:s22], s20  }
0xa0: {  	s5 =	ssub.s32 $0x0, s20;
	[sflag:s22] =	ssyncset.done $0x0  }
0xa1: {  	[sflag:s22] =	ssyncadd.s32 s5;
	_ =	sdelay $0x1  }
0xa2: {  	s23 =	simm.s32 $0x1B8B  }
0xa3: {  	_ =	swait.ge [sflag:s23], $0x1  }
0xa4: {  	[sflag:s23] =	ssyncset.done $0x0  }
0xa5: {  	s25 =	simm.s32 $0x1B8E;
	s24 =	sld [smem:$0x3FFE];
	[sflag:s23] =	ssyncadd.s32 $0xFFFFFFFF  }
0xa6: {  	s26 =	simm.s32 $execute0_lowered;
	[smem:$0x3FD2] =	sst s25  }
0xa7: {  	s6 =	sshll.u32 s26, $0x1;
	_ =	strace $0x80000046;
	[dreg:$0x1] =	wrdreg $0xFFFFFFFF  }
0xa8: {  	s28 =	simm.s32 $_size_execute0_lowered;
	s4 =	sadd.s32 s4, s6;
	[dreg:$0x0] =	wrdreg $0x0  }
0xa9: {  	s6 =	sshll.u32 s28, $0x1;
	[dreg:$0x2] =	wrdreg s4  }
0xaa: {  	[dreg:$0x3] =	wrdreg s6  }
0xab: {  	[dreg:$0x4] =	wrdreg $0xC0  }
0xac: {  	_ =	task [dreg:s8], $0x5FFFF  }
0xad: {  	[dreg:$0x1] =	wrdreg $0xFFFFFFFF  }
0xae: {  	[dreg:$0x0] =	wrdreg $0x60  }
0xaf: {  	[dreg:$0x2] =	wrdreg s24  }
0xb0: {  	[dreg:$0x3] =	wrdreg s2  }
0xb1: {  	[dreg:$0x4] =	wrdreg s18  }
0xb2: {  	[dreg:$0x5] =	wrdreg $0xF4000  }
0xb3: {  	[dreg:$0x6] =	wrdreg $0x144000  }
0xb4: {  	[dreg:$0x7] =	wrdreg $0x9  }
0xb5: {  	_ =	task.clear_ibuf [dreg:s8], $0x8FFFF;
	_ =	strace $0x90000046  }
0xb6: {  	s29 =	simm.s32 $0x9;
	_ =	strace $0x80000048  }
0xb7: {  	_ =	swait.ge [sflag:s29], $0x1  }
0xb8: {  	[sflag:s29] =	ssyncadd.s32 $0xFFFFFFFF  }
0xb9: {  	_ =	strace $0x90000048  }
0xba: {  	_ =	sfence  }
0xbb: {  	s30 =	sld [smem:$0x0];
	_ =	sdelay $0x2  }
0xbc: {  	s31 =	sshll.u32 s1, $0xD;
	s1 =	sshrl.u32 s1, $0x2  }
0xbd: {  	s3 =	sand.u32 $0x4000, s31;
	s1 =	sadd.s32 s1, s30  }
0xbe: {  	s0 =	sor.u32 s3, s0;
	s1 =	sshll.u32 s1, $0x11  }
0xbf: {  	s0 =	sor.u32 s1, s0  }
0xc0: {  	s0 =	sadd.s32 $0x8F2B, s0  }
0xc1: {  	[sflag:s0] =	ssyncadd.remote.s32 $0x1  }
0xc2: {  	_ =	sfence.sel $0xFFFF  }
0xc3: {  	[dreg:$0x0] =	wrdreg $0xFFFFFFFF;
	(pc) =	sbr.abs _section_cstart, $3  }
0xc4: {  	[dreg:$0x1] =	wrdreg $0xFFFFFFFF  }
0xc5: {  	_ =	task.clear_ibuf [dreg:s8], $0x2FFFF;
	_ =	strace $0x9FFFFFFF  }
0xc6: {  	(tm) =	ssettm $0x7FFFFFFF  }
0xc7: {  	_ =	shalt  }
tec
execute0_lowered:
.L_overlay_start_1:
0x0: {  	(tag) =	ssettag $0x1  }
0x1: {  	s3 =	rddreg [dreg:$0x0]  }
0x2: {  	s1 =	rddreg [dreg:$0x1]  }
0x3: {  	s5 =	rddreg [dreg:$0x2]  }
0x4: {  	s0 =	srdreg.scid;
	s7 =	rddreg [dreg:$0x3]  }
0x5: {  	s2 =	stileid.u32;
	s9 =	rddreg [dreg:$0x4];
	s31 =	simm.s32 $0x3C00  }
0x6: {  	s28 =	simm.s32 $0x3;
	s29 =	simm.s32 $0xCC80;
	s30 =	simm.s32 $0x0  }
0x7: {  	s4 =	sand.u32 $0x1, s0;
	s0 =	simm.s32 $0x0;
	s10 =	sshll.u32 s2, $0x7  }
0x8: {  	s11 =	sadd.s32 $0x5A00, s3;
	s13 =	sadd.s32 $0xA00, s3;
	s16 =	smul.u32 $0x2710, s2  }
0x9: {  	s25 =	sand.u32 $0x7, s2;
	s20 =	sshll.u32 s2, $0x1;
	s21 =	sshrl.u32 s2, $0x3  }
0xa: {  	p0 =	sne.s32 s2, $0x0;
	s6 =	sshll.u32 s4, $0x4;
	[smem:$0x7FF] =	sst s0  }
0xb: {  	s10 =	sand.u32 $0x380, s10;
	s12 =	sshll.u32 s4, $0x5;
	s14 =	ssub.s32 $0x2, s4  }
0xc: {  	s22 =	smul.u32 $0xA0000, s4;
	s4 =	sshll.u32 s4, $0x7;
	s8 =	sor.u32 s2, s6  }
0xd: {  	s15 =	sshrl.u32 s14, $0x1;
	s12 =	sadd.s32 s12, s3;
	s26 =	sshrl.u32 s16, $0x3  }
0xe: {  	s16 =	sadd.s32 $0x1388, s16;
	s5 =	sadd.s32 s5, s6;
	s8 =	sshrl.u32 s8, $0x3  }
0xf: {  	s17 =	sadd.s32 s13, s26;
	[dreg:$0x11] =	wrdreg s5;
	s8 =	smul.u32 $0x13C00, s8  }
0x10: {  	s16 =	sshrl.u32 s16, $0x3;
	s24 =	sshrl.u32 s22, $0x2;
	[dreg:$0x6] =	wrdreg s17  }
0x11: {  	s18 =	sadd.s32 s13, s16;
	s19 =	sadd.s32 s1, s16;
	s8 =	sor.u32 s10, s8  }
0x12: {  	s16 =	smul.u32 $0x50000, s21;
	[dreg:$0x8] =	wrdreg s18;
	s8 =	sshrl.u32 s8, $0x3  }
0x13: {  	s3 =	sadd.s32 s8, s3;
	s8 =	ssub.s32 s14, s15;
	s14 =	smul.u32 $0x4E20, s25  }
0x14: {  	s7 =	sadd.s32 s24, s7;
	[dreg:$0x9] =	wrdreg s19;
	s15 =	sadd.s32 s1, s26  }
0x15: {  	[dreg:$0x7] =	wrdreg s15;
	s15 =	sand.u32 $0x10, s20;
	s18 =	sshrl.u32 s14, $0x3  }
0x16: {  	s26 =	sshrl.u32 s16, $0x2;
	s15 =	sadd.s32 s15, s12;
	s23 =	sadd.s32 s11, s18  }
0x17: {  	s25 =	sadd.s32 $0x1388, s14;
	s19 =	sadd.s32 s13, s18;
	[dreg:$0xa] =	wrdreg s23  }
0x18: {  	s12 =	sadd.s32 s26, s7;
	s21 =	sadd.s32 s1, s18;
	[dreg:$0xb] =	wrdreg s19  }
0x19: {  	s20 =	sshrl.u32 s25, $0x3;
	s10 =	sadd.s32 s10, s12;
	[dreg:$0xc] =	wrdreg s21  }
0x1a: {  	s17 =	sadd.s32 $0xD200, s3;
	s22 =	sadd.s32 s11, s20;
	[dreg:$0xe] =	wrdreg s10  }
0x1b: {  	s26 =	sadd.s32 $0x3A98, s14;
	s23 =	sadd.s32 s13, s20;
	[dreg:$0xd] =	wrdreg s22  }
0x1c: {  	s25 =	sadd.s32 $0x4E2, s18;
	s24 =	sadd.s32 s1, s20;
	[dreg:$0xf] =	wrdreg s23  }
0x1d: {  	s14 =	smul.u32 $0x1400, s2;
	s6 =	sadd.s32 s11, s25;
	[dreg:$0x10] =	wrdreg s24  }
0x1e: {  	s12 =	sadd.s32 s4, s9;
	s10 =	sadd.s32 s13, s25;
	[dreg:$0x12] =	wrdreg s6  }
0x1f: {  	s9 =	sshrl.u32 s26, $0x3;
	s4 =	sadd.s32 s1, s25;
	[dreg:$0x13] =	wrdreg s10  }
0x20: {  	s15 =	sadd.s32 $0xAA00, s15;
	s11 =	sadd.s32 s11, s9;
	[dreg:$0x14] =	wrdreg s4  }
0x21: {  	s18 =	smax.u32 s8, $0x1;
	s13 =	sadd.s32 s13, s9;
	[dreg:$0x15] =	wrdreg s11  }
0x22: {  	s1 =	sadd.s32 s1, s9;
	s16 =	sshrl.u32 s14, $0x2;
	[dreg:$0x16] =	wrdreg s13  }
0x23: {  	[dreg:$0x17] =	wrdreg s1;
	s22 =	sadd.s32 s14, s7;
	s1 =	sadd.s32 s16, s12  }
0x24: {  	s10 =	simm.s32 $0x1400;
	_ =	strace $0x80000047;
	[dreg:$0x18] =	wrdreg s15  }
0x25: {  	s11 =	simm.s32 $0x2800;
	s13 =	simm.s32 $0x5000;
	[dreg:$0x19] =	wrdreg s1  }
0x26: {  	s14 =	simm.s32 $0x6400;
	s16 =	simm.s32 $0x80;
	[dreg:$0x1a] =	wrdreg s17  }
0x27: {  	[dreg:$0x1b] =	wrdreg s18;
	s19 =	sadd.s32 $0x80, s22;
	s20 =	sadd.s32 $0x100, s22  }
0x28: {  	s21 =	sadd.s32 $0x180, s22;
	s23 =	sadd.s32 $0x200, s22;
	s24 =	sadd.s32 $0x280, s22  }
0x29: {  	s25 =	sadd.s32 $0x300, s22;
	s26 =	sadd.s32 $0x380, s22;
	[dreg:$0x1c] =	wrdreg s19  }
0x2a: {  	s2 =	sadd.s32 $0x14000, s22;
	s3 =	sadd.s32 $0x14080, s22;
	[dreg:$0x1d] =	wrdreg s20  }
0x2b: {  	s4 =	sadd.s32 $0x14100, s22;
	s5 =	sadd.s32 $0x14180, s22;
	[dreg:$0x1e] =	wrdreg s21  }
0x2c: {  	s6 =	sadd.s32 $0x14200, s22;
	s7 =	sadd.s32 $0x14280, s22;
	[dreg:$0x1f] =	wrdreg s23  }
0x2d: {  	s8 =	sadd.s32 $0x14300, s22;
	s9 =	sadd.s32 $0x14380, s22;
	[smem:$0x7FB] =	sst s24  }
0x2e: {  	s17 =	simm.s32 $0x400;
	s18 =	simm.s32 $0xA500;
	[smem:$0x7FC] =	sst s25  }
0x2f: {  	[smem:$0x7FD] =	sst s26;
	s19 =	simm.s32 $0x1;
	s20 =	simm.s32 $0x7800  }
0x30: {  	v0 =	vimm.f32 $0.0e+00;
	vm0 =	vmmov $0xff;
	s21 =	simm.s32 $0x2;
	s24 =	simm.s32 $0x4;
	s25 =	simm.s32 $0xA280  }
.LBB2_1:
0x31: {  	s1 =	rddreg [dreg:$0x6]  }
0x32: {  	[tilespmem:s10], [sflag:$0x1] =	stream.linear.gather [hbm4b:s1+s0], $0x1388, $0x38;
	[tilespmem:$0x14900] =	vst v63  }
0x33: {  	s26 =	rddreg [dreg:$0x7]  }
0x34: {  	[tilespmem:s11], [sflag:$0x1] =	stream.linear.gather [hbm4b:s26+s0], $0x1388, $0x38;
	[tilespmem:$0x14900] =	vst v63  }
0x35: {  	s15 =	rddreg [dreg:$0x8]  }
0x36: {  	[tilespmem:s13], [sflag:$0x2] =	stream.linear.gather [hbm4b:s15+s0], $0x1388, $0x38;
	[tilespmem:$0x14900] =	vst v63  }
0x37: {  	s23 =	rddreg [dreg:$0x9]  }
0x38: {  	[tilespmem:s14], [sflag:$0x2] =	stream.linear.gather [hbm4b:s23+s0], $0x1388, $0x38;
	[tilespmem:$0x14900] =	vst v63  }
0x39: {  	s26 =	rddreg [dreg:$0x18];
	s15 =	simm.s32 $0x7840  }
0x3a: {  	[tilespmem:s18], [sflag:$0x3] =	stream.strided.gather [hbm4b:s26+s16], $0x2780, s17, s16, $0x38;
	[tilespmem:$0x14900] =	vst v63  }
0x3b: {  	[tilespmem:s15+$0xFFFFFFC0] =	vst v0  }
0x3c: {  	[tilespmem:s15+$0x30] =	vst v0  }
0x3d: {  	[tilespmem:s15+$0x20] =	vst v0  }
0x3e: {  	[tilespmem:s15+$0x10] =	vst v0  }
0x3f: {  	[tilespmem:s15+$0x0] =	vst v0  }
0x40: {  	[tilespmem:s15+$0xFFFFFFF0] =	vst v0  }
0x41: {  	s23 =	simm.s32 $0x0;
	[tilespmem:s15+$0xFFFFFFE0] =	vst v0  }
.LBB2_2:
0x42: {  	s23 =	sadd.s32 $0x80, s23;
	[tilespmem:s15+$0xFFFFFFD0] =	vst v0;
	s15 =	sadd.s32 $0x80, s15;
	s1 =	simm.s32 $0xCCC0  }
0x43: {  	[tilespmem:s15+$0xFFFFFFC0] =	vst v0;
	p1 =	slt.u32 s23, $0x2780  }
0x44: {  	[tilespmem:s15+$0x30] =	vst v0  }
.Ltmp0:
0x45: {  	[tilespmem:s15+$0x20] =	vst v0;
	(pc) =	sbr.rel @p1 .LBB2_2-.Ltmp0, $4  }
0x46: {  	[tilespmem:s15+$0x10] =	vst v0  }
0x47: {  	[tilespmem:s15+$0x0] =	vst v0  }
0x48: {  	[tilespmem:s15+$0xFFFFFFF0] =	vst v0  }
0x49: {  	[tilespmem:s15+$0xFFFFFFE0] =	vst v0  }
0x4a: {  	[tilespmem:s15+$0xFFFFFFD0] =	vst v0  }
0x4b: {  	[tilespmem:s1+$0xFFFFFFC0] =	vst v0  }
0x4c: {  	[tilespmem:s1+$0x30] =	vst v0  }
0x4d: {  	[tilespmem:s1+$0x20] =	vst v0  }
0x4e: {  	[tilespmem:s1+$0x10] =	vst v0  }
0x4f: {  	[tilespmem:s1+$0x0] =	vst v0  }
0x50: {  	[tilespmem:s1+$0xFFFFFFF0] =	vst v0  }
0x51: {  	s15 =	simm.s32 $0x0;
	[tilespmem:s1+$0xFFFFFFE0] =	vst v0  }
.LBB2_4:
0x52: {  	s15 =	sadd.s32 $0x80, s15;
	[tilespmem:s1+$0xFFFFFFD0] =	vst v0;
	s1 =	sadd.s32 $0x80, s1  }
0x53: {  	[tilespmem:s1+$0xFFFFFFC0] =	vst v0;
	p1 =	slt.u32 s15, $0x2680  }
0x54: {  	[tilespmem:s1+$0x30] =	vst v0  }
.Ltmp1:
0x55: {  	[tilespmem:s1+$0x20] =	vst v0;
	(pc) =	sbr.rel @p1 .LBB2_4-.Ltmp1, $4  }
0x56: {  	[tilespmem:s1+$0x10] =	vst v0  }
0x57: {  	[tilespmem:s1+$0x0] =	vst v0  }
0x58: {  	[tilespmem:s1+$0xFFFFFFF0] =	vst v0  }
0x59: {  	[tilespmem:s1+$0xFFFFFFE0] =	vst v0  }
0x5a: {  	[tilespmem:s1+$0xFFFFFFD0] =	vst v0  }
0x5b: {  	[tilespmem:$0xF380] =	vst v0  }
0x5c: {  	_ =	swait.ge [sflag:s19], $0x1388  }
0x5d: {  	[sflag:s19] =	ssyncset.done $0x0  }
0x5e: {  	[sflag:s19] =	ssyncadd.s32 $0xFFFFEC78  }
0x5f: {  	_ =	swait.ge [sflag:s19], $0x1388  }
0x60: {  	[sflag:s19] =	ssyncset.done $0x0  }
0x61: {  	s15 =	simm.s32 $0x1420;
	[sflag:s19] =	ssyncadd.s32 $0xFFFFEC78  }
0x62: {  	v5 =	vld [tilespmem:s15+$0x10]  }
0x63: {  	v6 =	vld [tilespmem:s15+$0xFFFFFFF0]  }
0x64: {  	s1 =	simm.s32 $0x2820;
	v1 =	vld [tilespmem:s15+$0x0]  }
0x65: {  	v7 =	vld [tilespmem:s1+$0x10]  }
0x66: {  	v8 =	vld [tilespmem:s1+$0xFFFFFFF0]  }
0x67: {  	v4 =	vld [tilespmem:s1+$0x0]  }
0x68: {  	v2 =	vld [tilespmem:s15+$0xFFFFFFE0]  }
0x69: {  	v3 =	vld [tilespmem:s1+$0xFFFFFFE0]  }
0x6a: {  	[tilespmem:v5+s20+$0x0] =	vst.idx.add.f32.msk $0xffff, v7  }
0x6b: {  	s23 =	simm.s32 $0x1460;
	s15 =	simm.s32 $0x0;
	[tilespmem:v6+s20+$0x0] =	vst.idx.add.f32.msk $0xffff, v8  }
.LBB2_6:
0x6c: {  	v5 =	vld [tilespmem:s23+$0x10];
	s15 =	sadd.s32 $0x40, s15;
	v6 =	vmov v4  }
0x6d: {  	v7 =	vld [tilespmem:s23+$0xFFFFFFF0];
	p1 =	slt.u32 s15, $0x1340  }
0x6e: {  	s1 =	sadd.s32 $0x40, s1;
	v8 =	vld [tilespmem:s23+$0x0]  }
0x6f: {  	v9 =	vld [tilespmem:s1+$0x10]  }
0x70: {  	v10 =	vld [tilespmem:s23+$0xFFFFFFE0]  }
0x71: {  	v11 =	vld [tilespmem:s1+$0xFFFFFFE0]  }
0x72: {  	v12 =	vld [tilespmem:s1+$0xFFFFFFF0]  }
.Ltmp2:
0x73: {  	v4 =	vld [tilespmem:s1+$0x0];
	(pc) =	sbr.rel @p1 .LBB2_6-.Ltmp2, $4  }
0x74: {  	[tilespmem:v5+s20+$0x0] =	vst.idx.add.f32.msk $0xffff, v9  }
0x75: {  	[tilespmem:v2+s20+$0x0] =	vst.idx.add.f32.msk $0xffff, v3;
	v2 =	vmov v10  }
0x76: {  	[tilespmem:v1+s20+$0x0] =	vst.idx.add.f32.msk $0xffff, v6;
	v1 =	vmov v8;
	v3 =	vmov v11  }
0x77: {  	s23 =	sadd.s32 $0x40, s23;
	[tilespmem:v7+s20+$0x0] =	vst.idx.add.f32.msk $0xffff, v12  }
0x78: {  	_ =	sdelay $0x3  }
0x79: {  	[tilespmem:v2+s20+$0x0] =	vst.idx.add.f32.msk $0xffff, v3  }
0x7a: {  	[tilespmem:v1+s20+$0x0] =	vst.idx.add.f32.msk $0xffff, v4  }
0x7b: {  	v1 =	vld [tilespmem:$0x2780];
	_ =	sdelay $0x3  }
0x7c: {  	v2 =	vld [tilespmem:$0x3B80]  }
0x7d: {  	v1 =	vnsel vm0, $0x0, v1;
	_ =	sdelay $0x3  }
0x7e: {  	v2 =	vnsel vm0, $0x0, v2  }
0x7f: {  	s1 =	rddreg [dreg:$0xa];
	[tilespmem:v1+s20+$0x0] =	vst.idx.add.f32.msk $0xffff, v2  }
0x80: {  	[tilespmem:s0], [sflag:$0x1] =	stream.linear.gather [hbm4b:s1+s0], $0x1388, $0x38;
	[tilespmem:$0x14900] =	vst v63  }
0x81: {  	s23 =	rddreg [dreg:$0xb]  }
0x82: {  	[tilespmem:s10], [sflag:$0x1] =	stream.linear.gather [hbm4b:s23+s0], $0x1388, $0x38;
	[tilespmem:$0x14900] =	vst v63  }
0x83: {  	s26 =	rddreg [dreg:$0xc]  }
0x84: {  	[tilespmem:s11], [sflag:$0x1] =	stream.linear.gather [hbm4b:s26+s0], $0x1388, $0x38;
	[tilespmem:$0x14900] =	vst v63  }
0x85: {  	_ =	swait.ge [sflag:s21], $0x1388  }
0x86: {  	[sflag:s21] =	ssyncset.done $0x0  }
0x87: {  	[sflag:s21] =	ssyncadd.s32 $0xFFFFEC78  }
0x88: {  	_ =	swait.ge [sflag:s21], $0x1388  }
0x89: {  	[sflag:s21] =	ssyncset.done $0x0  }
0x8a: {  	s15 =	simm.s32 $0x5020;
	[sflag:s21] =	ssyncadd.s32 $0xFFFFEC78  }
0x8b: {  	v5 =	vld [tilespmem:s15+$0x10]  }
0x8c: {  	v6 =	vld [tilespmem:s15+$0xFFFFFFF0]  }
0x8d: {  	s1 =	simm.s32 $0x6420;
	v1 =	vld [tilespmem:s15+$0x0]  }
0x8e: {  	v7 =	vld [tilespmem:s1+$0x10]  }
0x8f: {  	v8 =	vld [tilespmem:s1+$0xFFFFFFF0]  }
0x90: {  	v4 =	vld [tilespmem:s1+$0x0]  }
0x91: {  	v2 =	vld [tilespmem:s15+$0xFFFFFFE0]  }
0x92: {  	v3 =	vld [tilespmem:s1+$0xFFFFFFE0]  }
0x93: {  	[tilespmem:v5+s20+$0x0] =	vst.idx.add.f32.msk $0xffff, v7  }
0x94: {  	s23 =	simm.s32 $0x5060;
	s15 =	simm.s32 $0x0;
	[tilespmem:v6+s20+$0x0] =	vst.idx.add.f32.msk $0xffff, v8  }
.LBB2_8:
0x95: {  	v5 =	vld [tilespmem:s23+$0x10];
	s15 =	sadd.s32 $0x40, s15;
	v6 =	vmov v4  }
0x96: {  	v7 =	vld [tilespmem:s23+$0xFFFFFFF0];
	p1 =	slt.u32 s15, $0x1340  }
0x97: {  	s1 =	sadd.s32 $0x40, s1;
	v8 =	vld [tilespmem:s23+$0x0]  }
0x98: {  	v9 =	vld [tilespmem:s1+$0x10]  }
0x99: {  	v10 =	vld [tilespmem:s23+$0xFFFFFFE0]  }
0x9a: {  	v11 =	vld [tilespmem:s1+$0xFFFFFFE0]  }
0x9b: {  	v12 =	vld [tilespmem:s1+$0xFFFFFFF0]  }
.Ltmp3:
0x9c: {  	v4 =	vld [tilespmem:s1+$0x0];
	(pc) =	sbr.rel @p1 .LBB2_8-.Ltmp3, $4  }
0x9d: {  	[tilespmem:v5+s20+$0x0] =	vst.idx.add.f32.msk $0xffff, v9  }
0x9e: {  	[tilespmem:v2+s20+$0x0] =	vst.idx.add.f32.msk $0xffff, v3;
	v2 =	vmov v10  }
0x9f: {  	[tilespmem:v1+s20+$0x0] =	vst.idx.add.f32.msk $0xffff, v6;
	v1 =	vmov v8;
	v3 =	vmov v11  }
0xa0: {  	s23 =	sadd.s32 $0x40, s23;
	[tilespmem:v7+s20+$0x0] =	vst.idx.add.f32.msk $0xffff, v12  }
0xa1: {  	_ =	sdelay $0x3  }
0xa2: {  	[tilespmem:v2+s20+$0x0] =	vst.idx.add.f32.msk $0xffff, v3  }
0xa3: {  	[tilespmem:v1+s20+$0x0] =	vst.idx.add.f32.msk $0xffff, v4  }
0xa4: {  	v1 =	vld [tilespmem:$0x6380];
	_ =	sdelay $0x3  }
0xa5: {  	v2 =	vld [tilespmem:$0x7780]  }
0xa6: {  	v1 =	vnsel vm0, $0x0, v1;
	_ =	sdelay $0x3  }
0xa7: {  	v2 =	vnsel vm0, $0x0, v2  }
0xa8: {  	s1 =	rddreg [dreg:$0xd];
	[tilespmem:v1+s20+$0x0] =	vst.idx.add.f32.msk $0xffff, v2  }
0xa9: {  	[tilespmem:s31], [sflag:$0x2] =	stream.linear.gather [hbm4b:s1+s0], $0x1388, $0x38;
	[tilespmem:$0x14900] =	vst v63  }
0xaa: {  	s23 =	rddreg [dreg:$0xf]  }
0xab: {  	[tilespmem:s13], [sflag:$0x2] =	stream.linear.gather [hbm4b:s23+s0], $0x1388, $0x38;
	[tilespmem:$0x14900] =	vst v63  }
0xac: {  	s26 =	rddreg [dreg:$0x10]  }
0xad: {  	[tilespmem:s14], [sflag:$0x2] =	stream.linear.gather [hbm4b:s26+s0], $0x1388, $0x38;
	[tilespmem:$0x14900] =	vst v63  }
0xae: {  	s31 =	rddreg [dreg:$0xe]  }
0xaf: {  	[spmem:s31] =	stream.strided.scatter [tilespmem:s20], [sflag:$0x4], $0x2800, s17, s16, $0x38;
	[tilespmem:$0x14900] =	vst v63  }
0xb0: {  	_ =	swait.ge [sflag:s24], $0x2800  }
0xb1: {  	[sflag:s24] =	ssyncset.done $0x0  }
0xb2: {  	[sflag:s24] =	ssyncadd.s32 $0xFFFFD800  }
0xb3: {  	s1 =	simm.s32 $0xA000;
	[bflag:$0x0] =	sbarrier.arrive $0xFFFF  }
0xb4: {  	[tilespmem:s1], [sflag:$0x4] =	stream.strided.gather [spmem:s22], $0x280, s17, s16, $0x38;
	[tilespmem:$0x14900] =	vst v63  }
0xb5: {  	_ =	swait.ge [sflag:s24], $0x280  }
0xb6: {  	[sflag:s24] =	ssyncset.done $0x0  }
0xb7: {  	s15 =	rddreg [dreg:$0x1c];
	[sflag:s24] =	ssyncadd.s32 $0xFFFFFD80  }
0xb8: {  	[tilespmem:s25], [sflag:$0x4] =	stream.strided.gather [spmem:s15], $0x280, s17, s16, $0x38;
	[tilespmem:$0x14900] =	vst v63  }
0xb9: {  	_ =	swait.ge [sflag:s24], $0x280  }
0xba: {  	[sflag:s24] =	ssyncset.done $0x0  }
0xbb: {  	s15 =	simm.s32 $0x0;
	[sflag:s24] =	ssyncadd.s32 $0xFFFFFD80  }
0xbc: {  	s23 =	sand.u32 $0x3F0, s15;
	v1 =	vld [tilespmem:s1+$0x0]  }
0xbd: {  	v2 =	vld [tilespmem:s23+$0xA280];
	s23 =	simm.s32 $0xA000  }
.LBB2_10:
0xbe: {  	s15 =	sadd.s32 $0x10, s15  }
0xbf: {  	p1 =	slt.u32 s15, $0x270  }
.Ltmp4:
0xc0: {  	_ = 	snop;
	(pc) =	sbr.rel @p1 .LBB2_10-.Ltmp4, $4  }
0xc1: {  	_ = 	snop  }
0xc2: {  	s1 =	sadd.s32 $0x10, s1;
	v3 =	vadd.f32 v2, v1  }
0xc3: {  	s26 =	sand.u32 $0x3F0, s15;
	v1 =	vld [tilespmem:s1+$0x0]  }
0xc4: {  	v2 =	vld [tilespmem:s26+$0xA280];
	[tilespmem:s23+$0x0] =	vst v3;
	s23 =	smov.u32 s1  }
0xc5: {  	_ =	sdelay $0x3  }
0xc6: {  	v1 =	vadd.f32 v2, v1;
	_ =	sdelay $0x1  }
0xc7: {  	[tilespmem:s23+$0x0] =	vst v1  }
0xc8: {  	s1 =	rddreg [dreg:$0x1d]  }
0xc9: {  	[tilespmem:s25], [sflag:$0x4] =	stream.strided.gather [spmem:s1], $0x280, s17, s16, $0x38;
	[tilespmem:$0x14900] =	vst v63  }
0xca: {  	_ =	swait.ge [sflag:s24], $0x280  }
0xcb: {  	[sflag:s24] =	ssyncset.done $0x0  }
0xcc: {  	s15 =	simm.s32 $0x0;
	s1 =	simm.s32 $0xA000;
	[sflag:s24] =	ssyncadd.s32 $0xFFFFFD80  }
0xcd: {  	s31 =	sand.u32 $0x3F0, s15;
	v1 =	vld [tilespmem:s1+$0x0]  }
0xce: {  	s23 =	simm.s32 $0xA000;
	v2 =	vld [tilespmem:s31+$0xA280]  }
.LBB2_12:
0xcf: {  	s15 =	sadd.s32 $0x10, s15  }
0xd0: {  	p1 =	slt.u32 s15, $0x270  }
.Ltmp5:
0xd1: {  	_ = 	snop;
	(pc) =	sbr.rel @p1 .LBB2_12-.Ltmp5, $4  }
0xd2: {  	_ = 	snop  }
0xd3: {  	s1 =	sadd.s32 $0x10, s1;
	v3 =	vadd.f32 v2, v1  }
0xd4: {  	s26 =	sand.u32 $0x3F0, s15;
	v1 =	vld [tilespmem:s1+$0x0]  }
0xd5: {  	v2 =	vld [tilespmem:s26+$0xA280];
	[tilespmem:s23+$0x0] =	vst v3;
	s23 =	smov.u32 s1  }
0xd6: {  	_ =	sdelay $0x3  }
0xd7: {  	v1 =	vadd.f32 v2, v1;
	_ =	sdelay $0x1  }
0xd8: {  	[tilespmem:s23+$0x0] =	vst v1  }
0xd9: {  	s1 =	rddreg [dreg:$0x1e]  }
0xda: {  	[tilespmem:s25], [sflag:$0x4] =	stream.strided.gather [spmem:s1], $0x280, s17, s16, $0x38;
	[tilespmem:$0x14900] =	vst v63  }
0xdb: {  	_ =	swait.ge [sflag:s24], $0x280  }
0xdc: {  	[sflag:s24] =	ssyncset.done $0x0  }
0xdd: {  	s15 =	simm.s32 $0x0;
	s1 =	simm.s32 $0xA000;
	[sflag:s24] =	ssyncadd.s32 $0xFFFFFD80  }
0xde: {  	s31 =	sand.u32 $0x3F0, s15;
	v1 =	vld [tilespmem:s1+$0x0]  }
0xdf: {  	s23 =	simm.s32 $0xA000;
	v2 =	vld [tilespmem:s31+$0xA280]  }
.LBB2_14:
0xe0: {  	s15 =	sadd.s32 $0x10, s15  }
0xe1: {  	p1 =	slt.u32 s15, $0x270  }
.Ltmp6:
0xe2: {  	_ = 	snop;
	(pc) =	sbr.rel @p1 .LBB2_14-.Ltmp6, $4  }
0xe3: {  	_ = 	snop  }
0xe4: {  	s1 =	sadd.s32 $0x10, s1;
	v3 =	vadd.f32 v2, v1  }
0xe5: {  	s26 =	sand.u32 $0x3F0, s15;
	v1 =	vld [tilespmem:s1+$0x0]  }
0xe6: {  	v2 =	vld [tilespmem:s26+$0xA280];
	[tilespmem:s23+$0x0] =	vst v3;
	s23 =	smov.u32 s1  }
0xe7: {  	_ =	sdelay $0x3  }
0xe8: {  	v1 =	vadd.f32 v2, v1;
	_ =	sdelay $0x1  }
0xe9: {  	[tilespmem:s23+$0x0] =	vst v1  }
0xea: {  	s1 =	rddreg [dreg:$0x1f]  }
0xeb: {  	[tilespmem:s25], [sflag:$0x4] =	stream.strided.gather [spmem:s1], $0x280, s17, s16, $0x38;
	[tilespmem:$0x14900] =	vst v63  }
0xec: {  	_ =	swait.ge [sflag:s24], $0x280  }
0xed: {  	[sflag:s24] =	ssyncset.done $0x0  }
0xee: {  	s15 =	simm.s32 $0x0;
	s1 =	simm.s32 $0xA000;
	[sflag:s24] =	ssyncadd.s32 $0xFFFFFD80  }
0xef: {  	s31 =	sand.u32 $0x3F0, s15;
	v1 =	vld [tilespmem:s1+$0x0]  }
0xf0: {  	s23 =	simm.s32 $0xA000;
	v2 =	vld [tilespmem:s31+$0xA280]  }
.LBB2_16:
0xf1: {  	s15 =	sadd.s32 $0x10, s15  }
0xf2: {  	p1 =	slt.u32 s15, $0x270  }
.Ltmp7:
0xf3: {  	_ = 	snop;
	(pc) =	sbr.rel @p1 .LBB2_16-.Ltmp7, $4  }
0xf4: {  	_ = 	snop  }
0xf5: {  	s1 =	sadd.s32 $0x10, s1;
	v3 =	vadd.f32 v2, v1  }
0xf6: {  	s26 =	sand.u32 $0x3F0, s15;
	v1 =	vld [tilespmem:s1+$0x0]  }
0xf7: {  	v2 =	vld [tilespmem:s26+$0xA280];
	[tilespmem:s23+$0x0] =	vst v3;
	s23 =	smov.u32 s1  }
0xf8: {  	_ =	sdelay $0x3  }
0xf9: {  	v1 =	vadd.f32 v2, v1;
	_ =	sdelay $0x1  }
0xfa: {  	[tilespmem:s23+$0x0] =	vst v1  }
0xfb: {  	s1 =	sld [smem:$0x7FB];
	_ =	sdelay $0x2  }
0xfc: {  	[tilespmem:s25], [sflag:$0x4] =	stream.strided.gather [spmem:s1], $0x280, s17, s16, $0x38;
	[tilespmem:$0x14900] =	vst v63  }
0xfd: {  	_ =	swait.ge [sflag:s24], $0x280  }
0xfe: {  	[sflag:s24] =	ssyncset.done $0x0  }
0xff: {  	s15 =	simm.s32 $0x0;
	s1 =	simm.s32 $0xA000;
	[sflag:s24] =	ssyncadd.s32 $0xFFFFFD80  }
0x100: {  	s31 =	sand.u32 $0x3F0, s15;
	v1 =	vld [tilespmem:s1+$0x0]  }
0x101: {  	s23 =	simm.s32 $0xA000;
	v2 =	vld [tilespmem:s31+$0xA280]  }
.LBB2_18:
0x102: {  	s15 =	sadd.s32 $0x10, s15  }
0x103: {  	p1 =	slt.u32 s15, $0x270  }
.Ltmp8:
0x104: {  	_ = 	snop;
	(pc) =	sbr.rel @p1 .LBB2_18-.Ltmp8, $4  }
0x105: {  	_ = 	snop  }
0x106: {  	s1 =	sadd.s32 $0x10, s1;
	v3 =	vadd.f32 v2, v1  }
0x107: {  	s26 =	sand.u32 $0x3F0, s15;
	v1 =	vld [tilespmem:s1+$0x0]  }
0x108: {  	v2 =	vld [tilespmem:s26+$0xA280];
	[tilespmem:s23+$0x0] =	vst v3;
	s23 =	smov.u32 s1  }
0x109: {  	_ =	sdelay $0x3  }
0x10a: {  	v1 =	vadd.f32 v2, v1;
	_ =	sdelay $0x1  }
0x10b: {  	[tilespmem:s23+$0x0] =	vst v1  }
0x10c: {  	s1 =	sld [smem:$0x7FC];
	_ =	sdelay $0x2  }
0x10d: {  	[tilespmem:s25], [sflag:$0x4] =	stream.strided.gather [spmem:s1], $0x280, s17, s16, $0x38;
	[tilespmem:$0x14900] =	vst v63  }
0x10e: {  	_ =	swait.ge [sflag:s24], $0x280  }
0x10f: {  	[sflag:s24] =	ssyncset.done $0x0  }
0x110: {  	s15 =	simm.s32 $0x0;
	s1 =	simm.s32 $0xA000;
	[sflag:s24] =	ssyncadd.s32 $0xFFFFFD80  }
0x111: {  	s31 =	sand.u32 $0x3F0, s15;
	v1 =	vld [tilespmem:s1+$0x0]  }
0x112: {  	s23 =	simm.s32 $0xA000;
	v2 =	vld [tilespmem:s31+$0xA280]  }
.LBB2_20:
0x113: {  	s15 =	sadd.s32 $0x10, s15  }
0x114: {  	p1 =	slt.u32 s15, $0x270  }
.Ltmp9:
0x115: {  	_ = 	snop;
	(pc) =	sbr.rel @p1 .LBB2_20-.Ltmp9, $4  }
0x116: {  	_ = 	snop  }
0x117: {  	s1 =	sadd.s32 $0x10, s1;
	v3 =	vadd.f32 v2, v1  }
0x118: {  	s26 =	sand.u32 $0x3F0, s15;
	v1 =	vld [tilespmem:s1+$0x0]  }
0x119: {  	v2 =	vld [tilespmem:s26+$0xA280];
	[tilespmem:s23+$0x0] =	vst v3;
	s23 =	smov.u32 s1  }
0x11a: {  	_ =	sdelay $0x3  }
0x11b: {  	v1 =	vadd.f32 v2, v1;
	_ =	sdelay $0x1  }
0x11c: {  	[tilespmem:s23+$0x0] =	vst v1  }
0x11d: {  	s1 =	sld [smem:$0x7FD];
	_ =	sdelay $0x2  }
0x11e: {  	[tilespmem:s25], [sflag:$0x4] =	stream.strided.gather [spmem:s1], $0x280, s17, s16, $0x38;
	[tilespmem:$0x14900] =	vst v63  }
0x11f: {  	_ =	swait.ge [sflag:s24], $0x280  }
0x120: {  	[sflag:s24] =	ssyncset.done $0x0  }
0x121: {  	s15 =	simm.s32 $0x0;
	s1 =	simm.s32 $0xA000;
	[sflag:s24] =	ssyncadd.s32 $0xFFFFFD80  }
0x122: {  	s31 =	sand.u32 $0x3F0, s15;
	v1 =	vld [tilespmem:s1+$0x0]  }
0x123: {  	s23 =	simm.s32 $0xA000;
	v2 =	vld [tilespmem:s31+$0xA280]  }
.LBB2_22:
0x124: {  	s15 =	sadd.s32 $0x10, s15  }
0x125: {  	p1 =	slt.u32 s15, $0x270  }
.Ltmp10:
0x126: {  	_ = 	snop;
	(pc) =	sbr.rel @p1 .LBB2_22-.Ltmp10, $4  }
0x127: {  	_ = 	snop  }
0x128: {  	s1 =	sadd.s32 $0x10, s1;
	v3 =	vadd.f32 v2, v1  }
0x129: {  	s26 =	sand.u32 $0x3F0, s15;
	v1 =	vld [tilespmem:s1+$0x0]  }
0x12a: {  	v2 =	vld [tilespmem:s26+$0xA280];
	[tilespmem:s23+$0x0] =	vst v3;
	s23 =	smov.u32 s1  }
0x12b: {  	_ =	sdelay $0x3  }
0x12c: {  	v1 =	vadd.f32 v2, v1;
	_ =	sdelay $0x1  }
0x12d: {  	[tilespmem:s23+$0x0] =	vst v1  }
0x12e: {  	[tilespmem:s25], [sflag:$0x4] =	stream.strided.gather [spmem:s2], $0x280, s17, s16, $0x38;
	[tilespmem:$0x14900] =	vst v63  }
0x12f: {  	_ =	swait.ge [sflag:s24], $0x280  }
0x130: {  	[sflag:s24] =	ssyncset.done $0x0  }
0x131: {  	s1 =	simm.s32 $0xA000;
	s15 =	simm.s32 $0x0;
	[sflag:s24] =	ssyncadd.s32 $0xFFFFFD80  }
0x132: {  	s31 =	sand.u32 $0x3F0, s15;
	v1 =	vld [tilespmem:s1+$0x0]  }
0x133: {  	s23 =	simm.s32 $0xA000;
	v2 =	vld [tilespmem:s31+$0xA280]  }
.LBB2_24:
0x134: {  	s15 =	sadd.s32 $0x10, s15  }
0x135: {  	p1 =	slt.u32 s15, $0x270  }
.Ltmp11:
0x136: {  	_ = 	snop;
	(pc) =	sbr.rel @p1 .LBB2_24-.Ltmp11, $4  }
0x137: {  	_ = 	snop  }
0x138: {  	s1 =	sadd.s32 $0x10, s1;
	v3 =	vadd.f32 v2, v1  }
0x139: {  	s26 =	sand.u32 $0x3F0, s15;
	v1 =	vld [tilespmem:s1+$0x0]  }
0x13a: {  	v2 =	vld [tilespmem:s26+$0xA280];
	[tilespmem:s23+$0x0] =	vst v3;
	s23 =	smov.u32 s1  }
0x13b: {  	_ =	sdelay $0x3  }
0x13c: {  	v1 =	vadd.f32 v2, v1;
	_ =	sdelay $0x1  }
0x13d: {  	[tilespmem:s23+$0x0] =	vst v1  }
0x13e: {  	[tilespmem:s25], [sflag:$0x4] =	stream.strided.gather [spmem:s3], $0x280, s17, s16, $0x38;
	[tilespmem:$0x14900] =	vst v63  }
0x13f: {  	_ =	swait.ge [sflag:s24], $0x280  }
0x140: {  	[sflag:s24] =	ssyncset.done $0x0  }
0x141: {  	s1 =	simm.s32 $0xA000;
	s15 =	simm.s32 $0x0;
	[sflag:s24] =	ssyncadd.s32 $0xFFFFFD80  }
0x142: {  	s31 =	sand.u32 $0x3F0, s15;
	v1 =	vld [tilespmem:s1+$0x0]  }
0x143: {  	s23 =	simm.s32 $0xA000;
	v2 =	vld [tilespmem:s31+$0xA280]  }
.LBB2_26:
0x144: {  	s15 =	sadd.s32 $0x10, s15  }
0x145: {  	p1 =	slt.u32 s15, $0x270  }
.Ltmp12:
0x146: {  	_ = 	snop;
	(pc) =	sbr.rel @p1 .LBB2_26-.Ltmp12, $4  }
0x147: {  	_ = 	snop  }
0x148: {  	s1 =	sadd.s32 $0x10, s1;
	v3 =	vadd.f32 v2, v1  }
0x149: {  	s26 =	sand.u32 $0x3F0, s15;
	v1 =	vld [tilespmem:s1+$0x0]  }
0x14a: {  	v2 =	vld [tilespmem:s26+$0xA280];
	[tilespmem:s23+$0x0] =	vst v3;
	s23 =	smov.u32 s1  }
0x14b: {  	_ =	sdelay $0x3  }
0x14c: {  	v1 =	vadd.f32 v2, v1;
	_ =	sdelay $0x1  }
0x14d: {  	[tilespmem:s23+$0x0] =	vst v1  }
0x14e: {  	[tilespmem:s25], [sflag:$0x4] =	stream.strided.gather [spmem:s4], $0x280, s17, s16, $0x38;
	[tilespmem:$0x14900] =	vst v63  }
0x14f: {  	_ =	swait.ge [sflag:s24], $0x280  }
0x150: {  	[sflag:s24] =	ssyncset.done $0x0  }
0x151: {  	s1 =	simm.s32 $0xA000;
	s15 =	simm.s32 $0x0;
	[sflag:s24] =	ssyncadd.s32 $0xFFFFFD80  }
0x152: {  	s31 =	sand.u32 $0x3F0, s15;
	v1 =	vld [tilespmem:s1+$0x0]  }
0x153: {  	s23 =	simm.s32 $0xA000;
	v2 =	vld [tilespmem:s31+$0xA280]  }
.LBB2_28:
0x154: {  	s15 =	sadd.s32 $0x10, s15  }
0x155: {  	p1 =	slt.u32 s15, $0x270  }
.Ltmp13:
0x156: {  	_ = 	snop;
	(pc) =	sbr.rel @p1 .LBB2_28-.Ltmp13, $4  }
0x157: {  	_ = 	snop  }
0x158: {  	s1 =	sadd.s32 $0x10, s1;
	v3 =	vadd.f32 v2, v1  }
0x159: {  	s26 =	sand.u32 $0x3F0, s15;
	v1 =	vld [tilespmem:s1+$0x0]  }
0x15a: {  	v2 =	vld [tilespmem:s26+$0xA280];
	[tilespmem:s23+$0x0] =	vst v3;
	s23 =	smov.u32 s1  }
0x15b: {  	_ =	sdelay $0x3  }
0x15c: {  	v1 =	vadd.f32 v2, v1;
	_ =	sdelay $0x1  }
0x15d: {  	[tilespmem:s23+$0x0] =	vst v1  }
0x15e: {  	[tilespmem:s25], [sflag:$0x4] =	stream.strided.gather [spmem:s5], $0x280, s17, s16, $0x38;
	[tilespmem:$0x14900] =	vst v63  }
0x15f: {  	_ =	swait.ge [sflag:s24], $0x280  }
0x160: {  	[sflag:s24] =	ssyncset.done $0x0  }
0x161: {  	s1 =	simm.s32 $0xA000;
	s15 =	simm.s32 $0x0;
	[sflag:s24] =	ssyncadd.s32 $0xFFFFFD80  }
0x162: {  	s31 =	sand.u32 $0x3F0, s15;
	v1 =	vld [tilespmem:s1+$0x0]  }
0x163: {  	s23 =	simm.s32 $0xA000;
	v2 =	vld [tilespmem:s31+$0xA280]  }
.LBB2_30:
0x164: {  	s15 =	sadd.s32 $0x10, s15  }
0x165: {  	p1 =	slt.u32 s15, $0x270  }
.Ltmp14:
0x166: {  	_ = 	snop;
	(pc) =	sbr.rel @p1 .LBB2_30-.Ltmp14, $4  }
0x167: {  	_ = 	snop  }
0x168: {  	s1 =	sadd.s32 $0x10, s1;
	v3 =	vadd.f32 v2, v1  }
0x169: {  	s26 =	sand.u32 $0x3F0, s15;
	v1 =	vld [tilespmem:s1+$0x0]  }
0x16a: {  	v2 =	vld [tilespmem:s26+$0xA280];
	[tilespmem:s23+$0x0] =	vst v3;
	s23 =	smov.u32 s1  }
0x16b: {  	_ =	sdelay $0x3  }
0x16c: {  	v1 =	vadd.f32 v2, v1;
	_ =	sdelay $0x1  }
0x16d: {  	[tilespmem:s23+$0x0] =	vst v1  }
0x16e: {  	[tilespmem:s25], [sflag:$0x4] =	stream.strided.gather [spmem:s6], $0x280, s17, s16, $0x38;
	[tilespmem:$0x14900] =	vst v63  }
0x16f: {  	_ =	swait.ge [sflag:s24], $0x280  }
0x170: {  	[sflag:s24] =	ssyncset.done $0x0  }
0x171: {  	s1 =	simm.s32 $0xA000;
	s15 =	simm.s32 $0x0;
	[sflag:s24] =	ssyncadd.s32 $0xFFFFFD80  }
0x172: {  	s31 =	sand.u32 $0x3F0, s15;
	v1 =	vld [tilespmem:s1+$0x0]  }
0x173: {  	s23 =	simm.s32 $0xA000;
	v2 =	vld [tilespmem:s31+$0xA280]  }
.LBB2_32:
0x174: {  	s15 =	sadd.s32 $0x10, s15  }
0x175: {  	p1 =	slt.u32 s15, $0x270  }
.Ltmp15:
0x176: {  	_ = 	snop;
	(pc) =	sbr.rel @p1 .LBB2_32-.Ltmp15, $4  }
0x177: {  	_ = 	snop  }
0x178: {  	s1 =	sadd.s32 $0x10, s1;
	v3 =	vadd.f32 v2, v1  }
0x179: {  	s26 =	sand.u32 $0x3F0, s15;
	v1 =	vld [tilespmem:s1+$0x0]  }
0x17a: {  	v2 =	vld [tilespmem:s26+$0xA280];
	[tilespmem:s23+$0x0] =	vst v3;
	s23 =	smov.u32 s1  }
0x17b: {  	_ =	sdelay $0x3  }
0x17c: {  	v1 =	vadd.f32 v2, v1;
	_ =	sdelay $0x1  }
0x17d: {  	[tilespmem:s23+$0x0] =	vst v1  }
0x17e: {  	[tilespmem:s25], [sflag:$0x4] =	stream.strided.gather [spmem:s7], $0x280, s17, s16, $0x38;
	[tilespmem:$0x14900] =	vst v63  }
0x17f: {  	_ =	swait.ge [sflag:s24], $0x280  }
0x180: {  	[sflag:s24] =	ssyncset.done $0x0  }
0x181: {  	s1 =	simm.s32 $0xA000;
	s15 =	simm.s32 $0x0;
	[sflag:s24] =	ssyncadd.s32 $0xFFFFFD80  }
0x182: {  	s31 =	sand.u32 $0x3F0, s15;
	v1 =	vld [tilespmem:s1+$0x0]  }
0x183: {  	s23 =	simm.s32 $0xA000;
	v2 =	vld [tilespmem:s31+$0xA280]  }
.LBB2_34:
0x184: {  	s15 =	sadd.s32 $0x10, s15  }
0x185: {  	p1 =	slt.u32 s15, $0x270  }
.Ltmp16:
0x186: {  	_ = 	snop;
	(pc) =	sbr.rel @p1 .LBB2_34-.Ltmp16, $4  }
0x187: {  	_ = 	snop  }
0x188: {  	s1 =	sadd.s32 $0x10, s1;
	v3 =	vadd.f32 v2, v1  }
0x189: {  	s26 =	sand.u32 $0x3F0, s15;
	v1 =	vld [tilespmem:s1+$0x0]  }
0x18a: {  	v2 =	vld [tilespmem:s26+$0xA280];
	[tilespmem:s23+$0x0] =	vst v3;
	s23 =	smov.u32 s1  }
0x18b: {  	_ =	sdelay $0x3  }
0x18c: {  	v1 =	vadd.f32 v2, v1;
	_ =	sdelay $0x1  }
0x18d: {  	[tilespmem:s23+$0x0] =	vst v1  }
0x18e: {  	[tilespmem:s25], [sflag:$0x4] =	stream.strided.gather [spmem:s8], $0x280, s17, s16, $0x38;
	[tilespmem:$0x14900] =	vst v63  }
0x18f: {  	_ =	swait.ge [sflag:s24], $0x280  }
0x190: {  	[sflag:s24] =	ssyncset.done $0x0  }
0x191: {  	s1 =	simm.s32 $0xA000;
	s15 =	simm.s32 $0x0;
	[sflag:s24] =	ssyncadd.s32 $0xFFFFFD80  }
0x192: {  	s31 =	sand.u32 $0x3F0, s15;
	v1 =	vld [tilespmem:s1+$0x0]  }
0x193: {  	s23 =	simm.s32 $0xA000;
	v2 =	vld [tilespmem:s31+$0xA280]  }
.LBB2_36:
0x194: {  	s15 =	sadd.s32 $0x10, s15  }
0x195: {  	p1 =	slt.u32 s15, $0x270  }
.Ltmp17:
0x196: {  	_ = 	snop;
	(pc) =	sbr.rel @p1 .LBB2_36-.Ltmp17, $4  }
0x197: {  	_ = 	snop  }
0x198: {  	s1 =	sadd.s32 $0x10, s1;
	v3 =	vadd.f32 v2, v1  }
0x199: {  	s26 =	sand.u32 $0x3F0, s15;
	v1 =	vld [tilespmem:s1+$0x0]  }
0x19a: {  	v2 =	vld [tilespmem:s26+$0xA280];
	[tilespmem:s23+$0x0] =	vst v3;
	s23 =	smov.u32 s1  }
0x19b: {  	_ =	sdelay $0x3  }
0x19c: {  	v1 =	vadd.f32 v2, v1;
	_ =	sdelay $0x1  }
0x19d: {  	[tilespmem:s23+$0x0] =	vst v1  }
0x19e: {  	[tilespmem:s25], [sflag:$0x4] =	stream.strided.gather [spmem:s9], $0x280, s17, s16, $0x38;
	[tilespmem:$0x14900] =	vst v63  }
0x19f: {  	_ =	swait.ge [sflag:s24], $0x280  }
0x1a0: {  	[sflag:s24] =	ssyncset.done $0x0  }
0x1a1: {  	s31 =	simm.s32 $0xA000;
	s1 =	simm.s32 $0x0;
	[sflag:s24] =	ssyncadd.s32 $0xFFFFFD80  }
0x1a2: {  	s1 =	sand.u32 $0x3F0, s1;
	v1 =	vld [tilespmem:s31+$0x0]  }
0x1a3: {  	v2 =	vld [tilespmem:s1+$0xA280];
	_ =	sdelay $0x3  }
0x1a4: {  	s15 =	simm.s32 $0xA010;
	s1 =	simm.s32 $0x10  }
0x1a5: {  	s26 =	sand.u32 $0x3F0, s1;
	v3 =	vadd.f32 v2, v1;
	v1 =	vld [tilespmem:s15+$0x0]  }
0x1a6: {  	v2 =	vld [tilespmem:s26+$0xA280];
	_ =	sdelay $0x1  }
0x1a7: {  	s23 =	simm.s32 $0xA010;
	[tilespmem:s31+$0x0] =	vst v3  }
.LBB2_38:
0x1a8: {  	s1 =	sadd.s32 $0x10, s1  }
0x1a9: {  	s15 =	sadd.s32 $0x10, s15;
	p1 =	slt.u32 s1, $0x270  }
.Ltmp18:
0x1aa: {  	s26 =	sand.u32 $0x3F0, s1;
	v3 =	vadd.f32 v2, v1;
	v1 =	vld [tilespmem:s15+$0x0];
	(pc) =	sbr.rel @p1 .LBB2_38-.Ltmp18, $2  }
0x1ab: {  	v2 =	vld [tilespmem:s26+$0xA280]  }
0x1ac: {  	[tilespmem:s23+$0x0] =	vst v3;
	s23 =	smov.u32 s15;
	_ =	sdelay $0x2  }
0x1ad: {  	_ = 	snop  }
0x1ae: {  	v1 =	vadd.f32 v2, v1;
	_ =	sdelay $0x1  }
0x1af: {  	[tilespmem:s23+$0x0] =	vst v1;
	s23 =	simm.s32 $0xA010  }
0x1b0: {  	v1 =	vld [tilespmem:s23+$0x0]  }
0x1b1: {  	v3 =	vld [tilespmem:s23+$0xFFFFFFF0];
	_ =	sdelay $0x3  }
0x1b2: {  	v2 =	vadd.f32 $1.000000000e+00, v1  }
0x1b3: {  	v1 =	vadd.f32 $1.000000000e+00, v3  }
0x1b4: {  	v3 =	vshrl.u32 v2, $0x1;
	v10 =	vmul.f32 $5.000000000e-01, v2  }
0x1b5: {  	s31 =	simm.s32 $0xA030;
	v4 =	vshrl.u32 v1, $0x1;
	v12 =	vmul.f32 $5.000000000e-01, v1;
	v3 =	vsub.s32 $0x5F3759DF, v3  }
0x1b6: {  	v7 =	vld [tilespmem:s31+$0x0];
	v5 =	vsub.s32 $0x5F3759DF, v4;
	v4 =	vmul.f32 v3, v10  }
0x1b7: {  	v6 =	vmul.f32 v5, v12  }
0x1b8: {  	v8 =	vld [tilespmem:s31+$0xFFFFFFF0];
	v4 =	vmul.f32 v3, v4  }
0x1b9: {  	v6 =	vmul.f32 v5, v6  }
0x1ba: {  	v9 =	vsub.f32 $1.500000000e+00, v4  }
0x1bb: {  	v6 =	vsub.f32 $1.500000000e+00, v6;
	v4 =	vadd.f32 $1.000000000e+00, v7  }
0x1bc: {  	v7 =	vmul.f32 v3, v9  }
0x1bd: {  	v3 =	vadd.f32 $1.000000000e+00, v8;
	v11 =	vmul.f32 v5, v6;
	v6 =	vshrl.u32 v4, $0x1  }
0x1be: {  	v5 =	vmul.f32 $5.000000000e-01, v4;
	v9 =	vsub.s32 $0x5F3759DF, v6  }
0x1bf: {  	v8 =	vmul.f32 v7, v10;
	v13 =	vshrl.u32 v3, $0x1;
	v6 =	vmul.f32 $5.000000000e-01, v3  }
0x1c0: {  	s15 =	simm.s32 $0xA050;
	v14 =	vmul.f32 v11, v12;
	v15 =	vsub.s32 $0x5F3759DF, v13;
	v13 =	vmul.f32 v9, v5  }
0x1c1: {  	v17 =	vld [tilespmem:s15+$0x0];
	v16 =	vmul.f32 v15, v6;
	v8 =	vmul.f32 v8, v7  }
0x1c2: {  	v18 =	vld [tilespmem:s15+$0xFFFFFFF0];
	v14 =	vmul.f32 v14, v11;
	v13 =	vmul.f32 v9, v13  }
0x1c3: {  	v8 =	vsub.f32 $1.500000000e+00, v8;
	v16 =	vmul.f32 v15, v16  }
0x1c4: {  	v14 =	vsub.f32 $1.500000000e+00, v14;
	v19 =	vsub.f32 $1.500000000e+00, v13  }
0x1c5: {  	v16 =	vsub.f32 $1.500000000e+00, v16;
	v13 =	vmul.f32 v8, v7  }
0x1c6: {  	v8 =	vadd.f32 $1.000000000e+00, v17;
	v14 =	vmul.f32 v14, v11;
	v9 =	vmul.f32 v9, v19  }
0x1c7: {  	v7 =	vadd.f32 $1.000000000e+00, v18;
	v11 =	vmul.f32 v15, v16;
	v16 =	vmul.f32 v13, v10  }
0x1c8: {  	v10 =	vshrl.u32 v8, $0x1;
	v19 =	vmul.f32 v14, v12;
	v12 =	vmul.f32 $5.000000000e-01, v8  }
0x1c9: {  	v18 =	vmul.f32 v9, v5;
	v15 =	vsub.s32 $0x5F3759DF, v10;
	v10 =	vmul.f32 $5.000000000e-01, v7  }
0x1ca: {  	v20 =	vshrl.u32 v7, $0x1;
	v17 =	vmul.f32 v11, v6;
	v23 =	vmul.f32 v16, v13  }
0x1cb: {  	v16 =	vsub.s32 $0x5F3759DF, v20;
	v20 =	vmul.f32 v15, v12;
	v19 =	vmul.f32 v19, v14  }
0x1cc: {  	s1 =	simm.s32 $0x40;
	s26 =	simm.s32 $0xA070;
	v22 =	vmul.f32 v16, v10;
	v21 =	vmul.f32 v18, v9;
	v18 =	vsub.f32 $1.500000000e+00, v23  }
.LBB2_40:
0x1cd: {  	v23 =	vld [tilespmem:s26+$0x0];
	s1 =	sadd.s32 $0x20, s1;
	v17 =	vmul.f32 v17, v11;
	v19 =	vsub.f32 $1.500000000e+00, v19;
	vm1 =	vgt.f32 v2, $0.0e+00;
	v2 =	vmovc v4;
	v4 =	vmovc v8  }
0x1ce: {  	v8 =	vmul.f32 v15, v20;
	v24 =	vld [tilespmem:s26+$0xFFFFFFF0];
	p1 =	slt.u32 s1, $0x260;
	v20 =	vsub.f32 $1.500000000e+00, v21;
	v13 =	vmul.f32 v18, v13  }
0x1cf: {  	vm2 =	vgt.f32 v1, $0.0e+00;
	v1 =	vmovc v3;
	v3 =	vmovc v7;
	v18 =	vmul.f32 v16, v22;
	v14 =	vmul.f32 v19, v14  }
0x1d0: {  	v7 =	vsub.f32 $1.500000000e+00, v8;
	v17 =	vsub.f32 $1.500000000e+00, v17;
	v8 =	vnsel vm1, $0x0, v13  }
0x1d1: {  	v18 =	vsub.f32 $1.500000000e+00, v18;
	v13 =	vmul.f32 v20, v9;
	v19 =	vnsel vm2, $0x0, v14;
	[tilespmem:s23+$0x0] =	vst v8  }
0x1d2: {  	v9 =	vmul.f32 v15, v7;
	v14 =	vmul.f32 v17, v11;
	v8 =	vadd.f32 $1.000000000e+00, v23;
	[tilespmem:s23+$0xFFFFFFF0] =	vst v19;
	s23 =	smov.u32 s31;
	s31 =	smov.u32 s15;
	s15 =	smov.u32 s26  }
0x1d3: {  	v11 =	vmul.f32 v16, v18;
	v16 =	vmul.f32 v13, v5;
	v5 =	vmovc v12;
	v7 =	vadd.f32 $1.000000000e+00, v24  }
.Ltmp19:
0x1d4: {  	v18 =	vmul.f32 v9, v5;
	v19 =	vmul.f32 v14, v6;
	v6 =	vmovc v10;
	v12 =	vshrl.u32 v8, $0x1;
	(pc) =	sbr.rel @p1 .LBB2_40-.Ltmp19, $4  }
0x1d5: {  	v17 =	vmul.f32 v11, v6;
	v15 =	vsub.s32 $0x5F3759DF, v12;
	v12 =	vmul.f32 $5.000000000e-01, v8  }
0x1d6: {  	v23 =	vmul.f32 v16, v13;
	v20 =	vshrl.u32 v7, $0x1;
	v10 =	vmul.f32 $5.000000000e-01, v7  }
0x1d7: {  	v19 =	vmul.f32 v19, v14;
	v16 =	vsub.s32 $0x5F3759DF, v20;
	v20 =	vmul.f32 v15, v12  }
0x1d8: {  	s26 =	sadd.s32 $0x20, s26;
	v21 =	vmul.f32 v18, v9;
	v18 =	vsub.f32 $1.500000000e+00, v23;
	v22 =	vmul.f32 v16, v10  }
0x1d9: {  	v20 =	vmul.f32 v15, v20  }
0x1da: {  	v22 =	vmul.f32 v16, v22  }
0x1db: {  	v20 =	vsub.f32 $1.500000000e+00, v20  }
0x1dc: {  	v22 =	vsub.f32 $1.500000000e+00, v22  }
0x1dd: {  	v56 =	vmul.f32 v15, v20  }
0x1de: {  	v57 =	vmul.f32 v16, v22  }
0x1df: {  	v20 =	vmul.f32 v56, v12  }
0x1e0: {  	v17 =	vmul.f32 v17, v11;
	v22 =	vmul.f32 v57, v10  }
0x1e1: {  	v21 =	vsub.f32 $1.500000000e+00, v21;
	v20 =	vmul.f32 v20, v56  }
0x1e2: {  	v17 =	vsub.f32 $1.500000000e+00, v17;
	v22 =	vmul.f32 v22, v57  }
0x1e3: {  	v9 =	vmul.f32 v21, v9;
	v58 =	vsub.f32 $1.500000000e+00, v20  }
0x1e4: {  	v13 =	vmul.f32 v18, v13;
	v59 =	vmul.f32 v17, v11;
	v60 =	vsub.f32 $1.500000000e+00, v22  }
0x1e5: {  	v5 =	vmul.f32 v9, v5;
	v15 =	vmul.f32 v58, v56  }
0x1e6: {  	v19 =	vsub.f32 $1.500000000e+00, v19;
	v6 =	vmul.f32 v59, v6;
	v16 =	vmul.f32 v60, v57  }
0x1e7: {  	vm1 =	vgt.f32 v2, $0.0e+00;
	v5 =	vmul.f32 v5, v9;
	v61 =	vmul.f32 v15, v12  }
0x1e8: {  	vm2 =	vgt.f32 v1, $0.0e+00;
	v2 =	vmul.f32 v6, v59;
	v6 =	vmul.f32 v16, v10  }
0x1e9: {  	v14 =	vmul.f32 v19, v14;
	v1 =	vsub.f32 $1.500000000e+00, v5;
	v5 =	vmul.f32 v61, v15  }
0x1ea: {  	v62 =	vnsel vm1, $0x0, v13;
	v2 =	vsub.f32 $1.500000000e+00, v2;
	v6 =	vmul.f32 v6, v16  }
0x1eb: {  	vm1 =	vgt.f32 v4, $0.0e+00;
	v1 =	vmul.f32 v1, v9;
	v5 =	vsub.f32 $1.500000000e+00, v5  }
0x1ec: {  	v63 =	vnsel vm2, $0x0, v14;
	[tilespmem:s23+$0x0] =	vst v62;
	v2 =	vmul.f32 v2, v59;
	v4 =	vsub.f32 $1.500000000e+00, v6  }
0x1ed: {  	vm2 =	vgt.f32 v3, $0.0e+00;
	[tilespmem:s23+$0xFFFFFFF0] =	vst v63;
	v1 =	vnsel vm1, $0x0, v1;
	v3 =	vmul.f32 v5, v15  }
0x1ee: {  	vm1 =	vgt.f32 v8, $0.0e+00;
	v2 =	vnsel vm2, $0x0, v2;
	[tilespmem:s31+$0x0] =	vst v1;
	v1 =	vmul.f32 v4, v16  }
0x1ef: {  	vm2 =	vgt.f32 v7, $0.0e+00;
	[tilespmem:s31+$0xFFFFFFF0] =	vst v2;
	v2 =	vnsel vm1, $0x0, v3  }
0x1f0: {  	v1 =	vnsel vm2, $0x0, v1;
	[tilespmem:s15+$0x0] =	vst v2  }
0x1f1: {  	[tilespmem:s15+$0xFFFFFFF0] =	vst v1  }
0x1f2: {  	s26 =	simm.s32 $0x100;
	s31 =	simm.s32 $0xA000;
	s1 =	rddreg [dreg:$0x19]  }
0x1f3: {  	[spmem:s1] =	stream.strided.scatter [tilespmem:s31], [sflag:$0x4], $0x280, s26, s16, $0x38;
	[tilespmem:$0x14900] =	vst v63  }
0x1f4: {  	_ =	swait.ge [sflag:s24], $0x280  }
0x1f5: {  	[sflag:s24] =	ssyncset.done $0x0  }
0x1f6: {  	[sflag:s24] =	ssyncadd.s32 $0xFFFFFD80  }
0x1f7: {  	[bflag:$0x0] =	sbarrier.arrive $0xFFFF  }
0x1f8: {  	[tilespmem:s20], [sflag:$0x4] =	stream.strided.gather [spmem:s12], $0x2800, s26, s16, $0x38;
	[tilespmem:$0x14900] =	vst v63  }
0x1f9: {  	_ =	swait.ge [sflag:s24], $0x2800  }
0x1fa: {  	s23 =	simm.s32 @!p0 $0x7800;
	s15 =	simm.s32 @!p0 $0x100;
	[sflag:s24] =	ssyncset.done $0x0  }
0x1fb: {  	s1 =	simm.s32 @!p0 $0x80;
	s26 =	rddreg [dreg:$0x11];
	[sflag:s24] =	ssyncadd.s32 $0xFFFFD800  }
0x1fc: {  	[hbm4b:s26+s1] =	stream.strided.scatter @!p0 [tilespmem:s23], [sflag:$0x4], $0x2800, s15, s1, $0x38;
	[tilespmem:$0x14900] =	vst v63  }
0x1fd: {  	s1 =	simm.s32 @!p0 $0x4  }
0x1fe: {  	_ =	swait.ge @!p0 [sflag:s1], $0x2800  }
0x1ff: {  	[sflag:s1] =	ssyncset.done @!p0 $0x0  }
0x200: {  	[sflag:s1] =	ssyncadd.s32 @!p0 $0xFFFFD800  }
0x201: {  	_ =	swait.ge [sflag:s28], $0x2780  }
0x202: {  	[sflag:s28] =	ssyncset.done $0x0  }
0x203: {  	s1 =	simm.s32 $0xA520;
	[sflag:s28] =	ssyncadd.s32 $0xFFFFD880  }
0x204: {  	s15 =	simm.s32 $0x7820;
	v6 =	vld [tilespmem:s1+$0x10]  }
0x205: {  	v7 =	vld [tilespmem:s15+$0x10]  }
0x206: {  	v3 =	vld [tilespmem:s15+$0xFFFFFFE0]  }
0x207: {  	v1 =	vld [tilespmem:s1+$0xFFFFFFF0]  }
0x208: {  	v5 =	vld [tilespmem:s15+$0xFFFFFFF0]  }
0x209: {  	v2 =	vld [tilespmem:s1+$0x0]  }
0x20a: {  	v4 =	vld [tilespmem:s15+$0x0];
	v7 =	vmul.f32 v7, v6  }
0x20b: {  	s23 =	simm.s32 $0x0;
	s26 =	simm.s32 $0xA560;
	v6 =	vld [tilespmem:s1+$0xFFFFFFE0]  }
.LBB2_42:
0x20c: {  	v8 =	vld [tilespmem:s26+$0x10];
	[tilespmem:s1+$0x10] =	vst v7;
	s15 =	sadd.s32 $0x40, s15  }
0x20d: {  	s23 =	sadd.s32 $0x40, s23;
	v7 =	vld [tilespmem:s15+$0x10];
	v5 =	vmul.f32 v5, v1  }
0x20e: {  	p1 =	slt.u32 s23, $0x26C0;
	v9 =	vld [tilespmem:s15+$0xFFFFFFE0]  }
.Ltmp20:
0x20f: {  	v1 =	vld [tilespmem:s26+$0xFFFFFFF0];
	[tilespmem:s1+$0xFFFFFFF0] =	vst v5;
	v4 =	vmul.f32 v4, v2;
	(pc) =	sbr.rel @p1 .LBB2_42-.Ltmp20, $4  }
0x210: {  	v5 =	vld [tilespmem:s15+$0xFFFFFFF0];
	v10 =	vmul.f32 v3, v6  }
0x211: {  	v2 =	vld [tilespmem:s26+$0x0];
	[tilespmem:s1+$0x0] =	vst v4  }
0x212: {  	v4 =	vld [tilespmem:s15+$0x0];
	v7 =	vmul.f32 v7, v8;
	[tilespmem:s1+$0xFFFFFFE0] =	vst v10;
	s1 =	smov.u32 s26  }
0x213: {  	s26 =	sadd.s32 $0x40, s26;
	v6 =	vld [tilespmem:s1+$0xFFFFFFE0];
	v3 =	vmov v9  }
0x214: {  	_ =	sdelay $0x1  }
0x215: {  	v1 =	vmul.f32 v5, v1  }
0x216: {  	[tilespmem:s1+$0x10] =	vst v7;
	v2 =	vmul.f32 v4, v2  }
0x217: {  	[tilespmem:s1+$0xFFFFFFF0] =	vst v1;
	v1 =	vmul.f32 v3, v6  }
0x218: {  	[tilespmem:s1+$0x0] =	vst v2  }
0x219: {  	[tilespmem:s1+$0xFFFFFFE0] =	vst v1  }
0x21a: {  	v1 =	vld [tilespmem:$0xCC00]  }
0x21b: {  	v2 =	vld [tilespmem:$0x9F00];
	_ =	sdelay $0x4  }
0x21c: {  	v1 =	vmul.f32 v2, v1;
	_ =	sdelay $0x1  }
0x21d: {  	[tilespmem:$0xCC00] =	vst v1  }
0x21e: {  	_ =	swait.ge [sflag:s19], $0x1388  }
0x21f: {  	[sflag:s19] =	ssyncset.done $0x0  }
0x220: {  	[sflag:s19] =	ssyncadd.s32 $0xFFFFEC78  }
0x221: {  	_ =	swait.ge [sflag:s19], $0x1388  }
0x222: {  	[sflag:s19] =	ssyncset.done $0x0  }
0x223: {  	[sflag:s19] =	ssyncadd.s32 $0xFFFFEC78  }
0x224: {  	_ =	swait.ge [sflag:s19], $0x1388  }
0x225: {  	[sflag:s19] =	ssyncset.done $0x0  }
0x226: {  	s23 =	simm.s32 $0x10;
	[sflag:s19] =	ssyncadd.s32 $0xFFFFEC78  }
0x227: {  	v2 =	vld [tilespmem:s23+$0x0]  }
0x228: {  	s15 =	simm.s32 $0x1410  }
0x229: {  	v4 =	vld [tilespmem:s15+$0x0];
	_ =	sdelay $0x2  }
0x22a: {  	v3 =	vld [tilespmem:s23+$0xFFFFFFF0]  }
0x22b: {  	s26 =	simm.s32 $0x2810;
	v1 =	vld [tilespmem:s15+$0xFFFFFFF0]  }
0x22c: {  	v6 =	vld [tilespmem:s26+$0x0]  }
0x22d: {  	s23 =	simm.s32 $0x30;
	v5 =	vld.idx.msk [tilespmem:v2+s18+$0x0], $0xffff  }
0x22e: {  	v8 =	vld [tilespmem:s23+$0x0]  }
0x22f: {  	v7 =	vld.idx.msk [tilespmem:v4+s20+$0x0], $0xffff  }
0x230: {  	s1 =	simm.s32 $0x1430;
	v10 =	vld [tilespmem:s23+$0xFFFFFFF0]  }
0x231: {  	v2 =	vld [tilespmem:s1+$0x0]  }
0x232: {  	v9 =	vld.idx.msk [tilespmem:v3+s18+$0x0], $0xffff;
	v5 =	vmul.f32 v5, v6  }
0x233: {  	v6 =	vld [tilespmem:s26+$0xFFFFFFF0]  }
0x234: {  	v3 =	vld [tilespmem:s1+$0xFFFFFFF0];
	v5 =	vmul.f32 v7, v5  }
0x235: {  	v11 =	vld.idx.msk [tilespmem:v1+s20+$0x0], $0xffff  }
0x236: {  	[tilespmem:v4+s29+$0x0] =	vst.idx.add.f32.msk $0xffff, v5  }
0x237: {  	s15 =	simm.s32 $0x2830;
	v5 =	vld.idx.msk [tilespmem:v8+s18+$0x0], $0xffff  }
0x238: {  	v8 =	vld [tilespmem:s15+$0x0];
	v6 =	vmul.f32 v9, v6  }
0x239: {  	v7 =	vld.idx.msk [tilespmem:v2+s20+$0x0], $0xffff  }
0x23a: {  	s31 =	simm.s32 $0x3C00;
	s23 =	simm.s32 $0x20;
	s26 =	simm.s32 $0x50;
	v4 =	vld.idx.msk [tilespmem:v10+s18+$0x0], $0xffff;
	v6 =	vmul.f32 v11, v6  }
.LBB2_44:
0x23b: {  	v9 =	vld [tilespmem:s26+$0x0];
	s23 =	sadd.s32 $0x20, s23  }
0x23c: {  	s1 =	sadd.s32 $0x20, s1;
	v10 =	vld [tilespmem:s26+$0xFFFFFFF0];
	p1 =	slt.u32 s23, $0x1360  }
0x23d: {  	v11 =	vld [tilespmem:s1+$0x0];
	v5 =	vmul.f32 v5, v8  }
0x23e: {  	v8 =	vld [tilespmem:s1+$0xFFFFFFF0]  }
0x23f: {  	v12 =	vld [tilespmem:s15+$0xFFFFFFF0];
	v5 =	vmul.f32 v7, v5  }
0x240: {  	v13 =	vld.idx.msk [tilespmem:v3+s20+$0x0], $0xffff  }
0x241: {  	[tilespmem:v2+s29+$0x0] =	vst.idx.add.f32.msk $0xffff, v5  }
.Ltmp21:
0x242: {  	[tilespmem:v1+s29+$0x0] =	vst.idx.add.f32.msk $0xffff, v6;
	v2 =	vmov v11;
	v1 =	vmov v3;
	(pc) =	sbr.rel @p1 .LBB2_44-.Ltmp21, $4  }
0x243: {  	s15 =	sadd.s32 $0x20, s15;
	v5 =	vld.idx.msk [tilespmem:v9+s18+$0x0], $0xffff;
	v3 =	vmov v8  }
0x244: {  	v8 =	vld [tilespmem:s15+$0x0];
	v6 =	vmul.f32 v4, v12  }
0x245: {  	v7 =	vld.idx.msk [tilespmem:v11+s20+$0x0], $0xffff  }
0x246: {  	s26 =	sadd.s32 $0x20, s26;
	v4 =	vld.idx.msk [tilespmem:v10+s18+$0x0], $0xffff;
	v6 =	vmul.f32 v13, v6  }
0x247: {  	_ =	sdelay $0x1  }
0x248: {  	v9 =	vld [tilespmem:s15+$0xFFFFFFF0];
	_ =	sdelay $0x1  }
0x249: {  	v10 =	vld.idx.msk [tilespmem:v3+s20+$0x0], $0xffff  }
0x24a: {  	v5 =	vmul.f32 v5, v8;
	_ =	sdelay $0x1  }
0x24b: {  	v5 =	vmul.f32 v7, v5;
	v4 =	vmul.f32 v4, v9;
	_ =	sdelay $0x1  }
0x24c: {  	[tilespmem:v2+s29+$0x0] =	vst.idx.add.f32.msk $0xffff, v5;
	v2 =	vmul.f32 v10, v4  }
0x24d: {  	[tilespmem:v1+s29+$0x0] =	vst.idx.add.f32.msk $0xffff, v6  }
0x24e: {  	[tilespmem:v3+s29+$0x0] =	vst.idx.add.f32.msk $0xffff, v2  }
0x24f: {  	v1 =	vld [tilespmem:$0x1380];
	_ =	sdelay $0x1  }
0x250: {  	v2 =	vld [tilespmem:$0x2780];
	_ =	sdelay $0x2  }
0x251: {  	v1 =	vnsel vm0, $0x0, v1;
	_ =	sdelay $0x1  }
0x252: {  	v2 =	vnsel vm0, $0x0, v2;
	_ =	sdelay $0x1  }
0x253: {  	v3 =	vld [tilespmem:$0x3B80]  }
0x254: {  	v1 =	vld.idx.msk [tilespmem:v1+s18+$0x0], $0xffff;
	_ =	sdelay $0x1  }
0x255: {  	v4 =	vld.idx.msk [tilespmem:v2+s20+$0x0], $0xffff;
	_ =	sdelay $0x1  }
0x256: {  	v3 =	vnsel vm0, $0x0, v3  }
0x257: {  	v1 =	vmul.f32 v1, v3;
	_ =	sdelay $0x1  }
0x258: {  	v1 =	vmul.f32 v4, v1;
	_ =	sdelay $0x1  }
0x259: {  	s1 =	rddreg [dreg:$0x12];
	[tilespmem:v2+s29+$0x0] =	vst.idx.add.f32.msk $0xffff, v1  }
0x25a: {  	[tilespmem:s0], [sflag:$0x1] =	stream.linear.gather [hbm4b:s1+s0], $0x1388, $0x38;
	[tilespmem:$0x14900] =	vst v63  }
0x25b: {  	s23 =	rddreg [dreg:$0x13]  }
0x25c: {  	[tilespmem:s10], [sflag:$0x1] =	stream.linear.gather [hbm4b:s23+s0], $0x1388, $0x38;
	[tilespmem:$0x14900] =	vst v63  }
0x25d: {  	s26 =	rddreg [dreg:$0x14]  }
0x25e: {  	[tilespmem:s11], [sflag:$0x1] =	stream.linear.gather [hbm4b:s26+s0], $0x1388, $0x38;
	[tilespmem:$0x14900] =	vst v63  }
0x25f: {  	_ =	swait.ge [sflag:s21], $0x1388  }
0x260: {  	[sflag:s21] =	ssyncset.done $0x0  }
0x261: {  	[sflag:s21] =	ssyncadd.s32 $0xFFFFEC78  }
0x262: {  	_ =	swait.ge [sflag:s21], $0x1388  }
0x263: {  	[sflag:s21] =	ssyncset.done $0x0  }
0x264: {  	[sflag:s21] =	ssyncadd.s32 $0xFFFFEC78  }
0x265: {  	_ =	swait.ge [sflag:s21], $0x1388  }
0x266: {  	[sflag:s21] =	ssyncset.done $0x0  }
0x267: {  	s15 =	simm.s32 $0x3C10;
	[sflag:s21] =	ssyncadd.s32 $0xFFFFEC78  }
0x268: {  	v2 =	vld [tilespmem:s15+$0x0]  }
0x269: {  	s23 =	simm.s32 $0x5010  }
0x26a: {  	v4 =	vld [tilespmem:s23+$0x0];
	_ =	sdelay $0x2  }
0x26b: {  	v3 =	vld [tilespmem:s15+$0xFFFFFFF0]  }
0x26c: {  	s26 =	simm.s32 $0x6410;
	v1 =	vld [tilespmem:s23+$0xFFFFFFF0]  }
0x26d: {  	v6 =	vld [tilespmem:s26+$0x0]  }
0x26e: {  	s23 =	simm.s32 $0x3C30;
	v5 =	vld.idx.msk [tilespmem:v2+s18+$0x0], $0xffff  }
0x26f: {  	v8 =	vld [tilespmem:s23+$0x0]  }
0x270: {  	v7 =	vld.idx.msk [tilespmem:v4+s20+$0x0], $0xffff  }
0x271: {  	s1 =	simm.s32 $0x5030;
	v10 =	vld [tilespmem:s23+$0xFFFFFFF0]  }
0x272: {  	v2 =	vld [tilespmem:s1+$0x0]  }
0x273: {  	v9 =	vld.idx.msk [tilespmem:v3+s18+$0x0], $0xffff;
	v5 =	vmul.f32 v5, v6  }
0x274: {  	v6 =	vld [tilespmem:s26+$0xFFFFFFF0]  }
0x275: {  	v3 =	vld [tilespmem:s1+$0xFFFFFFF0];
	v5 =	vmul.f32 v7, v5  }
0x276: {  	v11 =	vld.idx.msk [tilespmem:v1+s20+$0x0], $0xffff  }
0x277: {  	[tilespmem:v4+s29+$0x0] =	vst.idx.add.f32.msk $0xffff, v5  }
0x278: {  	s15 =	simm.s32 $0x6430;
	v5 =	vld.idx.msk [tilespmem:v8+s18+$0x0], $0xffff  }
0x279: {  	v8 =	vld [tilespmem:s15+$0x0];
	v6 =	vmul.f32 v9, v6  }
0x27a: {  	v7 =	vld.idx.msk [tilespmem:v2+s20+$0x0], $0xffff  }
0x27b: {  	s23 =	simm.s32 $0x20;
	s26 =	simm.s32 $0x3C50;
	v4 =	vld.idx.msk [tilespmem:v10+s18+$0x0], $0xffff;
	v6 =	vmul.f32 v11, v6  }
.LBB2_46:
0x27c: {  	v9 =	vld [tilespmem:s26+$0x0];
	s23 =	sadd.s32 $0x20, s23  }
0x27d: {  	s1 =	sadd.s32 $0x20, s1;
	v10 =	vld [tilespmem:s26+$0xFFFFFFF0];
	p1 =	slt.u32 s23, $0x1360  }
0x27e: {  	v11 =	vld [tilespmem:s1+$0x0];
	v5 =	vmul.f32 v5, v8  }
0x27f: {  	v8 =	vld [tilespmem:s1+$0xFFFFFFF0]  }
0x280: {  	v12 =	vld [tilespmem:s15+$0xFFFFFFF0];
	v5 =	vmul.f32 v7, v5  }
0x281: {  	v13 =	vld.idx.msk [tilespmem:v3+s20+$0x0], $0xffff  }
0x282: {  	[tilespmem:v2+s29+$0x0] =	vst.idx.add.f32.msk $0xffff, v5  }
.Ltmp22:
0x283: {  	[tilespmem:v1+s29+$0x0] =	vst.idx.add.f32.msk $0xffff, v6;
	v2 =	vmov v11;
	v1 =	vmov v3;
	(pc) =	sbr.rel @p1 .LBB2_46-.Ltmp22, $4  }
0x284: {  	s15 =	sadd.s32 $0x20, s15;
	v5 =	vld.idx.msk [tilespmem:v9+s18+$0x0], $0xffff;
	v3 =	vmov v8  }
0x285: {  	v8 =	vld [tilespmem:s15+$0x0];
	v6 =	vmul.f32 v4, v12  }
0x286: {  	v7 =	vld.idx.msk [tilespmem:v11+s20+$0x0], $0xffff  }
0x287: {  	s26 =	sadd.s32 $0x20, s26;
	v4 =	vld.idx.msk [tilespmem:v10+s18+$0x0], $0xffff;
	v6 =	vmul.f32 v13, v6  }
0x288: {  	_ =	sdelay $0x1  }
0x289: {  	v9 =	vld [tilespmem:s15+$0xFFFFFFF0];
	_ =	sdelay $0x1  }
0x28a: {  	v10 =	vld.idx.msk [tilespmem:v3+s20+$0x0], $0xffff  }
0x28b: {  	v5 =	vmul.f32 v5, v8;
	_ =	sdelay $0x1  }
0x28c: {  	v5 =	vmul.f32 v7, v5;
	v4 =	vmul.f32 v4, v9;
	_ =	sdelay $0x1  }
0x28d: {  	[tilespmem:v2+s29+$0x0] =	vst.idx.add.f32.msk $0xffff, v5;
	v2 =	vmul.f32 v10, v4  }
0x28e: {  	[tilespmem:v1+s29+$0x0] =	vst.idx.add.f32.msk $0xffff, v6  }
0x28f: {  	[tilespmem:v3+s29+$0x0] =	vst.idx.add.f32.msk $0xffff, v2  }
0x290: {  	v1 =	vld [tilespmem:$0x4F80];
	_ =	sdelay $0x1  }
0x291: {  	v2 =	vld [tilespmem:$0x6380];
	_ =	sdelay $0x2  }
0x292: {  	v1 =	vnsel vm0, $0x0, v1;
	_ =	sdelay $0x1  }
0x293: {  	v2 =	vnsel vm0, $0x0, v2;
	_ =	sdelay $0x1  }
0x294: {  	v3 =	vld [tilespmem:$0x7780]  }
0x295: {  	v1 =	vld.idx.msk [tilespmem:v1+s18+$0x0], $0xffff;
	_ =	sdelay $0x1  }
0x296: {  	v4 =	vld.idx.msk [tilespmem:v2+s20+$0x0], $0xffff;
	_ =	sdelay $0x1  }
0x297: {  	v3 =	vnsel vm0, $0x0, v3  }
0x298: {  	v1 =	vmul.f32 v1, v3;
	_ =	sdelay $0x1  }
0x299: {  	v1 =	vmul.f32 v4, v1;
	_ =	sdelay $0x1  }
0x29a: {  	s1 =	rddreg [dreg:$0x15];
	[tilespmem:v2+s29+$0x0] =	vst.idx.add.f32.msk $0xffff, v1  }
0x29b: {  	[tilespmem:s31], [sflag:$0x2] =	stream.linear.gather [hbm4b:s1+s0], $0x1388, $0x38;
	[tilespmem:$0x14900] =	vst v63  }
0x29c: {  	s23 =	rddreg [dreg:$0x16]  }
0x29d: {  	[tilespmem:s13], [sflag:$0x2] =	stream.linear.gather [hbm4b:s23+s0], $0x1388, $0x38;
	[tilespmem:$0x14900] =	vst v63  }
0x29e: {  	s26 =	rddreg [dreg:$0x17]  }
0x29f: {  	[tilespmem:s14], [sflag:$0x2] =	stream.linear.gather [hbm4b:s26+s0], $0x1388, $0x38;
	[tilespmem:$0x14900] =	vst v63  }
0x2a0: {  	_ =	swait.ge [sflag:s19], $0x1388  }
0x2a1: {  	[sflag:s19] =	ssyncset.done $0x0  }
0x2a2: {  	[sflag:s19] =	ssyncadd.s32 $0xFFFFEC78  }
0x2a3: {  	_ =	swait.ge [sflag:s19], $0x1388  }
0x2a4: {  	[sflag:s19] =	ssyncset.done $0x0  }
0x2a5: {  	[sflag:s19] =	ssyncadd.s32 $0xFFFFEC78  }
0x2a6: {  	_ =	swait.ge [sflag:s19], $0x1388  }
0x2a7: {  	[sflag:s19] =	ssyncset.done $0x0  }
0x2a8: {  	s15 =	simm.s32 $0x10;
	[sflag:s19] =	ssyncadd.s32 $0xFFFFEC78  }
0x2a9: {  	v2 =	vld [tilespmem:s15+$0x0]  }
0x2aa: {  	s23 =	simm.s32 $0x1410  }
0x2ab: {  	v4 =	vld [tilespmem:s23+$0x0];
	_ =	sdelay $0x2  }
0x2ac: {  	v3 =	vld [tilespmem:s15+$0xFFFFFFF0]  }
0x2ad: {  	s26 =	simm.s32 $0x2810;
	v1 =	vld [tilespmem:s23+$0xFFFFFFF0]  }
0x2ae: {  	v6 =	vld [tilespmem:s26+$0x0]  }
0x2af: {  	s23 =	simm.s32 $0x30;
	v5 =	vld.idx.msk [tilespmem:v2+s18+$0x0], $0xffff  }
0x2b0: {  	v8 =	vld [tilespmem:s23+$0x0]  }
0x2b1: {  	v7 =	vld.idx.msk [tilespmem:v4+s20+$0x0], $0xffff  }
0x2b2: {  	s1 =	simm.s32 $0x1430;
	v10 =	vld [tilespmem:s23+$0xFFFFFFF0]  }
0x2b3: {  	v2 =	vld [tilespmem:s1+$0x0]  }
0x2b4: {  	v9 =	vld.idx.msk [tilespmem:v3+s18+$0x0], $0xffff;
	v5 =	vmul.f32 v5, v6  }
0x2b5: {  	v6 =	vld [tilespmem:s26+$0xFFFFFFF0]  }
0x2b6: {  	v3 =	vld [tilespmem:s1+$0xFFFFFFF0];
	v5 =	vmul.f32 v7, v5  }
0x2b7: {  	v11 =	vld.idx.msk [tilespmem:v1+s20+$0x0], $0xffff  }
0x2b8: {  	[tilespmem:v4+s29+$0x0] =	vst.idx.add.f32.msk $0xffff, v5  }
0x2b9: {  	s15 =	simm.s32 $0x2830;
	v5 =	vld.idx.msk [tilespmem:v8+s18+$0x0], $0xffff  }
0x2ba: {  	v8 =	vld [tilespmem:s15+$0x0];
	v6 =	vmul.f32 v9, v6  }
0x2bb: {  	v7 =	vld.idx.msk [tilespmem:v2+s20+$0x0], $0xffff  }
0x2bc: {  	s23 =	simm.s32 $0x20;
	s26 =	simm.s32 $0x50;
	v4 =	vld.idx.msk [tilespmem:v10+s18+$0x0], $0xffff;
	v6 =	vmul.f32 v11, v6  }
.LBB2_48:
0x2bd: {  	v9 =	vld [tilespmem:s26+$0x0];
	s23 =	sadd.s32 $0x20, s23  }
0x2be: {  	s1 =	sadd.s32 $0x20, s1;
	v10 =	vld [tilespmem:s26+$0xFFFFFFF0];
	p1 =	slt.u32 s23, $0x1360  }
0x2bf: {  	v11 =	vld [tilespmem:s1+$0x0];
	v5 =	vmul.f32 v5, v8  }
0x2c0: {  	v8 =	vld [tilespmem:s1+$0xFFFFFFF0]  }
0x2c1: {  	v12 =	vld [tilespmem:s15+$0xFFFFFFF0];
	v5 =	vmul.f32 v7, v5  }
0x2c2: {  	v13 =	vld.idx.msk [tilespmem:v3+s20+$0x0], $0xffff  }
0x2c3: {  	[tilespmem:v2+s29+$0x0] =	vst.idx.add.f32.msk $0xffff, v5  }
.Ltmp23:
0x2c4: {  	[tilespmem:v1+s29+$0x0] =	vst.idx.add.f32.msk $0xffff, v6;
	v2 =	vmov v11;
	v1 =	vmov v3;
	(pc) =	sbr.rel @p1 .LBB2_48-.Ltmp23, $4  }
0x2c5: {  	s15 =	sadd.s32 $0x20, s15;
	v5 =	vld.idx.msk [tilespmem:v9+s18+$0x0], $0xffff;
	v3 =	vmov v8  }
0x2c6: {  	v8 =	vld [tilespmem:s15+$0x0];
	v6 =	vmul.f32 v4, v12  }
0x2c7: {  	v7 =	vld.idx.msk [tilespmem:v11+s20+$0x0], $0xffff  }
0x2c8: {  	s26 =	sadd.s32 $0x20, s26;
	v4 =	vld.idx.msk [tilespmem:v10+s18+$0x0], $0xffff;
	v6 =	vmul.f32 v13, v6  }
0x2c9: {  	_ =	sdelay $0x1  }
0x2ca: {  	v9 =	vld [tilespmem:s15+$0xFFFFFFF0];
	_ =	sdelay $0x1  }
0x2cb: {  	v10 =	vld.idx.msk [tilespmem:v3+s20+$0x0], $0xffff  }
0x2cc: {  	v5 =	vmul.f32 v5, v8;
	_ =	sdelay $0x1  }
0x2cd: {  	v5 =	vmul.f32 v7, v5;
	v4 =	vmul.f32 v4, v9;
	_ =	sdelay $0x1  }
0x2ce: {  	[tilespmem:v2+s29+$0x0] =	vst.idx.add.f32.msk $0xffff, v5;
	v2 =	vmul.f32 v10, v4  }
0x2cf: {  	[tilespmem:v1+s29+$0x0] =	vst.idx.add.f32.msk $0xffff, v6  }
0x2d0: {  	[tilespmem:v3+s29+$0x0] =	vst.idx.add.f32.msk $0xffff, v2  }
0x2d1: {  	v1 =	vld [tilespmem:$0x1380];
	_ =	sdelay $0x1  }
0x2d2: {  	v2 =	vld [tilespmem:$0x2780];
	_ =	sdelay $0x2  }
0x2d3: {  	v1 =	vnsel vm0, $0x0, v1;
	_ =	sdelay $0x1  }
0x2d4: {  	v2 =	vnsel vm0, $0x0, v2;
	_ =	sdelay $0x1  }
0x2d5: {  	v3 =	vld [tilespmem:$0x3B80]  }
0x2d6: {  	v1 =	vld.idx.msk [tilespmem:v1+s18+$0x0], $0xffff;
	_ =	sdelay $0x1  }
0x2d7: {  	v4 =	vld.idx.msk [tilespmem:v2+s20+$0x0], $0xffff;
	_ =	sdelay $0x1  }
0x2d8: {  	v3 =	vnsel vm0, $0x0, v3  }
0x2d9: {  	v1 =	vmul.f32 v1, v3;
	_ =	sdelay $0x1  }
0x2da: {  	v1 =	vmul.f32 v4, v1;
	_ =	sdelay $0x1  }
0x2db: {  	[tilespmem:v2+s29+$0x0] =	vst.idx.add.f32.msk $0xffff, v1  }
0x2dc: {  	_ =	swait.ge [sflag:s21], $0x1388  }
0x2dd: {  	[sflag:s21] =	ssyncset.done $0x0  }
0x2de: {  	[sflag:s21] =	ssyncadd.s32 $0xFFFFEC78  }
0x2df: {  	_ =	swait.ge [sflag:s21], $0x1388  }
0x2e0: {  	[sflag:s21] =	ssyncset.done $0x0  }
0x2e1: {  	[sflag:s21] =	ssyncadd.s32 $0xFFFFEC78  }
0x2e2: {  	_ =	swait.ge [sflag:s21], $0x1388  }
0x2e3: {  	[sflag:s21] =	ssyncset.done $0x0  }
0x2e4: {  	s1 =	simm.s32 $0x3C10;
	[sflag:s21] =	ssyncadd.s32 $0xFFFFEC78  }
0x2e5: {  	v2 =	vld [tilespmem:s1+$0x0]  }
0x2e6: {  	s23 =	simm.s32 $0x5010  }
0x2e7: {  	v4 =	vld [tilespmem:s23+$0x0];
	_ =	sdelay $0x2  }
0x2e8: {  	v3 =	vld [tilespmem:s1+$0xFFFFFFF0]  }
0x2e9: {  	s26 =	simm.s32 $0x6410;
	v1 =	vld [tilespmem:s23+$0xFFFFFFF0]  }
0x2ea: {  	v6 =	vld [tilespmem:s26+$0x0]  }
0x2eb: {  	s23 =	simm.s32 $0x3C30;
	v5 =	vld.idx.msk [tilespmem:v2+s18+$0x0], $0xffff  }
0x2ec: {  	v8 =	vld [tilespmem:s23+$0x0]  }
0x2ed: {  	v7 =	vld.idx.msk [tilespmem:v4+s20+$0x0], $0xffff  }
0x2ee: {  	s1 =	simm.s32 $0x5030;
	v10 =	vld [tilespmem:s23+$0xFFFFFFF0]  }
0x2ef: {  	v2 =	vld [tilespmem:s1+$0x0]  }
0x2f0: {  	v9 =	vld.idx.msk [tilespmem:v3+s18+$0x0], $0xffff;
	v5 =	vmul.f32 v5, v6  }
0x2f1: {  	v6 =	vld [tilespmem:s26+$0xFFFFFFF0]  }
0x2f2: {  	v3 =	vld [tilespmem:s1+$0xFFFFFFF0];
	v5 =	vmul.f32 v7, v5  }
0x2f3: {  	v11 =	vld.idx.msk [tilespmem:v1+s20+$0x0], $0xffff  }
0x2f4: {  	[tilespmem:v4+s29+$0x0] =	vst.idx.add.f32.msk $0xffff, v5  }
0x2f5: {  	s15 =	simm.s32 $0x6430;
	v5 =	vld.idx.msk [tilespmem:v8+s18+$0x0], $0xffff  }
0x2f6: {  	v8 =	vld [tilespmem:s15+$0x0];
	v6 =	vmul.f32 v9, v6  }
0x2f7: {  	v7 =	vld.idx.msk [tilespmem:v2+s20+$0x0], $0xffff  }
0x2f8: {  	s23 =	simm.s32 $0x20;
	s26 =	simm.s32 $0x3C50;
	v4 =	vld.idx.msk [tilespmem:v10+s18+$0x0], $0xffff;
	v6 =	vmul.f32 v11, v6  }
.LBB2_50:
0x2f9: {  	v9 =	vld [tilespmem:s26+$0x0];
	s23 =	sadd.s32 $0x20, s23  }
0x2fa: {  	s1 =	sadd.s32 $0x20, s1;
	v10 =	vld [tilespmem:s26+$0xFFFFFFF0];
	p1 =	slt.u32 s23, $0x1360  }
0x2fb: {  	v11 =	vld [tilespmem:s1+$0x0];
	v5 =	vmul.f32 v5, v8  }
0x2fc: {  	v8 =	vld [tilespmem:s1+$0xFFFFFFF0]  }
0x2fd: {  	v12 =	vld [tilespmem:s15+$0xFFFFFFF0];
	v5 =	vmul.f32 v7, v5  }
0x2fe: {  	v13 =	vld.idx.msk [tilespmem:v3+s20+$0x0], $0xffff  }
0x2ff: {  	[tilespmem:v2+s29+$0x0] =	vst.idx.add.f32.msk $0xffff, v5  }
.Ltmp24:
0x300: {  	[tilespmem:v1+s29+$0x0] =	vst.idx.add.f32.msk $0xffff, v6;
	v2 =	vmov v11;
	v1 =	vmov v3;
	(pc) =	sbr.rel @p1 .LBB2_50-.Ltmp24, $4  }
0x301: {  	s15 =	sadd.s32 $0x20, s15;
	v5 =	vld.idx.msk [tilespmem:v9+s18+$0x0], $0xffff;
	v3 =	vmov v8  }
0x302: {  	v8 =	vld [tilespmem:s15+$0x0];
	v6 =	vmul.f32 v4, v12  }
0x303: {  	v7 =	vld.idx.msk [tilespmem:v11+s20+$0x0], $0xffff  }
0x304: {  	s26 =	sadd.s32 $0x20, s26;
	v4 =	vld.idx.msk [tilespmem:v10+s18+$0x0], $0xffff;
	v6 =	vmul.f32 v13, v6  }
0x305: {  	_ =	sdelay $0x1  }
0x306: {  	v9 =	vld [tilespmem:s15+$0xFFFFFFF0];
	_ =	sdelay $0x1  }
0x307: {  	v10 =	vld.idx.msk [tilespmem:v3+s20+$0x0], $0xffff  }
0x308: {  	v5 =	vmul.f32 v5, v8;
	_ =	sdelay $0x1  }
0x309: {  	v5 =	vmul.f32 v7, v5;
	v4 =	vmul.f32 v4, v9;
	_ =	sdelay $0x1  }
0x30a: {  	[tilespmem:v2+s29+$0x0] =	vst.idx.add.f32.msk $0xffff, v5;
	v2 =	vmul.f32 v10, v4  }
0x30b: {  	[tilespmem:v1+s29+$0x0] =	vst.idx.add.f32.msk $0xffff, v6  }
0x30c: {  	[tilespmem:v3+s29+$0x0] =	vst.idx.add.f32.msk $0xffff, v2  }
0x30d: {  	v1 =	vld [tilespmem:$0x4F80];
	_ =	sdelay $0x1  }
0x30e: {  	v2 =	vld [tilespmem:$0x6380];
	_ =	sdelay $0x2  }
0x30f: {  	v1 =	vnsel vm0, $0x0, v1;
	_ =	sdelay $0x1  }
0x310: {  	v2 =	vnsel vm0, $0x0, v2;
	_ =	sdelay $0x1  }
0x311: {  	v3 =	vld [tilespmem:$0x7780]  }
0x312: {  	v1 =	vld.idx.msk [tilespmem:v1+s18+$0x0], $0xffff;
	_ =	sdelay $0x1  }
0x313: {  	v63 =	vld.idx.msk [tilespmem:v2+s20+$0x0], $0xffff;
	_ =	sdelay $0x1  }
0x314: {  	v3 =	vnsel vm0, $0x0, v3  }
0x315: {  	v1 =	vmul.f32 v1, v3;
	_ =	sdelay $0x1  }
0x316: {  	v1 =	vmul.f32 v63, v1;
	_ =	sdelay $0x1  }
0x317: {  	s1 =	rddreg [dreg:$0x1a];
	[tilespmem:v2+s29+$0x0] =	vst.idx.add.f32.msk $0xffff, v1  }
0x318: {  	[hbm4b:s1+s16] =	stream.strided.scatter [tilespmem:s29], [sflag:$0x4], $0x2780, s17, s16, $0x38;
	[tilespmem:$0x14900] =	vst v63  }
0x319: {  	_ =	swait.ge [sflag:s24], $0x2780  }
0x31a: {  	s30 =	sadd.s32 $0x1, s30;
	s26 =	rddreg [dreg:$0x1b]  }
0x31b: {  	p1 =	sne.s32 s30, s26  }
.Ltmp25:
0x31c: {  	_ = 	snop;
	(pc) =	sbr.rel @p1 .LBB2_1-.Ltmp25, $3  }
0x31d: {  	_ =	sdelay $0x1  }
0x31e: {  	[sflag:s24] =	ssyncset.done $0x0  }
0x31f: {  	[sflag:s24] =	ssyncadd.s32 $0xFFFFD880  }
0x320: {  	_ =	sfence.sel $0x180000  }
0x321: {  	[bflag:$0x0] =	sbarrier.arrive $0xFFFF  }
0x322: {  	_ =	strace $0x90000047  }
0x323: {  	[bflag:$0x2] =	sbarrier.arrive $0xFFFF  }
0x324: {  	s0 =	rddreg [dreg:$0x5]  }
0x325: {  	s0 =	sadd.s32 @!p0 $0x100000, s0  }
0x326: {  	[sflag:s0] =	ssyncadd.tile.s32 @!p0 $0x1;
	_ =	shalt  }
.Lfunc_end2:
_tile_overlayer_lowered:
.L_overlay_start_2:
0x327: {  	(tag) =	ssettag $0x2  }
0x328: {  	s0 =	rddreg [dreg:$0x0];
	s2 =	stileid.u32  }
0x329: {  	s1 =	rddreg [dreg:$0x1];
	p0 =	sne.s32 s2, $0x0  }
0x32a: {  	s3 =	rddreg [dreg:$0x2];
	[bflag:$0x3] =	sbarrier.arrive $0xFFFF;
	s2 =	simm.s32 @!p0 $0x1C04  }
0x32b: {  	[timem:s3], [sflag:s2] =	dma.local @!p0 [hbm:s0], s1  }
0x32c: {  	s0 =	simm.s32 @!p0 $0x4  }
0x32d: {  	_ =	swait.ge @!p0 [sflag:s0], s1  }
0x32e: {  	s1 =	ssub.s32 @!p0 $0x0, s1;
	[sflag:s0] =	ssyncset.done @!p0 $0x0  }
0x32f: {  	[sflag:s0] =	ssyncadd.s32 @!p0 s1  }
0x330: {  	[bflag:$0x3] =	sbarrier.arrive $0xFFFF  }
0x331: {  	_ =	shalt  }

</sc_bundles>
